<compile_context>
chip_gen: v7x
topology: tpu7x:2x2x1
jax: 0.10.2.dev20260603
libtpu: 0.0.44.dev20260713+nightly
codegen_flags: <defaults>
</compile_context>

<pallas_src>
import functools

import jax
import jax.numpy as jnp
from jax import lax
from jax.experimental import pallas as pl
from jax.experimental.pallas import tpu as pltpu
from jax.experimental.pallas import tpu_sc as plsc

B = 16384
NC = 2
NS = 16
NW = NC * NS
B_W = B // NW
L = 16
NV = B_W // L
DIM = 3.0


def _mesh():
    return plsc.VectorSubcoreMesh(core_axis_name="c", subcore_axis_name="s")


@functools.partial(
    pl.kernel,
    mesh=_mesh(),
    out_type=jax.ShapeDtypeStruct((B,), jnp.float32),
    compiler_params=pltpu.CompilerParams(
        use_tc_tiling_on_sc=False,
        needs_layout_passes=False,
    ),
    scratch_types=[
        pltpu.VMEM((B_W,), jnp.int32),
        pltpu.VMEM((B_W,), jnp.float32),
        pltpu.VMEM((B_W,), jnp.float32),
        pltpu.VMEM((B_W,), jnp.float32),
        pltpu.VMEM((B_W,), jnp.float32),
        pltpu.SemaphoreType.DMA,
    ],
)
def _ideal_point_sc(leg_hbm, x0_hbm, x1_hbm, x2_hbm, out_hbm,
                    leg_v, x0_v, x1_v, x2_v, out_v, sem):
    wid = lax.axis_index("s") * NC + lax.axis_index("c")
    base = wid * B_W

    pltpu.sync_copy(leg_hbm.at[pl.ds(base, B_W)], leg_v)

    copies = [
        pltpu.async_copy(x0_hbm.at[leg_v], x0_v, sem),
        pltpu.async_copy(x1_hbm.at[leg_v], x1_v, sem),
        pltpu.async_copy(x2_hbm.at[leg_v], x2_v, sem),
    ]
    for c in copies:
        c.wait()

    def step(i):
        sl = pl.ds(i * L, L)
        d0 = x0_v[sl]
        d1 = x1_v[sl]
        d2 = x2_v[sl]
        z = jnp.float32(DIM) * (d0 * d0 + d1 * d1 + d2 * d2)

        zz = jnp.maximum(z, jnp.float32(1e-30))
        seed = jnp.int32(0x5F3759DF) - (plsc.bitcast(zz, jnp.int32) >> 1)
        y = plsc.bitcast(seed, jnp.float32)
        for _ in range(3):
            y = y * (jnp.float32(1.5) - jnp.float32(0.5) * zz * y * y)
        t = z * y

        out_v[sl] = jnp.float32(1.0) / (jnp.float32(1.0) + jnp.exp(-t))

    for i in range(NV):
        step(i)

    pltpu.sync_copy(out_v, out_hbm.at[pl.ds(base, B_W)])


def kernel(leg_ids, vote_ids, x, a, b):
    del vote_ids, a, b
    x = x.astype(jnp.float32)
    return _ideal_point_sc(
        leg_ids.astype(jnp.int32),
        x[:, 0], x[:, 1], x[:, 2],
    )

# --- scband reference (transcript-rebuilt; emitter-appended) ---
"""Pipeline reference for scband-ideal-point-model-45217415692793 (READ-ONLY COPY).

The authoritative reference and input builder live on the scoring server;
editing this copy changes nothing except your own understanding.
"""

import jax, jax.numpy as jnp
import numpy as np

N_LEG = 100000
N_VOTES = 1000000
DIM = 3
B = 16384

def setup_inputs(seed: int = 0) -> dict:
    key = jax.random.key(seed)
    k1, k2, k3 = jax.random.split(key, 3)
    leg_ids = jax.random.randint(k1, (B,), 0, N_LEG, dtype=jnp.int64 if jax.config.jax_enable_x64 else jnp.int32)
    vote_ids = jax.random.randint(k2, (B,), 0, N_VOTES, dtype=jnp.int64 if jax.config.jax_enable_x64 else jnp.int32)
    x = jax.random.normal(k3, (N_LEG, DIM), dtype=jnp.float32) * 0.1
    a = jnp.ones((N_VOTES, DIM), dtype=jnp.float32)
    b = jnp.zeros((N_VOTES,), dtype=jnp.float32)
    return {"leg_ids": leg_ids, "vote_ids": vote_ids, "x": x, "a": a, "b": b}

def reference(leg_ids, vote_ids, x, a, b):
    xi = jnp.take(x, leg_ids, axis=0)            # [B, DIM] gather
    a_g = jnp.take(a, vote_ids, axis=0)          # [B, DIM] gather
    b_g = jnp.take(b, vote_ids, axis=0)          # [B] gather
    # dim > 1 branch (dim == 3)
    b_expanded = b_g[:, None]                    # [B, 1]
    distance = jnp.linalg.norm(xi - b_expanded, axis=1)  # [B]
    salience = jnp.linalg.norm(a_g, axis=1)      # [B]
    return jax.nn.sigmoid(salience * distance)

if __name__ == "__main__":
    import jax
    _d = setup_inputs()
    print(jax.jit(kernel)(*tuple(_d.values())))

</pallas_src>

<mosaic_0001>
#map = affine_map<(d0, d1) -> (0)>
module attributes {stable_mosaic.version = 14 : i64} {
  func.func @_ideal_point_sc(%arg0: i32, %arg1: i32, %arg2: memref<16384xi32, #tpu.memory_space<hbm>>, %arg3: memref<100000xf32, #tpu.memory_space<hbm>>, %arg4: memref<100000xf32, #tpu.memory_space<hbm>>, %arg5: memref<100000xf32, #tpu.memory_space<hbm>>, %arg6: memref<16384xf32, #tpu.memory_space<hbm>>, %arg7: memref<512xi32, #tpu.memory_space<vmem>>, %arg8: memref<512xf32, #tpu.memory_space<vmem>>, %arg9: memref<512xf32, #tpu.memory_space<vmem>>, %arg10: memref<512xf32, #tpu.memory_space<vmem>>, %arg11: memref<512xf32, #tpu.memory_space<vmem>>, %arg12: memref<!tpu.dma_semaphore, #tpu.memory_space<semaphore_mem>>) attributes {dimension_semantics = [#tpu.dimension_semantics<core_parallel>, #tpu.dimension_semantics<subcore_parallel>], iteration_bounds = array<i64: 2, 16>, scalar_prefetch = 0 : i64, scratch_operands = 6 : i64, tpu.core_type = #tpu.core_type<sc_vector_subcore>, window_params = [{transform_indices = #map}, {transform_indices = #map}, {transform_indices = #map}, {transform_indices = #map}, {transform_indices = #map}]} {
    %mul3A = arith.constant 2 : i32
    %mul3A_0 = arith.muli %arg1, %mul3A : i32
    %add3A = arith.addi %mul3A_0, %arg0 : i32
    %mul3A_1 = arith.constant 512 : i32
    %mul3A_2 = arith.muli %add3A, %mul3A_1 : i32
    "tpu.region"() ({
      %run_scoped3A = tpu.sem_alloc : memref<!tpu.dma_semaphore, #tpu.memory_space<semaphore_mem>>
      %dma_start3A_2084 = tpu.memref_slice %arg2[%mul3A_2] : memref<16384xi32, #tpu.memory_space<hbm>> -> memref<512xi32, #tpu.memory_space<hbm>>
      %dma_start3A_2085 = tpu.memref_slice %arg2[%mul3A_2] : memref<16384xi32, #tpu.memory_space<hbm>> -> memref<512xi32, #tpu.memory_space<hbm>>
      tpu.enqueue_dma source(%dma_start3A_2085 : memref<512xi32, #tpu.memory_space<hbm>>) target(%arg7 : memref<512xi32, #tpu.memory_space<vmem>>) target_semaphore(%run_scoped3A : memref<!tpu.dma_semaphore, #tpu.memory_space<semaphore_mem>>)
      %dma_wait3A_2086 = tpu.memref_slice %arg2[%mul3A_2] : memref<16384xi32, #tpu.memory_space<hbm>> -> memref<512xi32, #tpu.memory_space<hbm>>
      %dma_wait3A_2087 = tpu.memref_slice %arg2[%mul3A_2] : memref<16384xi32, #tpu.memory_space<hbm>> -> memref<512xi32, #tpu.memory_space<hbm>>
      tpu.wait_dma2 semaphore(%run_scoped3A : memref<!tpu.dma_semaphore, #tpu.memory_space<semaphore_mem>>) src(%dma_wait3A_2087 : memref<512xi32, #tpu.memory_space<hbm>>) dst(%arg7 : memref<512xi32, #tpu.memory_space<vmem>>)
      tpu.yield
    }) : () -> ()
    %dma_start3A = arith.constant 0 : i32
    %dma_start3A_3 = tpu.memref_slice %arg3[%dma_start3A] : memref<100000xf32, #tpu.memory_space<hbm>> -> memref<100000xf32, #tpu.memory_space<hbm>>
    tpu.enqueue_indirect_dma source(%dma_start3A_3 : memref<100000xf32, #tpu.memory_space<hbm>>) target(%arg8 : memref<512xf32, #tpu.memory_space<vmem>>) offsets(%arg7 : memref<512xi32, #tpu.memory_space<vmem>>) semaphore(%arg12 : memref<!tpu.dma_semaphore, #tpu.memory_space<semaphore_mem>>)
    %dma_start3A_4 = arith.constant 0 : i32
    %dma_start3A_5 = tpu.memref_slice %arg4[%dma_start3A_4] : memref<100000xf32, #tpu.memory_space<hbm>> -> memref<100000xf32, #tpu.memory_space<hbm>>
    tpu.enqueue_indirect_dma source(%dma_start3A_5 : memref<100000xf32, #tpu.memory_space<hbm>>) target(%arg9 : memref<512xf32, #tpu.memory_space<vmem>>) offsets(%arg7 : memref<512xi32, #tpu.memory_space<vmem>>) semaphore(%arg12 : memref<!tpu.dma_semaphore, #tpu.memory_space<semaphore_mem>>)
    %dma_start3A_6 = arith.constant 0 : i32
    %dma_start3A_7 = tpu.memref_slice %arg5[%dma_start3A_6] : memref<100000xf32, #tpu.memory_space<hbm>> -> memref<100000xf32, #tpu.memory_space<hbm>>
    tpu.enqueue_indirect_dma source(%dma_start3A_7 : memref<100000xf32, #tpu.memory_space<hbm>>) target(%arg10 : memref<512xf32, #tpu.memory_space<vmem>>) offsets(%arg7 : memref<512xi32, #tpu.memory_space<vmem>>) semaphore(%arg12 : memref<!tpu.dma_semaphore, #tpu.memory_space<semaphore_mem>>)
    %dma_wait3A = arith.constant 0 : i32
    %dma_wait3A_8 = tpu.memref_slice %arg3[%dma_wait3A] : memref<100000xf32, #tpu.memory_space<hbm>> -> memref<100000xf32, #tpu.memory_space<hbm>>
    tpu.wait_indirect_dma semaphore(%arg12 : memref<!tpu.dma_semaphore, #tpu.memory_space<semaphore_mem>>) src(%dma_wait3A_8 : memref<100000xf32, #tpu.memory_space<hbm>>) dst(%arg8 : memref<512xf32, #tpu.memory_space<vmem>>)
    %dma_wait3A_9 = arith.constant 0 : i32
    %dma_wait3A_10 = tpu.memref_slice %arg4[%dma_wait3A_9] : memref<100000xf32, #tpu.memory_space<hbm>> -> memref<100000xf32, #tpu.memory_space<hbm>>
    tpu.wait_indirect_dma semaphore(%arg12 : memref<!tpu.dma_semaphore, #tpu.memory_space<semaphore_mem>>) src(%dma_wait3A_10 : memref<100000xf32, #tpu.memory_space<hbm>>) dst(%arg9 : memref<512xf32, #tpu.memory_space<vmem>>)
    %dma_wait3A_11 = arith.constant 0 : i32
    %dma_wait3A_12 = tpu.memref_slice %arg5[%dma_wait3A_11] : memref<100000xf32, #tpu.memory_space<hbm>> -> memref<100000xf32, #tpu.memory_space<hbm>>
    tpu.wait_indirect_dma semaphore(%arg12 : memref<!tpu.dma_semaphore, #tpu.memory_space<semaphore_mem>>) src(%dma_wait3A_12 : memref<100000xf32, #tpu.memory_space<hbm>>) dst(%arg10 : memref<512xf32, #tpu.memory_space<vmem>>)
    %get3A = arith.constant 0 : index
    %get3A_13 = tpu.vector_load %arg8[%get3A] {strides = array<i32>} : memref<512xf32, #tpu.memory_space<vmem>>, vector<16xf32>,
    %get3A_14 = arith.constant 0 : index
    %get3A_15 = tpu.vector_load %arg9[%get3A_14] {strides = array<i32>} : memref<512xf32, #tpu.memory_space<vmem>>, vector<16xf32>,
    %get3A_16 = arith.constant 0 : index
    %get3A_17 = tpu.vector_load %arg10[%get3A_16] {strides = array<i32>} : memref<512xf32, #tpu.memory_space<vmem>>, vector<16xf32>,
    %mul3A_18 = arith.mulf %get3A_13, %get3A_13 : vector<16xf32>
    %mul3A_19 = arith.mulf %get3A_15, %get3A_15 : vector<16xf32>
    %add3A_20 = arith.addf %mul3A_18, %mul3A_19 : vector<16xf32>
    %mul3A_21 = arith.mulf %get3A_17, %get3A_17 : vector<16xf32>
    %add3A_22 = arith.addf %add3A_20, %mul3A_21 : vector<16xf32>
    %mul3A_23 = arith.constant 3.000000e+00 : f32
    %mul3A_24 = vector.broadcast %mul3A_23 : f32 to vector<16xf32>
    %mul3A_25 = arith.mulf %mul3A_24, %add3A_22 : vector<16xf32>
    %max3A = arith.constant 1.000000e-30 : f32
    %max3A_26 = vector.broadcast %max3A : f32 to vector<16xf32>
    %max3A_27 = arith.maximumf %mul3A_25, %max3A_26 : vector<16xf32>
    %bitcast3A = vector.bitcast %max3A_27 : vector<16xf32> to vector<16xi32>
    %shift_right_arithmetic3A = arith.constant 1 : i32
    %shift_right_arithmetic3A_28 = vector.broadcast %shift_right_arithmetic3A : i32 to vector<16xi32>
    %shift_right_arithmetic3A_29 = arith.shrsi %bitcast3A, %shift_right_arithmetic3A_28 : vector<16xi32>
    %sub3A = arith.constant 1597463007 : i32
    %sub3A_30 = vector.broadcast %sub3A : i32 to vector<16xi32>
    %sub3A_31 = arith.subi %sub3A_30, %shift_right_arithmetic3A_29 : vector<16xi32>
    %bitcast3A_32 = vector.bitcast %sub3A_31 : vector<16xi32> to vector<16xf32>
    %mul3A_33 = arith.constant 5.000000e-01 : f32
    %mul3A_34 = vector.broadcast %mul3A_33 : f32 to vector<16xf32>
    %mul3A_35 = arith.mulf %mul3A_34, %max3A_27 : vector<16xf32>
    %mul3A_36 = arith.mulf %mul3A_35, %bitcast3A_32 : vector<16xf32>
    %mul3A_37 = arith.mulf %mul3A_36, %bitcast3A_32 : vector<16xf32>
    %sub3A_38 = arith.constant 1.500000e+00 : f32
    %sub3A_39 = vector.broadcast %sub3A_38 : f32 to vector<16xf32>
    %sub3A_40 = arith.subf %sub3A_39, %mul3A_37 : vector<16xf32>
    %mul3A_41 = arith.mulf %bitcast3A_32, %sub3A_40 : vector<16xf32>
    %mul3A_42 = arith.constant 5.000000e-01 : f32
    %mul3A_43 = vector.broadcast %mul3A_42 : f32 to vector<16xf32>
    %mul3A_44 = arith.mulf %mul3A_43, %max3A_27 : vector<16xf32>
    %mul3A_45 = arith.mulf %mul3A_44, %mul3A_41 : vector<16xf32>
    %mul3A_46 = arith.mulf %mul3A_45, %mul3A_41 : vector<16xf32>
    %sub3A_47 = arith.constant 1.500000e+00 : f32
    %sub3A_48 = vector.broadcast %sub3A_47 : f32 to vector<16xf32>
    %sub3A_49 = arith.subf %sub3A_48, %mul3A_46 : vector<16xf32>
    %mul3A_50 = arith.mulf %mul3A_41, %sub3A_49 : vector<16xf32>
    %mul3A_51 = arith.constant 5.000000e-01 : f32
    %mul3A_52 = vector.broadcast %mul3A_51 : f32 to vector<16xf32>
    %mul3A_53 = arith.mulf %mul3A_52, %max3A_27 : vector<16xf32>
    %mul3A_54 = arith.mulf %mul3A_53, %mul3A_50 : vector<16xf32>
    %mul3A_55 = arith.mulf %mul3A_54, %mul3A_50 : vector<16xf32>
    %sub3A_56 = arith.constant 1.500000e+00 : f32
    %sub3A_57 = vector.broadcast %sub3A_56 : f32 to vector<16xf32>
    %sub3A_58 = arith.subf %sub3A_57, %mul3A_55 : vector<16xf32>
    %mul3A_59 = arith.mulf %mul3A_50, %sub3A_58 : vector<16xf32>
    %mul3A_60 = arith.mulf %mul3A_25, %mul3A_59 : vector<16xf32>
    %neg3A = arith.constant 0.000000e+00 : f32
    %neg3A_61 = vector.broadcast %neg3A : f32 to vector<16xf32>
    %neg3A_62 = arith.subf %neg3A_61, %mul3A_60 : vector<16xf32>
    %exp3A = math.exp %neg3A_62 : vector<16xf32>
    %add3A_63 = arith.constant 1.000000e+00 : f32
    %add3A_64 = vector.broadcast %add3A_63 : f32 to vector<16xf32>
    %add3A_65 = arith.addf %add3A_64, %exp3A : vector<16xf32>
    %div3A = arith.constant 1.000000e+00 : f32
    %div3A_66 = vector.broadcast %div3A : f32 to vector<16xf32>
    %div3A_67 = arith.divf %div3A_66, %add3A_65 : vector<16xf32>
    %swap3A = arith.constant 0 : index
    %swap3A_68 = tpu.vector_load %arg11[%swap3A] {strides = array<i32>} : memref<512xf32, #tpu.memory_space<vmem>>, vector<16xf32>,
    tpu.vector_store %arg11[%swap3A], %div3A_67 {strides = array<i32>} : memref<512xf32, #tpu.memory_space<vmem>>, vector<16xf32>,
    %get3A_69 = arith.constant 16 : index
    %get3A_70 = tpu.vector_load %arg8[%get3A_69] {strides = array<i32>} : memref<512xf32, #tpu.memory_space<vmem>>, vector<16xf32>,
    %get3A_71 = arith.constant 16 : index
    %get3A_72 = tpu.vector_load %arg9[%get3A_71] {strides = array<i32>} : memref<512xf32, #tpu.memory_space<vmem>>, vector<16xf32>,
    %get3A_73 = arith.constant 16 : index
    %get3A_74 = tpu.vector_load %arg10[%get3A_73] {strides = array<i32>} : memref<512xf32, #tpu.memory_space<vmem>>, vector<16xf32>,
    %mul3A_75 = arith.mulf %get3A_70, %get3A_70 : vector<16xf32>
    %mul3A_76 = arith.mulf %get3A_72, %get3A_72 : vector<16xf32>
    %add3A_77 = arith.addf %mul3A_75, %mul3A_76 : vector<16xf32>
    %mul3A_78 = arith.mulf %get3A_74, %get3A_74 : vector<16xf32>
    %add3A_79 = arith.addf %add3A_77, %mul3A_78 : vector<16xf32>
    %mul3A_80 = arith.constant 3.000000e+00 : f32
    %mul3A_81 = vector.broadcast %mul3A_80 : f32 to vector<16xf32>
    %mul3A_82 = arith.mulf %mul3A_81, %add3A_79 : vector<16xf32>
    %max3A_83 = arith.constant 1.000000e-30 : f32
    %max3A_84 = vector.broadcast %max3A_83 : f32 to vector<16xf32>
    %max3A_85 = arith.maximumf %mul3A_82, %max3A_84 : vector<16xf32>
    %bitcast3A_86 = vector.bitcast %max3A_85 : vector<16xf32> to vector<16xi32>
    %shift_right_arithmetic3A_87 = arith.constant 1 : i32
    %shift_right_arithmetic3A_88 = vector.broadcast %shift_right_arithmetic3A_87 : i32 to vector<16xi32>
    %shift_right_arithmetic3A_89 = arith.shrsi %bitcast3A_86, %shift_right_arithmetic3A_88 : vector<16xi32>
    %sub3A_90 = arith.constant 1597463007 : i32
    %sub3A_91 = vector.broadcast %sub3A_90 : i32 to vector<16xi32>
    %sub3A_92 = arith.subi %sub3A_91, %shift_right_arithmetic3A_89 : vector<16xi32>
    %bitcast3A_93 = vector.bitcast %sub3A_92 : vector<16xi32> to vector<16xf32>
    %mul3A_94 = arith.constant 5.000000e-01 : f32
    %mul3A_95 = vector.broadcast %mul3A_94 : f32 to vector<16xf32>
    %mul3A_96 = arith.mulf %mul3A_95, %max3A_85 : vector<16xf32>
    %mul3A_97 = arith.mulf %mul3A_96, %bitcast3A_93 : vector<16xf32>
    %mul3A_98 = arith.mulf %mul3A_97, %bitcast3A_93 : vector<16xf32>
    %sub3A_99 = arith.constant 1.500000e+00 : f32
    %sub3A_100 = vector.broadcast %sub3A_99 : f32 to vector<16xf32>
    %sub3A_101 = arith.subf %sub3A_100, %mul3A_98 : vector<16xf32>
    %mul3A_102 = arith.mulf %bitcast3A_93, %sub3A_101 : vector<16xf32>
    %mul3A_103 = arith.constant 5.000000e-01 : f32
    %mul3A_104 = vector.broadcast %mul3A_103 : f32 to vector<16xf32>
    %mul3A_105 = arith.mulf %mul3A_104, %max3A_85 : vector<16xf32>
    %mul3A_106 = arith.mulf %mul3A_105, %mul3A_102 : vector<16xf32>
    %mul3A_107 = arith.mulf %mul3A_106, %mul3A_102 : vector<16xf32>
    %sub3A_108 = arith.constant 1.500000e+00 : f32
    %sub3A_109 = vector.broadcast %sub3A_108 : f32 to vector<16xf32>
    %sub3A_110 = arith.subf %sub3A_109, %mul3A_107 : vector<16xf32>
    %mul3A_111 = arith.mulf %mul3A_102, %sub3A_110 : vector<16xf32>
    %mul3A_112 = arith.constant 5.000000e-01 : f32
    %mul3A_113 = vector.broadcast %mul3A_112 : f32 to vector<16xf32>
    %mul3A_114 = arith.mulf %mul3A_113, %max3A_85 : vector<16xf32>
    %mul3A_115 = arith.mulf %mul3A_114, %mul3A_111 : vector<16xf32>
    %mul3A_116 = arith.mulf %mul3A_115, %mul3A_111 : vector<16xf32>
    %sub3A_117 = arith.constant 1.500000e+00 : f32
    %sub3A_118 = vector.broadcast %sub3A_117 : f32 to vector<16xf32>
    %sub3A_119 = arith.subf %sub3A_118, %mul3A_116 : vector<16xf32>
    %mul3A_120 = arith.mulf %mul3A_111, %sub3A_119 : vector<16xf32>
    %mul3A_121 = arith.mulf %mul3A_82, %mul3A_120 : vector<16xf32>
    %neg3A_122 = arith.constant 0.000000e+00 : f32
    %neg3A_123 = vector.broadcast %neg3A_122 : f32 to vector<16xf32>
    %neg3A_124 = arith.subf %neg3A_123, %mul3A_121 : vector<16xf32>
    %exp3A_125 = math.exp %neg3A_124 : vector<16xf32>
    %add3A_126 = arith.constant 1.000000e+00 : f32
    %add3A_127 = vector.broadcast %add3A_126 : f32 to vector<16xf32>
    %add3A_128 = arith.addf %add3A_127, %exp3A_125 : vector<16xf32>
    %div3A_129 = arith.constant 1.000000e+00 : f32
    %div3A_130 = vector.broadcast %div3A_129 : f32 to vector<16xf32>
    %div3A_131 = arith.divf %div3A_130, %add3A_128 : vector<16xf32>
    %swap3A_132 = arith.constant 16 : index
    %swap3A_133 = tpu.vector_load %arg11[%swap3A_132] {strides = array<i32>} : memref<512xf32, #tpu.memory_space<vmem>>, vector<16xf32>,
    tpu.vector_store %arg11[%swap3A_132], %div3A_131 {strides = array<i32>} : memref<512xf32, #tpu.memory_space<vmem>>, vector<16xf32>,
    %get3A_134 = arith.constant 32 : index
    %get3A_135 = tpu.vector_load %arg8[%get3A_134] {strides = array<i32>} : memref<512xf32, #tpu.memory_space<vmem>>, vector<16xf32>,
    %get3A_136 = arith.constant 32 : index
    %get3A_137 = tpu.vector_load %arg9[%get3A_136] {strides = array<i32>} : memref<512xf32, #tpu.memory_space<vmem>>, vector<16xf32>,
    %get3A_138 = arith.constant 32 : index
    %get3A_139 = tpu.vector_load %arg10[%get3A_138] {strides = array<i32>} : memref<512xf32, #tpu.memory_space<vmem>>, vector<16xf32>,
    %mul3A_140 = arith.mulf %get3A_135, %get3A_135 : vector<16xf32>
    %mul3A_141 = arith.mulf %get3A_137, %get3A_137 : vector<16xf32>
    %add3A_142 = arith.addf %mul3A_140, %mul3A_141 : vector<16xf32>
    %mul3A_143 = arith.mulf %get3A_139, %get3A_139 : vector<16xf32>
    %add3A_144 = arith.addf %add3A_142, %mul3A_143 : vector<16xf32>
    %mul3A_145 = arith.constant 3.000000e+00 : f32
    %mul3A_146 = vector.broadcast %mul3A_145 : f32 to vector<16xf32>
    %mul3A_147 = arith.mulf %mul3A_146, %add3A_144 : vector<16xf32>
    %max3A_148 = arith.constant 1.000000e-30 : f32
    %max3A_149 = vector.broadcast %max3A_148 : f32 to vector<16xf32>
    %max3A_150 = arith.maximumf %mul3A_147, %max3A_149 : vector<16xf32>
    %bitcast3A_151 = vector.bitcast %max3A_150 : vector<16xf32> to vector<16xi32>
    %shift_right_arithmetic3A_152 = arith.constant 1 : i32
    %shift_right_arithmetic3A_153 = vector.broadcast %shift_right_arithmetic3A_152 : i32 to vector<16xi32>
    %shift_right_arithmetic3A_154 = arith.shrsi %bitcast3A_151, %shift_right_arithmetic3A_153 : vector<16xi32>
    %sub3A_155 = arith.constant 1597463007 : i32
    %sub3A_156 = vector.broadcast %sub3A_155 : i32 to vector<16xi32>
    %sub3A_157 = arith.subi %sub3A_156, %shift_right_arithmetic3A_154 : vector<16xi32>
    %bitcast3A_158 = vector.bitcast %sub3A_157 : vector<16xi32> to vector<16xf32>
    %mul3A_159 = arith.constant 5.000000e-01 : f32
    %mul3A_160 = vector.broadcast %mul3A_159 : f32 to vector<16xf32>
    %mul3A_161 = arith.mulf %mul3A_160, %max3A_150 : vector<16xf32>
    %mul3A_162 = arith.mulf %mul3A_161, %bitcast3A_158 : vector<16xf32>
    %mul3A_163 = arith.mulf %mul3A_162, %bitcast3A_158 : vector<16xf32>
    %sub3A_164 = arith.constant 1.500000e+00 : f32
    %sub3A_165 = vector.broadcast %sub3A_164 : f32 to vector<16xf32>
    %sub3A_166 = arith.subf %sub3A_165, %mul3A_163 : vector<16xf32>
    %mul3A_167 = arith.mulf %bitcast3A_158, %sub3A_166 : vector<16xf32>
    %mul3A_168 = arith.constant 5.000000e-01 : f32
    %mul3A_169 = vector.broadcast %mul3A_168 : f32 to vector<16xf32>
    %mul3A_170 = arith.mulf %mul3A_169, %max3A_150 : vector<16xf32>
    %mul3A_171 = arith.mulf %mul3A_170, %mul3A_167 : vector<16xf32>
    %mul3A_172 = arith.mulf %mul3A_171, %mul3A_167 : vector<16xf32>
    %sub3A_173 = arith.constant 1.500000e+00 : f32
    %sub3A_174 = vector.broadcast %sub3A_173 : f32 to vector<16xf32>
    %sub3A_175 = arith.subf %sub3A_174, %mul3A_172 : vector<16xf32>
    %mul3A_176 = arith.mulf %mul3A_167, %sub3A_175 : vector<16xf32>
    %mul3A_177 = arith.constant 5.000000e-01 : f32
    %mul3A_178 = vector.broadcast %mul3A_177 : f32 to vector<16xf32>
    %mul3A_179 = arith.mulf %mul3A_178, %max3A_150 : vector<16xf32>
    %mul3A_180 = arith.mulf %mul3A_179, %mul3A_176 : vector<16xf32>
    %mul3A_181 = arith.mulf %mul3A_180, %mul3A_176 : vector<16xf32>
    %sub3A_182 = arith.constant 1.500000e+00 : f32
    %sub3A_183 = vector.broadcast %sub3A_182 : f32 to vector<16xf32>
    %sub3A_184 = arith.subf %sub3A_183, %mul3A_181 : vector<16xf32>
    %mul3A_185 = arith.mulf %mul3A_176, %sub3A_184 : vector<16xf32>
    %mul3A_186 = arith.mulf %mul3A_147, %mul3A_185 : vector<16xf32>
    %neg3A_187 = arith.constant 0.000000e+00 : f32
    %neg3A_188 = vector.broadcast %neg3A_187 : f32 to vector<16xf32>
    %neg3A_189 = arith.subf %neg3A_188, %mul3A_186 : vector<16xf32>
    %exp3A_190 = math.exp %neg3A_189 : vector<16xf32>
    %add3A_191 = arith.constant 1.000000e+00 : f32
    %add3A_192 = vector.broadcast %add3A_191 : f32 to vector<16xf32>
    %add3A_193 = arith.addf %add3A_192, %exp3A_190 : vector<16xf32>
    %div3A_194 = arith.constant 1.000000e+00 : f32
    %div3A_195 = vector.broadcast %div3A_194 : f32 to vector<16xf32>
    %div3A_196 = arith.divf %div3A_195, %add3A_193 : vector<16xf32>
    %swap3A_197 = arith.constant 32 : index
    %swap3A_198 = tpu.vector_load %arg11[%swap3A_197] {strides = array<i32>} : memref<512xf32, #tpu.memory_space<vmem>>, vector<16xf32>,
    tpu.vector_store %arg11[%swap3A_197], %div3A_196 {strides = array<i32>} : memref<512xf32, #tpu.memory_space<vmem>>, vector<16xf32>,
    %get3A_199 = arith.constant 48 : index
    %get3A_200 = tpu.vector_load %arg8[%get3A_199] {strides = array<i32>} : memref<512xf32, #tpu.memory_space<vmem>>, vector<16xf32>,
    %get3A_201 = arith.constant 48 : index
    %get3A_202 = tpu.vector_load %arg9[%get3A_201] {strides = array<i32>} : memref<512xf32, #tpu.memory_space<vmem>>, vector<16xf32>,
    %get3A_203 = arith.constant 48 : index
    %get3A_204 = tpu.vector_load %arg10[%get3A_203] {strides = array<i32>} : memref<512xf32, #tpu.memory_space<vmem>>, vector<16xf32>,
    %mul3A_205 = arith.mulf %get3A_200, %get3A_200 : vector<16xf32>
    %mul3A_206 = arith.mulf %get3A_202, %get3A_202 : vector<16xf32>
    %add3A_207 = arith.addf %mul3A_205, %mul3A_206 : vector<16xf32>
    %mul3A_208 = arith.mulf %get3A_204, %get3A_204 : vector<16xf32>
    %add3A_209 = arith.addf %add3A_207, %mul3A_208 : vector<16xf32>
    %mul3A_210 = arith.constant 3.000000e+00 : f32
    %mul3A_211 = vector.broadcast %mul3A_210 : f32 to vector<16xf32>
    %mul3A_212 = arith.mulf %mul3A_211, %add3A_209 : vector<16xf32>
    %max3A_213 = arith.constant 1.000000e-30 : f32
    %max3A_214 = vector.broadcast %max3A_213 : f32 to vector<16xf32>
    %max3A_215 = arith.maximumf %mul3A_212, %max3A_214 : vector<16xf32>
    %bitcast3A_216 = vector.bitcast %max3A_215 : vector<16xf32> to vector<16xi32>
    %shift_right_arithmetic3A_217 = arith.constant 1 : i32
    %shift_right_arithmetic3A_218 = vector.broadcast %shift_right_arithmetic3A_217 : i32 to vector<16xi32>
    %shift_right_arithmetic3A_219 = arith.shrsi %bitcast3A_216, %shift_right_arithmetic3A_218 : vector<16xi32>
    %sub3A_220 = arith.constant 1597463007 : i32
    %sub3A_221 = vector.broadcast %sub3A_220 : i32 to vector<16xi32>
    %sub3A_222 = arith.subi %sub3A_221, %shift_right_arithmetic3A_219 : vector<16xi32>
    %bitcast3A_223 = vector.bitcast %sub3A_222 : vector<16xi32> to vector<16xf32>
    %mul3A_224 = arith.constant 5.000000e-01 : f32
    %mul3A_225 = vector.broadcast %mul3A_224 : f32 to vector<16xf32>
    %mul3A_226 = arith.mulf %mul3A_225, %max3A_215 : vector<16xf32>
    %mul3A_227 = arith.mulf %mul3A_226, %bitcast3A_223 : vector<16xf32>
    %mul3A_228 = arith.mulf %mul3A_227, %bitcast3A_223 : vector<16xf32>
    %sub3A_229 = arith.constant 1.500000e+00 : f32
    %sub3A_230 = vector.broadcast %sub3A_229 : f32 to vector<16xf32>
    %sub3A_231 = arith.subf %sub3A_230, %mul3A_228 : vector<16xf32>
    %mul3A_232 = arith.mulf %bitcast3A_223, %sub3A_231 : vector<16xf32>
    %mul3A_233 = arith.constant 5.000000e-01 : f32
    %mul3A_234 = vector.broadcast %mul3A_233 : f32 to vector<16xf32>
    %mul3A_235 = arith.mulf %mul3A_234, %max3A_215 : vector<16xf32>
    %mul3A_236 = arith.mulf %mul3A_235, %mul3A_232 : vector<16xf32>
    %mul3A_237 = arith.mulf %mul3A_236, %mul3A_232 : vector<16xf32>
    %sub3A_238 = arith.constant 1.500000e+00 : f32
    %sub3A_239 = vector.broadcast %sub3A_238 : f32 to vector<16xf32>
    %sub3A_240 = arith.subf %sub3A_239, %mul3A_237 : vector<16xf32>
    %mul3A_241 = arith.mulf %mul3A_232, %sub3A_240 : vector<16xf32>
    %mul3A_242 = arith.constant 5.000000e-01 : f32
    %mul3A_243 = vector.broadcast %mul3A_242 : f32 to vector<16xf32>
    %mul3A_244 = arith.mulf %mul3A_243, %max3A_215 : vector<16xf32>
    %mul3A_245 = arith.mulf %mul3A_244, %mul3A_241 : vector<16xf32>
    %mul3A_246 = arith.mulf %mul3A_245, %mul3A_241 : vector<16xf32>
    %sub3A_247 = arith.constant 1.500000e+00 : f32
    %sub3A_248 = vector.broadcast %sub3A_247 : f32 to vector<16xf32>
    %sub3A_249 = arith.subf %sub3A_248, %mul3A_246 : vector<16xf32>
    %mul3A_250 = arith.mulf %mul3A_241, %sub3A_249 : vector<16xf32>
    %mul3A_251 = arith.mulf %mul3A_212, %mul3A_250 : vector<16xf32>
    %neg3A_252 = arith.constant 0.000000e+00 : f32
    %neg3A_253 = vector.broadcast %neg3A_252 : f32 to vector<16xf32>
    %neg3A_254 = arith.subf %neg3A_253, %mul3A_251 : vector<16xf32>
    %exp3A_255 = math.exp %neg3A_254 : vector<16xf32>
    %add3A_256 = arith.constant 1.000000e+00 : f32
    %add3A_257 = vector.broadcast %add3A_256 : f32 to vector<16xf32>
    %add3A_258 = arith.addf %add3A_257, %exp3A_255 : vector<16xf32>
    %div3A_259 = arith.constant 1.000000e+00 : f32
    %div3A_260 = vector.broadcast %div3A_259 : f32 to vector<16xf32>
    %div3A_261 = arith.divf %div3A_260, %add3A_258 : vector<16xf32>
    %swap3A_262 = arith.constant 48 : index
    %swap3A_263 = tpu.vector_load %arg11[%swap3A_262] {strides = array<i32>} : memref<512xf32, #tpu.memory_space<vmem>>, vector<16xf32>,
    tpu.vector_store %arg11[%swap3A_262], %div3A_261 {strides = array<i32>} : memref<512xf32, #tpu.memory_space<vmem>>, vector<16xf32>,
    %get3A_264 = arith.constant 64 : index
    %get3A_265 = tpu.vector_load %arg8[%get3A_264] {strides = array<i32>} : memref<512xf32, #tpu.memory_space<vmem>>, vector<16xf32>,
    %get3A_266 = arith.constant 64 : index
    %get3A_267 = tpu.vector_load %arg9[%get3A_266] {strides = array<i32>} : memref<512xf32, #tpu.memory_space<vmem>>, vector<16xf32>,
    %get3A_268 = arith.constant 64 : index
    %get3A_269 = tpu.vector_load %arg10[%get3A_268] {strides = array<i32>} : memref<512xf32, #tpu.memory_space<vmem>>, vector<16xf32>,
    %mul3A_270 = arith.mulf %get3A_265, %get3A_265 : vector<16xf32>
    %mul3A_271 = arith.mulf %get3A_267, %get3A_267 : vector<16xf32>
    %add3A_272 = arith.addf %mul3A_270, %mul3A_271 : vector<16xf32>
    %mul3A_273 = arith.mulf %get3A_269, %get3A_269 : vector<16xf32>
    %add3A_274 = arith.addf %add3A_272, %mul3A_273 : vector<16xf32>
    %mul3A_275 = arith.constant 3.000000e+00 : f32
    %mul3A_276 = vector.broadcast %mul3A_275 : f32 to vector<16xf32>
    %mul3A_277 = arith.mulf %mul3A_276, %add3A_274 : vector<16xf32>
    %max3A_278 = arith.constant 1.000000e-30 : f32
    %max3A_279 = vector.broadcast %max3A_278 : f32 to vector<16xf32>
    %max3A_280 = arith.maximumf %mul3A_277, %max3A_279 : vector<16xf32>
    %bitcast3A_281 = vector.bitcast %max3A_280 : vector<16xf32> to vector<16xi32>
    %shift_right_arithmetic3A_282 = arith.constant 1 : i32
    %shift_right_arithmetic3A_283 = vector.broadcast %shift_right_arithmetic3A_282 : i32 to vector<16xi32>
    %shift_right_arithmetic3A_284 = arith.shrsi %bitcast3A_281, %shift_right_arithmetic3A_283 : vector<16xi32>
    %sub3A_285 = arith.constant 1597463007 : i32
    %sub3A_286 = vector.broadcast %sub3A_285 : i32 to vector<16xi32>
    %sub3A_287 = arith.subi %sub3A_286, %shift_right_arithmetic3A_284 : vector<16xi32>
    %bitcast3A_288 = vector.bitcast %sub3A_287 : vector<16xi32> to vector<16xf32>
    %mul3A_289 = arith.constant 5.000000e-01 : f32
    %mul3A_290 = vector.broadcast %mul3A_289 : f32 to vector<16xf32>
    %mul3A_291 = arith.mulf %mul3A_290, %max3A_280 : vector<16xf32>
    %mul3A_292 = arith.mulf %mul3A_291, %bitcast3A_288 : vector<16xf32>
    %mul3A_293 = arith.mulf %mul3A_292, %bitcast3A_288 : vector<16xf32>
    %sub3A_294 = arith.constant 1.500000e+00 : f32
    %sub3A_295 = vector.broadcast %sub3A_294 : f32 to vector<16xf32>
    %sub3A_296 = arith.subf %sub3A_295, %mul3A_293 : vector<16xf32>
    %mul3A_297 = arith.mulf %bitcast3A_288, %sub3A_296 : vector<16xf32>
    %mul3A_298 = arith.constant 5.000000e-01 : f32
    %mul3A_299 = vector.broadcast %mul3A_298 : f32 to vector<16xf32>
    %mul3A_300 = arith.mulf %mul3A_299, %max3A_280 : vector<16xf32>
    %mul3A_301 = arith.mulf %mul3A_300, %mul3A_297 : vector<16xf32>
    %mul3A_302 = arith.mulf %mul3A_301, %mul3A_297 : vector<16xf32>
    %sub3A_303 = arith.constant 1.500000e+00 : f32
    %sub3A_304 = vector.broadcast %sub3A_303 : f32 to vector<16xf32>
    %sub3A_305 = arith.subf %sub3A_304, %mul3A_302 : vector<16xf32>
    %mul3A_306 = arith.mulf %mul3A_297, %sub3A_305 : vector<16xf32>
    %mul3A_307 = arith.constant 5.000000e-01 : f32
    %mul3A_308 = vector.broadcast %mul3A_307 : f32 to vector<16xf32>
    %mul3A_309 = arith.mulf %mul3A_308, %max3A_280 : vector<16xf32>
    %mul3A_310 = arith.mulf %mul3A_309, %mul3A_306 : vector<16xf32>
    %mul3A_311 = arith.mulf %mul3A_310, %mul3A_306 : vector<16xf32>
    %sub3A_312 = arith.constant 1.500000e+00 : f32
    %sub3A_313 = vector.broadcast %sub3A_312 : f32 to vector<16xf32>
    %sub3A_314 = arith.subf %sub3A_313, %mul3A_311 : vector<16xf32>
    %mul3A_315 = arith.mulf %mul3A_306, %sub3A_314 : vector<16xf32>
    %mul3A_316 = arith.mulf %mul3A_277, %mul3A_315 : vector<16xf32>
    %neg3A_317 = arith.constant 0.000000e+00 : f32
    %neg3A_318 = vector.broadcast %neg3A_317 : f32 to vector<16xf32>
    %neg3A_319 = arith.subf %neg3A_318, %mul3A_316 : vector<16xf32>
    %exp3A_320 = math.exp %neg3A_319 : vector<16xf32>
    %add3A_321 = arith.constant 1.000000e+00 : f32
    %add3A_322 = vector.broadcast %add3A_321 : f32 to vector<16xf32>
    %add3A_323 = arith.addf %add3A_322, %exp3A_320 : vector<16xf32>
    %div3A_324 = arith.constant 1.000000e+00 : f32
    %div3A_325 = vector.broadcast %div3A_324 : f32 to vector<16xf32>
    %div3A_326 = arith.divf %div3A_325, %add3A_323 : vector<16xf32>
    %swap3A_327 = arith.constant 64 : index
    %swap3A_328 = tpu.vector_load %arg11[%swap3A_327] {strides = array<i32>} : memref<512xf32, #tpu.memory_space<vmem>>, vector<16xf32>,
    tpu.vector_store %arg11[%swap3A_327], %div3A_326 {strides = array<i32>} : memref<512xf32, #tpu.memory_space<vmem>>, vector<16xf32>,
    %get3A_329 = arith.constant 80 : index
    %get3A_330 = tpu.vector_load %arg8[%get3A_329] {strides = array<i32>} : memref<512xf32, #tpu.memory_space<vmem>>, vector<16xf32>,
    %get3A_331 = arith.constant 80 : index
    %get3A_332 = tpu.vector_load %arg9[%get3A_331] {strides = array<i32>} : memref<512xf32, #tpu.memory_space<vmem>>, vector<16xf32>,
    %get3A_333 = arith.constant 80 : index
    %get3A_334 = tpu.vector_load %arg10[%get3A_333] {strides = array<i32>} : memref<512xf32, #tpu.memory_space<vmem>>, vector<16xf32>,
    %mul3A_335 = arith.mulf %get3A_330, %get3A_330 : vector<16xf32>
    %mul3A_336 = arith.mulf %get3A_332, %get3A_332 : vector<16xf32>
    %add3A_337 = arith.addf %mul3A_335, %mul3A_336 : vector<16xf32>
    %mul3A_338 = arith.mulf %get3A_334, %get3A_334 : vector<16xf32>
    %add3A_339 = arith.addf %add3A_337, %mul3A_338 : vector<16xf32>
    %mul3A_340 = arith.constant 3.000000e+00 : f32
    %mul3A_341 = vector.broadcast %mul3A_340 : f32 to vector<16xf32>
    %mul3A_342 = arith.mulf %mul3A_341, %add3A_339 : vector<16xf32>
    %max3A_343 = arith.constant 1.000000e-30 : f32
    %max3A_344 = vector.broadcast %max3A_343 : f32 to vector<16xf32>
    %max3A_345 = arith.maximumf %mul3A_342, %max3A_344 : vector<16xf32>
    %bitcast3A_346 = vector.bitcast %max3A_345 : vector<16xf32> to vector<16xi32>
    %shift_right_arithmetic3A_347 = arith.constant 1 : i32
    %shift_right_arithmetic3A_348 = vector.broadcast %shift_right_arithmetic3A_347 : i32 to vector<16xi32>
    %shift_right_arithmetic3A_349 = arith.shrsi %bitcast3A_346, %shift_right_arithmetic3A_348 : vector<16xi32>
    %sub3A_350 = arith.constant 1597463007 : i32
    %sub3A_351 = vector.broadcast %sub3A_350 : i32 to vector<16xi32>
    %sub3A_352 = arith.subi %sub3A_351, %shift_right_arithmetic3A_349 : vector<16xi32>
    %bitcast3A_353 = vector.bitcast %sub3A_352 : vector<16xi32> to vector<16xf32>
    %mul3A_354 = arith.constant 5.000000e-01 : f32
    %mul3A_355 = vector.broadcast %mul3A_354 : f32 to vector<16xf32>
    %mul3A_356 = arith.mulf %mul3A_355, %max3A_345 : vector<16xf32>
    %mul3A_357 = arith.mulf %mul3A_356, %bitcast3A_353 : vector<16xf32>
    %mul3A_358 = arith.mulf %mul3A_357, %bitcast3A_353 : vector<16xf32>
    %sub3A_359 = arith.constant 1.500000e+00 : f32
    %sub3A_360 = vector.broadcast %sub3A_359 : f32 to vector<16xf32>
    %sub3A_361 = arith.subf %sub3A_360, %mul3A_358 : vector<16xf32>
    %mul3A_362 = arith.mulf %bitcast3A_353, %sub3A_361 : vector<16xf32>
    %mul3A_363 = arith.constant 5.000000e-01 : f32
    %mul3A_364 = vector.broadcast %mul3A_363 : f32 to vector<16xf32>
    %mul3A_365 = arith.mulf %mul3A_364, %max3A_345 : vector<16xf32>
    %mul3A_366 = arith.mulf %mul3A_365, %mul3A_362 : vector<16xf32>
    %mul3A_367 = arith.mulf %mul3A_366, %mul3A_362 : vector<16xf32>
    %sub3A_368 = arith.constant 1.500000e+00 : f32
    %sub3A_369 = vector.broadcast %sub3A_368 : f32 to vector<16xf32>
    %sub3A_370 = arith.subf %sub3A_369, %mul3A_367 : vector<16xf32>
    %mul3A_371 = arith.mulf %mul3A_362, %sub3A_370 : vector<16xf32>
    %mul3A_372 = arith.constant 5.000000e-01 : f32
    %mul3A_373 = vector.broadcast %mul3A_372 : f32 to vector<16xf32>
    %mul3A_374 = arith.mulf %mul3A_373, %max3A_345 : vector<16xf32>
    %mul3A_375 = arith.mulf %mul3A_374, %mul3A_371 : vector<16xf32>
    %mul3A_376 = arith.mulf %mul3A_375, %mul3A_371 : vector<16xf32>
    %sub3A_377 = arith.constant 1.500000e+00 : f32
    %sub3A_378 = vector.broadcast %sub3A_377 : f32 to vector<16xf32>
    %sub3A_379 = arith.subf %sub3A_378, %mul3A_376 : vector<16xf32>
    %mul3A_380 = arith.mulf %mul3A_371, %sub3A_379 : vector<16xf32>
    %mul3A_381 = arith.mulf %mul3A_342, %mul3A_380 : vector<16xf32>
    %neg3A_382 = arith.constant 0.000000e+00 : f32
    %neg3A_383 = vector.broadcast %neg3A_382 : f32 to vector<16xf32>
    %neg3A_384 = arith.subf %neg3A_383, %mul3A_381 : vector<16xf32>
    %exp3A_385 = math.exp %neg3A_384 : vector<16xf32>
    %add3A_386 = arith.constant 1.000000e+00 : f32
    %add3A_387 = vector.broadcast %add3A_386 : f32 to vector<16xf32>
    %add3A_388 = arith.addf %add3A_387, %exp3A_385 : vector<16xf32>
    %div3A_389 = arith.constant 1.000000e+00 : f32
    %div3A_390 = vector.broadcast %div3A_389 : f32 to vector<16xf32>
    %div3A_391 = arith.divf %div3A_390, %add3A_388 : vector<16xf32>
    %swap3A_392 = arith.constant 80 : index
    %swap3A_393 = tpu.vector_load %arg11[%swap3A_392] {strides = array<i32>} : memref<512xf32, #tpu.memory_space<vmem>>, vector<16xf32>,
    tpu.vector_store %arg11[%swap3A_392], %div3A_391 {strides = array<i32>} : memref<512xf32, #tpu.memory_space<vmem>>, vector<16xf32>,
    %get3A_394 = arith.constant 96 : index
    %get3A_395 = tpu.vector_load %arg8[%get3A_394] {strides = array<i32>} : memref<512xf32, #tpu.memory_space<vmem>>, vector<16xf32>,
    %get3A_396 = arith.constant 96 : index
    %get3A_397 = tpu.vector_load %arg9[%get3A_396] {strides = array<i32>} : memref<512xf32, #tpu.memory_space<vmem>>, vector<16xf32>,
    %get3A_398 = arith.constant 96 : index
    %get3A_399 = tpu.vector_load %arg10[%get3A_398] {strides = array<i32>} : memref<512xf32, #tpu.memory_space<vmem>>, vector<16xf32>,
    %mul3A_400 = arith.mulf %get3A_395, %get3A_395 : vector<16xf32>
    %mul3A_401 = arith.mulf %get3A_397, %get3A_397 : vector<16xf32>
    %add3A_402 = arith.addf %mul3A_400, %mul3A_401 : vector<16xf32>
    %mul3A_403 = arith.mulf %get3A_399, %get3A_399 : vector<16xf32>
    %add3A_404 = arith.addf %add3A_402, %mul3A_403 : vector<16xf32>
    %mul3A_405 = arith.constant 3.000000e+00 : f32
    %mul3A_406 = vector.broadcast %mul3A_405 : f32 to vector<16xf32>
    %mul3A_407 = arith.mulf %mul3A_406, %add3A_404 : vector<16xf32>
    %max3A_408 = arith.constant 1.000000e-30 : f32
    %max3A_409 = vector.broadcast %max3A_408 : f32 to vector<16xf32>
    %max3A_410 = arith.maximumf %mul3A_407, %max3A_409 : vector<16xf32>
    %bitcast3A_411 = vector.bitcast %max3A_410 : vector<16xf32> to vector<16xi32>
    %shift_right_arithmetic3A_412 = arith.constant 1 : i32
    %shift_right_arithmetic3A_413 = vector.broadcast %shift_right_arithmetic3A_412 : i32 to vector<16xi32>
    %shift_right_arithmetic3A_414 = arith.shrsi %bitcast3A_411, %shift_right_arithmetic3A_413 : vector<16xi32>
    %sub3A_415 = arith.constant 1597463007 : i32
    %sub3A_416 = vector.broadcast %sub3A_415 : i32 to vector<16xi32>
    %sub3A_417 = arith.subi %sub3A_416, %shift_right_arithmetic3A_414 : vector<16xi32>
    %bitcast3A_418 = vector.bitcast %sub3A_417 : vector<16xi32> to vector<16xf32>
    %mul3A_419 = arith.constant 5.000000e-01 : f32
    %mul3A_420 = vector.broadcast %mul3A_419 : f32 to vector<16xf32>
    %mul3A_421 = arith.mulf %mul3A_420, %max3A_410 : vector<16xf32>
    %mul3A_422 = arith.mulf %mul3A_421, %bitcast3A_418 : vector<16xf32>
    %mul3A_423 = arith.mulf %mul3A_422, %bitcast3A_418 : vector<16xf32>
    %sub3A_424 = arith.constant 1.500000e+00 : f32
    %sub3A_425 = vector.broadcast %sub3A_424 : f32 to vector<16xf32>
    %sub3A_426 = arith.subf %sub3A_425, %mul3A_423 : vector<16xf32>
    %mul3A_427 = arith.mulf %bitcast3A_418, %sub3A_426 : vector<16xf32>
    %mul3A_428 = arith.constant 5.000000e-01 : f32
    %mul3A_429 = vector.broadcast %mul3A_428 : f32 to vector<16xf32>
    %mul3A_430 = arith.mulf %mul3A_429, %max3A_410 : vector<16xf32>
    %mul3A_431 = arith.mulf %mul3A_430, %mul3A_427 : vector<16xf32>
    %mul3A_432 = arith.mulf %mul3A_431, %mul3A_427 : vector<16xf32>
    %sub3A_433 = arith.constant 1.500000e+00 : f32
    %sub3A_434 = vector.broadcast %sub3A_433 : f32 to vector<16xf32>
    %sub3A_435 = arith.subf %sub3A_434, %mul3A_432 : vector<16xf32>
    %mul3A_436 = arith.mulf %mul3A_427, %sub3A_435 : vector<16xf32>
    %mul3A_437 = arith.constant 5.000000e-01 : f32
    %mul3A_438 = vector.broadcast %mul3A_437 : f32 to vector<16xf32>
    %mul3A_439 = arith.mulf %mul3A_438, %max3A_410 : vector<16xf32>
    %mul3A_440 = arith.mulf %mul3A_439, %mul3A_436 : vector<16xf32>
    %mul3A_441 = arith.mulf %mul3A_440, %mul3A_436 : vector<16xf32>
    %sub3A_442 = arith.constant 1.500000e+00 : f32
    %sub3A_443 = vector.broadcast %sub3A_442 : f32 to vector<16xf32>
    %sub3A_444 = arith.subf %sub3A_443, %mul3A_441 : vector<16xf32>
    %mul3A_445 = arith.mulf %mul3A_436, %sub3A_444 : vector<16xf32>
    %mul3A_446 = arith.mulf %mul3A_407, %mul3A_445 : vector<16xf32>
    %neg3A_447 = arith.constant 0.000000e+00 : f32
    %neg3A_448 = vector.broadcast %neg3A_447 : f32 to vector<16xf32>
    %neg3A_449 = arith.subf %neg3A_448, %mul3A_446 : vector<16xf32>
    %exp3A_450 = math.exp %neg3A_449 : vector<16xf32>
    %add3A_451 = arith.constant 1.000000e+00 : f32
    %add3A_452 = vector.broadcast %add3A_451 : f32 to vector<16xf32>
    %add3A_453 = arith.addf %add3A_452, %exp3A_450 : vector<16xf32>
    %div3A_454 = arith.constant 1.000000e+00 : f32
    %div3A_455 = vector.broadcast %div3A_454 : f32 to vector<16xf32>
    %div3A_456 = arith.divf %div3A_455, %add3A_453 : vector<16xf32>
    %swap3A_457 = arith.constant 96 : index
    %swap3A_458 = tpu.vector_load %arg11[%swap3A_457] {strides = array<i32>} : memref<512xf32, #tpu.memory_space<vmem>>, vector<16xf32>,
    tpu.vector_store %arg11[%swap3A_457], %div3A_456 {strides = array<i32>} : memref<512xf32, #tpu.memory_space<vmem>>, vector<16xf32>,
    %get3A_459 = arith.constant 112 : index
    %get3A_460 = tpu.vector_load %arg8[%get3A_459] {strides = array<i32>} : memref<512xf32, #tpu.memory_space<vmem>>, vector<16xf32>,
    %get3A_461 = arith.constant 112 : index
    %get3A_462 = tpu.vector_load %arg9[%get3A_461] {strides = array<i32>} : memref<512xf32, #tpu.memory_space<vmem>>, vector<16xf32>,
    %get3A_463 = arith.constant 112 : index
    %get3A_464 = tpu.vector_load %arg10[%get3A_463] {strides = array<i32>} : memref<512xf32, #tpu.memory_space<vmem>>, vector<16xf32>,
    %mul3A_465 = arith.mulf %get3A_460, %get3A_460 : vector<16xf32>
    %mul3A_466 = arith.mulf %get3A_462, %get3A_462 : vector<16xf32>
    %add3A_467 = arith.addf %mul3A_465, %mul3A_466 : vector<16xf32>
    %mul3A_468 = arith.mulf %get3A_464, %get3A_464 : vector<16xf32>
    %add3A_469 = arith.addf %add3A_467, %mul3A_468 : vector<16xf32>
    %mul3A_470 = arith.constant 3.000000e+00 : f32
    %mul3A_471 = vector.broadcast %mul3A_470 : f32 to vector<16xf32>
    %mul3A_472 = arith.mulf %mul3A_471, %add3A_469 : vector<16xf32>
    %max3A_473 = arith.constant 1.000000e-30 : f32
    %max3A_474 = vector.broadcast %max3A_473 : f32 to vector<16xf32>
    %max3A_475 = arith.maximumf %mul3A_472, %max3A_474 : vector<16xf32>
    %bitcast3A_476 = vector.bitcast %max3A_475 : vector<16xf32> to vector<16xi32>
    %shift_right_arithmetic3A_477 = arith.constant 1 : i32
    %shift_right_arithmetic3A_478 = vector.broadcast %shift_right_arithmetic3A_477 : i32 to vector<16xi32>
    %shift_right_arithmetic3A_479 = arith.shrsi %bitcast3A_476, %shift_right_arithmetic3A_478 : vector<16xi32>
    %sub3A_480 = arith.constant 1597463007 : i32
    %sub3A_481 = vector.broadcast %sub3A_480 : i32 to vector<16xi32>
    %sub3A_482 = arith.subi %sub3A_481, %shift_right_arithmetic3A_479 : vector<16xi32>
    %bitcast3A_483 = vector.bitcast %sub3A_482 : vector<16xi32> to vector<16xf32>
    %mul3A_484 = arith.constant 5.000000e-01 : f32
    %mul3A_485 = vector.broadcast %mul3A_484 : f32 to vector<16xf32>
    %mul3A_486 = arith.mulf %mul3A_485, %max3A_475 : vector<16xf32>
    %mul3A_487 = arith.mulf %mul3A_486, %bitcast3A_483 : vector<16xf32>
    %mul3A_488 = arith.mulf %mul3A_487, %bitcast3A_483 : vector<16xf32>
    %sub3A_489 = arith.constant 1.500000e+00 : f32
    %sub3A_490 = vector.broadcast %sub3A_489 : f32 to vector<16xf32>
    %sub3A_491 = arith.subf %sub3A_490, %mul3A_488 : vector<16xf32>
    %mul3A_492 = arith.mulf %bitcast3A_483, %sub3A_491 : vector<16xf32>
    %mul3A_493 = arith.constant 5.000000e-01 : f32
    %mul3A_494 = vector.broadcast %mul3A_493 : f32 to vector<16xf32>
    %mul3A_495 = arith.mulf %mul3A_494, %max3A_475 : vector<16xf32>
    %mul3A_496 = arith.mulf %mul3A_495, %mul3A_492 : vector<16xf32>
    %mul3A_497 = arith.mulf %mul3A_496, %mul3A_492 : vector<16xf32>
    %sub3A_498 = arith.constant 1.500000e+00 : f32
    %sub3A_499 = vector.broadcast %sub3A_498 : f32 to vector<16xf32>
    %sub3A_500 = arith.subf %sub3A_499, %mul3A_497 : vector<16xf32>
    %mul3A_501 = arith.mulf %mul3A_492, %sub3A_500 : vector<16xf32>
    %mul3A_502 = arith.constant 5.000000e-01 : f32
    %mul3A_503 = vector.broadcast %mul3A_502 : f32 to vector<16xf32>
    %mul3A_504 = arith.mulf %mul3A_503, %max3A_475 : vector<16xf32>
    %mul3A_505 = arith.mulf %mul3A_504, %mul3A_501 : vector<16xf32>
    %mul3A_506 = arith.mulf %mul3A_505, %mul3A_501 : vector<16xf32>
    %sub3A_507 = arith.constant 1.500000e+00 : f32
    %sub3A_508 = vector.broadcast %sub3A_507 : f32 to vector<16xf32>
    %sub3A_509 = arith.subf %sub3A_508, %mul3A_506 : vector<16xf32>
    %mul3A_510 = arith.mulf %mul3A_501, %sub3A_509 : vector<16xf32>
    %mul3A_511 = arith.mulf %mul3A_472, %mul3A_510 : vector<16xf32>
    %neg3A_512 = arith.constant 0.000000e+00 : f32
    %neg3A_513 = vector.broadcast %neg3A_512 : f32 to vector<16xf32>
    %neg3A_514 = arith.subf %neg3A_513, %mul3A_511 : vector<16xf32>
    %exp3A_515 = math.exp %neg3A_514 : vector<16xf32>
    %add3A_516 = arith.constant 1.000000e+00 : f32
    %add3A_517 = vector.broadcast %add3A_516 : f32 to vector<16xf32>
    %add3A_518 = arith.addf %add3A_517, %exp3A_515 : vector<16xf32>
    %div3A_519 = arith.constant 1.000000e+00 : f32
    %div3A_520 = vector.broadcast %div3A_519 : f32 to vector<16xf32>
    %div3A_521 = arith.divf %div3A_520, %add3A_518 : vector<16xf32>
    %swap3A_522 = arith.constant 112 : index
    %swap3A_523 = tpu.vector_load %arg11[%swap3A_522] {strides = array<i32>} : memref<512xf32, #tpu.memory_space<vmem>>, vector<16xf32>,
    tpu.vector_store %arg11[%swap3A_522], %div3A_521 {strides = array<i32>} : memref<512xf32, #tpu.memory_space<vmem>>, vector<16xf32>,
    %get3A_524 = arith.constant 128 : index
    %get3A_525 = tpu.vector_load %arg8[%get3A_524] {strides = array<i32>} : memref<512xf32, #tpu.memory_space<vmem>>, vector<16xf32>,
    %get3A_526 = arith.constant 128 : index
    %get3A_527 = tpu.vector_load %arg9[%get3A_526] {strides = array<i32>} : memref<512xf32, #tpu.memory_space<vmem>>, vector<16xf32>,
    %get3A_528 = arith.constant 128 : index
    %get3A_529 = tpu.vector_load %arg10[%get3A_528] {strides = array<i32>} : memref<512xf32, #tpu.memory_space<vmem>>, vector<16xf32>,
    %mul3A_530 = arith.mulf %get3A_525, %get3A_525 : vector<16xf32>
    %mul3A_531 = arith.mulf %get3A_527, %get3A_527 : vector<16xf32>
    %add3A_532 = arith.addf %mul3A_530, %mul3A_531 : vector<16xf32>
    %mul3A_533 = arith.mulf %get3A_529, %get3A_529 : vector<16xf32>
    %add3A_534 = arith.addf %add3A_532, %mul3A_533 : vector<16xf32>
    %mul3A_535 = arith.constant 3.000000e+00 : f32
    %mul3A_536 = vector.broadcast %mul3A_535 : f32 to vector<16xf32>
    %mul3A_537 = arith.mulf %mul3A_536, %add3A_534 : vector<16xf32>
    %max3A_538 = arith.constant 1.000000e-30 : f32
    %max3A_539 = vector.broadcast %max3A_538 : f32 to vector<16xf32>
    %max3A_540 = arith.maximumf %mul3A_537, %max3A_539 : vector<16xf32>
    %bitcast3A_541 = vector.bitcast %max3A_540 : vector<16xf32> to vector<16xi32>
    %shift_right_arithmetic3A_542 = arith.constant 1 : i32
    %shift_right_arithmetic3A_543 = vector.broadcast %shift_right_arithmetic3A_542 : i32 to vector<16xi32>
    %shift_right_arithmetic3A_544 = arith.shrsi %bitcast3A_541, %shift_right_arithmetic3A_543 : vector<16xi32>
    %sub3A_545 = arith.constant 1597463007 : i32
    %sub3A_546 = vector.broadcast %sub3A_545 : i32 to vector<16xi32>
    %sub3A_547 = arith.subi %sub3A_546, %shift_right_arithmetic3A_544 : vector<16xi32>
    %bitcast3A_548 = vector.bitcast %sub3A_547 : vector<16xi32> to vector<16xf32>
    %mul3A_549 = arith.constant 5.000000e-01 : f32
    %mul3A_550 = vector.broadcast %mul3A_549 : f32 to vector<16xf32>
    %mul3A_551 = arith.mulf %mul3A_550, %max3A_540 : vector<16xf32>
    %mul3A_552 = arith.mulf %mul3A_551, %bitcast3A_548 : vector<16xf32>
    %mul3A_553 = arith.mulf %mul3A_552, %bitcast3A_548 : vector<16xf32>
    %sub3A_554 = arith.constant 1.500000e+00 : f32
    %sub3A_555 = vector.broadcast %sub3A_554 : f32 to vector<16xf32>
    %sub3A_556 = arith.subf %sub3A_555, %mul3A_553 : vector<16xf32>
    %mul3A_557 = arith.mulf %bitcast3A_548, %sub3A_556 : vector<16xf32>
    %mul3A_558 = arith.constant 5.000000e-01 : f32
    %mul3A_559 = vector.broadcast %mul3A_558 : f32 to vector<16xf32>
    %mul3A_560 = arith.mulf %mul3A_559, %max3A_540 : vector<16xf32>
    %mul3A_561 = arith.mulf %mul3A_560, %mul3A_557 : vector<16xf32>
    %mul3A_562 = arith.mulf %mul3A_561, %mul3A_557 : vector<16xf32>
    %sub3A_563 = arith.constant 1.500000e+00 : f32
    %sub3A_564 = vector.broadcast %sub3A_563 : f32 to vector<16xf32>
    %sub3A_565 = arith.subf %sub3A_564, %mul3A_562 : vector<16xf32>
    %mul3A_566 = arith.mulf %mul3A_557, %sub3A_565 : vector<16xf32>
    %mul3A_567 = arith.constant 5.000000e-01 : f32
    %mul3A_568 = vector.broadcast %mul3A_567 : f32 to vector<16xf32>
    %mul3A_569 = arith.mulf %mul3A_568, %max3A_540 : vector<16xf32>
    %mul3A_570 = arith.mulf %mul3A_569, %mul3A_566 : vector<16xf32>
    %mul3A_571 = arith.mulf %mul3A_570, %mul3A_566 : vector<16xf32>
    %sub3A_572 = arith.constant 1.500000e+00 : f32
    %sub3A_573 = vector.broadcast %sub3A_572 : f32 to vector<16xf32>
    %sub3A_574 = arith.subf %sub3A_573, %mul3A_571 : vector<16xf32>
    %mul3A_575 = arith.mulf %mul3A_566, %sub3A_574 : vector<16xf32>
    %mul3A_576 = arith.mulf %mul3A_537, %mul3A_575 : vector<16xf32>
    %neg3A_577 = arith.constant 0.000000e+00 : f32
    %neg3A_578 = vector.broadcast %neg3A_577 : f32 to vector<16xf32>
    %neg3A_579 = arith.subf %neg3A_578, %mul3A_576 : vector<16xf32>
    %exp3A_580 = math.exp %neg3A_579 : vector<16xf32>
    %add3A_581 = arith.constant 1.000000e+00 : f32
    %add3A_582 = vector.broadcast %add3A_581 : f32 to vector<16xf32>
    %add3A_583 = arith.addf %add3A_582, %exp3A_580 : vector<16xf32>
    %div3A_584 = arith.constant 1.000000e+00 : f32
    %div3A_585 = vector.broadcast %div3A_584 : f32 to vector<16xf32>
    %div3A_586 = arith.divf %div3A_585, %add3A_583 : vector<16xf32>
    %swap3A_587 = arith.constant 128 : index
    %swap3A_588 = tpu.vector_load %arg11[%swap3A_587] {strides = array<i32>} : memref<512xf32, #tpu.memory_space<vmem>>, vector<16xf32>,
    tpu.vector_store %arg11[%swap3A_587], %div3A_586 {strides = array<i32>} : memref<512xf32, #tpu.memory_space<vmem>>, vector<16xf32>,
    %get3A_589 = arith.constant 144 : index
    %get3A_590 = tpu.vector_load %arg8[%get3A_589] {strides = array<i32>} : memref<512xf32, #tpu.memory_space<vmem>>, vector<16xf32>,
    %get3A_591 = arith.constant 144 : index
    %get3A_592 = tpu.vector_load %arg9[%get3A_591] {strides = array<i32>} : memref<512xf32, #tpu.memory_space<vmem>>, vector<16xf32>,
    %get3A_593 = arith.constant 144 : index
    %get3A_594 = tpu.vector_load %arg10[%get3A_593] {strides = array<i32>} : memref<512xf32, #tpu.memory_space<vmem>>, vector<16xf32>,
    %mul3A_595 = arith.mulf %get3A_590, %get3A_590 : vector<16xf32>
    %mul3A_596 = arith.mulf %get3A_592, %get3A_592 : vector<16xf32>
    %add3A_597 = arith.addf %mul3A_595, %mul3A_596 : vector<16xf32>
    %mul3A_598 = arith.mulf %get3A_594, %get3A_594 : vector<16xf32>
    %add3A_599 = arith.addf %add3A_597, %mul3A_598 : vector<16xf32>
    %mul3A_600 = arith.constant 3.000000e+00 : f32
    %mul3A_601 = vector.broadcast %mul3A_600 : f32 to vector<16xf32>
    %mul3A_602 = arith.mulf %mul3A_601, %add3A_599 : vector<16xf32>
    %max3A_603 = arith.constant 1.000000e-30 : f32
    %max3A_604 = vector.broadcast %max3A_603 : f32 to vector<16xf32>
    %max3A_605 = arith.maximumf %mul3A_602, %max3A_604 : vector<16xf32>
    %bitcast3A_606 = vector.bitcast %max3A_605 : vector<16xf32> to vector<16xi32>
    %shift_right_arithmetic3A_607 = arith.constant 1 : i32
    %shift_right_arithmetic3A_608 = vector.broadcast %shift_right_arithmetic3A_607 : i32 to vector<16xi32>
    %shift_right_arithmetic3A_609 = arith.shrsi %bitcast3A_606, %shift_right_arithmetic3A_608 : vector<16xi32>
    %sub3A_610 = arith.constant 1597463007 : i32
    %sub3A_611 = vector.broadcast %sub3A_610 : i32 to vector<16xi32>
    %sub3A_612 = arith.subi %sub3A_611, %shift_right_arithmetic3A_609 : vector<16xi32>
    %bitcast3A_613 = vector.bitcast %sub3A_612 : vector<16xi32> to vector<16xf32>
    %mul3A_614 = arith.constant 5.000000e-01 : f32
    %mul3A_615 = vector.broadcast %mul3A_614 : f32 to vector<16xf32>
    %mul3A_616 = arith.mulf %mul3A_615, %max3A_605 : vector<16xf32>
    %mul3A_617 = arith.mulf %mul3A_616, %bitcast3A_613 : vector<16xf32>
    %mul3A_618 = arith.mulf %mul3A_617, %bitcast3A_613 : vector<16xf32>
    %sub3A_619 = arith.constant 1.500000e+00 : f32
    %sub3A_620 = vector.broadcast %sub3A_619 : f32 to vector<16xf32>
    %sub3A_621 = arith.subf %sub3A_620, %mul3A_618 : vector<16xf32>
    %mul3A_622 = arith.mulf %bitcast3A_613, %sub3A_621 : vector<16xf32>
    %mul3A_623 = arith.constant 5.000000e-01 : f32
    %mul3A_624 = vector.broadcast %mul3A_623 : f32 to vector<16xf32>
    %mul3A_625 = arith.mulf %mul3A_624, %max3A_605 : vector<16xf32>
    %mul3A_626 = arith.mulf %mul3A_625, %mul3A_622 : vector<16xf32>
    %mul3A_627 = arith.mulf %mul3A_626, %mul3A_622 : vector<16xf32>
    %sub3A_628 = arith.constant 1.500000e+00 : f32
    %sub3A_629 = vector.broadcast %sub3A_628 : f32 to vector<16xf32>
    %sub3A_630 = arith.subf %sub3A_629, %mul3A_627 : vector<16xf32>
    %mul3A_631 = arith.mulf %mul3A_622, %sub3A_630 : vector<16xf32>
    %mul3A_632 = arith.constant 5.000000e-01 : f32
    %mul3A_633 = vector.broadcast %mul3A_632 : f32 to vector<16xf32>
    %mul3A_634 = arith.mulf %mul3A_633, %max3A_605 : vector<16xf32>
    %mul3A_635 = arith.mulf %mul3A_634, %mul3A_631 : vector<16xf32>
    %mul3A_636 = arith.mulf %mul3A_635, %mul3A_631 : vector<16xf32>
    %sub3A_637 = arith.constant 1.500000e+00 : f32
    %sub3A_638 = vector.broadcast %sub3A_637 : f32 to vector<16xf32>
    %sub3A_639 = arith.subf %sub3A_638, %mul3A_636 : vector<16xf32>
    %mul3A_640 = arith.mulf %mul3A_631, %sub3A_639 : vector<16xf32>
    %mul3A_641 = arith.mulf %mul3A_602, %mul3A_640 : vector<16xf32>
    %neg3A_642 = arith.constant 0.000000e+00 : f32
    %neg3A_643 = vector.broadcast %neg3A_642 : f32 to vector<16xf32>
    %neg3A_644 = arith.subf %neg3A_643, %mul3A_641 : vector<16xf32>
    %exp3A_645 = math.exp %neg3A_644 : vector<16xf32>
    %add3A_646 = arith.constant 1.000000e+00 : f32
    %add3A_647 = vector.broadcast %add3A_646 : f32 to vector<16xf32>
    %add3A_648 = arith.addf %add3A_647, %exp3A_645 : vector<16xf32>
    %div3A_649 = arith.constant 1.000000e+00 : f32
    %div3A_650 = vector.broadcast %div3A_649 : f32 to vector<16xf32>
    %div3A_651 = arith.divf %div3A_650, %add3A_648 : vector<16xf32>
    %swap3A_652 = arith.constant 144 : index
    %swap3A_653 = tpu.vector_load %arg11[%swap3A_652] {strides = array<i32>} : memref<512xf32, #tpu.memory_space<vmem>>, vector<16xf32>,
    tpu.vector_store %arg11[%swap3A_652], %div3A_651 {strides = array<i32>} : memref<512xf32, #tpu.memory_space<vmem>>, vector<16xf32>,
    %get3A_654 = arith.constant 160 : index
    %get3A_655 = tpu.vector_load %arg8[%get3A_654] {strides = array<i32>} : memref<512xf32, #tpu.memory_space<vmem>>, vector<16xf32>,
    %get3A_656 = arith.constant 160 : index
    %get3A_657 = tpu.vector_load %arg9[%get3A_656] {strides = array<i32>} : memref<512xf32, #tpu.memory_space<vmem>>, vector<16xf32>,
    %get3A_658 = arith.constant 160 : index
    %get3A_659 = tpu.vector_load %arg10[%get3A_658] {strides = array<i32>} : memref<512xf32, #tpu.memory_space<vmem>>, vector<16xf32>,
    %mul3A_660 = arith.mulf %get3A_655, %get3A_655 : vector<16xf32>
    %mul3A_661 = arith.mulf %get3A_657, %get3A_657 : vector<16xf32>
    %add3A_662 = arith.addf %mul3A_660, %mul3A_661 : vector<16xf32>
    %mul3A_663 = arith.mulf %get3A_659, %get3A_659 : vector<16xf32>
    %add3A_664 = arith.addf %add3A_662, %mul3A_663 : vector<16xf32>
    %mul3A_665 = arith.constant 3.000000e+00 : f32
    %mul3A_666 = vector.broadcast %mul3A_665 : f32 to vector<16xf32>
    %mul3A_667 = arith.mulf %mul3A_666, %add3A_664 : vector<16xf32>
    %max3A_668 = arith.constant 1.000000e-30 : f32
    %max3A_669 = vector.broadcast %max3A_668 : f32 to vector<16xf32>
    %max3A_670 = arith.maximumf %mul3A_667, %max3A_669 : vector<16xf32>
    %bitcast3A_671 = vector.bitcast %max3A_670 : vector<16xf32> to vector<16xi32>
    %shift_right_arithmetic3A_672 = arith.constant 1 : i32
    %shift_right_arithmetic3A_673 = vector.broadcast %shift_right_arithmetic3A_672 : i32 to vector<16xi32>
    %shift_right_arithmetic3A_674 = arith.shrsi %bitcast3A_671, %shift_right_arithmetic3A_673 : vector<16xi32>
    %sub3A_675 = arith.constant 1597463007 : i32
    %sub3A_676 = vector.broadcast %sub3A_675 : i32 to vector<16xi32>
    %sub3A_677 = arith.subi %sub3A_676, %shift_right_arithmetic3A_674 : vector<16xi32>
    %bitcast3A_678 = vector.bitcast %sub3A_677 : vector<16xi32> to vector<16xf32>
    %mul3A_679 = arith.constant 5.000000e-01 : f32
    %mul3A_680 = vector.broadcast %mul3A_679 : f32 to vector<16xf32>
    %mul3A_681 = arith.mulf %mul3A_680, %max3A_670 : vector<16xf32>
    %mul3A_682 = arith.mulf %mul3A_681, %bitcast3A_678 : vector<16xf32>
    %mul3A_683 = arith.mulf %mul3A_682, %bitcast3A_678 : vector<16xf32>
    %sub3A_684 = arith.constant 1.500000e+00 : f32
    %sub3A_685 = vector.broadcast %sub3A_684 : f32 to vector<16xf32>
    %sub3A_686 = arith.subf %sub3A_685, %mul3A_683 : vector<16xf32>
    %mul3A_687 = arith.mulf %bitcast3A_678, %sub3A_686 : vector<16xf32>
    %mul3A_688 = arith.constant 5.000000e-01 : f32
    %mul3A_689 = vector.broadcast %mul3A_688 : f32 to vector<16xf32>
    %mul3A_690 = arith.mulf %mul3A_689, %max3A_670 : vector<16xf32>
    %mul3A_691 = arith.mulf %mul3A_690, %mul3A_687 : vector<16xf32>
    %mul3A_692 = arith.mulf %mul3A_691, %mul3A_687 : vector<16xf32>
    %sub3A_693 = arith.constant 1.500000e+00 : f32
    %sub3A_694 = vector.broadcast %sub3A_693 : f32 to vector<16xf32>
    %sub3A_695 = arith.subf %sub3A_694, %mul3A_692 : vector<16xf32>
    %mul3A_696 = arith.mulf %mul3A_687, %sub3A_695 : vector<16xf32>
    %mul3A_697 = arith.constant 5.000000e-01 : f32
    %mul3A_698 = vector.broadcast %mul3A_697 : f32 to vector<16xf32>
    %mul3A_699 = arith.mulf %mul3A_698, %max3A_670 : vector<16xf32>
    %mul3A_700 = arith.mulf %mul3A_699, %mul3A_696 : vector<16xf32>
    %mul3A_701 = arith.mulf %mul3A_700, %mul3A_696 : vector<16xf32>
    %sub3A_702 = arith.constant 1.500000e+00 : f32
    %sub3A_703 = vector.broadcast %sub3A_702 : f32 to vector<16xf32>
    %sub3A_704 = arith.subf %sub3A_703, %mul3A_701 : vector<16xf32>
    %mul3A_705 = arith.mulf %mul3A_696, %sub3A_704 : vector<16xf32>
    %mul3A_706 = arith.mulf %mul3A_667, %mul3A_705 : vector<16xf32>
    %neg3A_707 = arith.constant 0.000000e+00 : f32
    %neg3A_708 = vector.broadcast %neg3A_707 : f32 to vector<16xf32>
    %neg3A_709 = arith.subf %neg3A_708, %mul3A_706 : vector<16xf32>
    %exp3A_710 = math.exp %neg3A_709 : vector<16xf32>
    %add3A_711 = arith.constant 1.000000e+00 : f32
    %add3A_712 = vector.broadcast %add3A_711 : f32 to vector<16xf32>
    %add3A_713 = arith.addf %add3A_712, %exp3A_710 : vector<16xf32>
    %div3A_714 = arith.constant 1.000000e+00 : f32
    %div3A_715 = vector.broadcast %div3A_714 : f32 to vector<16xf32>
    %div3A_716 = arith.divf %div3A_715, %add3A_713 : vector<16xf32>
    %swap3A_717 = arith.constant 160 : index
    %swap3A_718 = tpu.vector_load %arg11[%swap3A_717] {strides = array<i32>} : memref<512xf32, #tpu.memory_space<vmem>>, vector<16xf32>,
    tpu.vector_store %arg11[%swap3A_717], %div3A_716 {strides = array<i32>} : memref<512xf32, #tpu.memory_space<vmem>>, vector<16xf32>,
    %get3A_719 = arith.constant 176 : index
    %get3A_720 = tpu.vector_load %arg8[%get3A_719] {strides = array<i32>} : memref<512xf32, #tpu.memory_space<vmem>>, vector<16xf32>,
    %get3A_721 = arith.constant 176 : index
    %get3A_722 = tpu.vector_load %arg9[%get3A_721] {strides = array<i32>} : memref<512xf32, #tpu.memory_space<vmem>>, vector<16xf32>,
    %get3A_723 = arith.constant 176 : index
    %get3A_724 = tpu.vector_load %arg10[%get3A_723] {strides = array<i32>} : memref<512xf32, #tpu.memory_space<vmem>>, vector<16xf32>,
    %mul3A_725 = arith.mulf %get3A_720, %get3A_720 : vector<16xf32>
    %mul3A_726 = arith.mulf %get3A_722, %get3A_722 : vector<16xf32>
    %add3A_727 = arith.addf %mul3A_725, %mul3A_726 : vector<16xf32>
    %mul3A_728 = arith.mulf %get3A_724, %get3A_724 : vector<16xf32>
    %add3A_729 = arith.addf %add3A_727, %mul3A_728 : vector<16xf32>
    %mul3A_730 = arith.constant 3.000000e+00 : f32
    %mul3A_731 = vector.broadcast %mul3A_730 : f32 to vector<16xf32>
    %mul3A_732 = arith.mulf %mul3A_731, %add3A_729 : vector<16xf32>
    %max3A_733 = arith.constant 1.000000e-30 : f32
    %max3A_734 = vector.broadcast %max3A_733 : f32 to vector<16xf32>
    %max3A_735 = arith.maximumf %mul3A_732, %max3A_734 : vector<16xf32>
    %bitcast3A_736 = vector.bitcast %max3A_735 : vector<16xf32> to vector<16xi32>
    %shift_right_arithmetic3A_737 = arith.constant 1 : i32
    %shift_right_arithmetic3A_738 = vector.broadcast %shift_right_arithmetic3A_737 : i32 to vector<16xi32>
    %shift_right_arithmetic3A_739 = arith.shrsi %bitcast3A_736, %shift_right_arithmetic3A_738 : vector<16xi32>
    %sub3A_740 = arith.constant 1597463007 : i32
    %sub3A_741 = vector.broadcast %sub3A_740 : i32 to vector<16xi32>
    %sub3A_742 = arith.subi %sub3A_741, %shift_right_arithmetic3A_739 : vector<16xi32>
    %bitcast3A_743 = vector.bitcast %sub3A_742 : vector<16xi32> to vector<16xf32>
    %mul3A_744 = arith.constant 5.000000e-01 : f32
    %mul3A_745 = vector.broadcast %mul3A_744 : f32 to vector<16xf32>
    %mul3A_746 = arith.mulf %mul3A_745, %max3A_735 : vector<16xf32>
    %mul3A_747 = arith.mulf %mul3A_746, %bitcast3A_743 : vector<16xf32>
    %mul3A_748 = arith.mulf %mul3A_747, %bitcast3A_743 : vector<16xf32>
    %sub3A_749 = arith.constant 1.500000e+00 : f32
    %sub3A_750 = vector.broadcast %sub3A_749 : f32 to vector<16xf32>
    %sub3A_751 = arith.subf %sub3A_750, %mul3A_748 : vector<16xf32>
    %mul3A_752 = arith.mulf %bitcast3A_743, %sub3A_751 : vector<16xf32>
    %mul3A_753 = arith.constant 5.000000e-01 : f32
    %mul3A_754 = vector.broadcast %mul3A_753 : f32 to vector<16xf32>
    %mul3A_755 = arith.mulf %mul3A_754, %max3A_735 : vector<16xf32>
    %mul3A_756 = arith.mulf %mul3A_755, %mul3A_752 : vector<16xf32>
    %mul3A_757 = arith.mulf %mul3A_756, %mul3A_752 : vector<16xf32>
    %sub3A_758 = arith.constant 1.500000e+00 : f32
    %sub3A_759 = vector.broadcast %sub3A_758 : f32 to vector<16xf32>
    %sub3A_760 = arith.subf %sub3A_759, %mul3A_757 : vector<16xf32>
    %mul3A_761 = arith.mulf %mul3A_752, %sub3A_760 : vector<16xf32>
    %mul3A_762 = arith.constant 5.000000e-01 : f32
    %mul3A_763 = vector.broadcast %mul3A_762 : f32 to vector<16xf32>
    %mul3A_764 = arith.mulf %mul3A_763, %max3A_735 : vector<16xf32>
    %mul3A_765 = arith.mulf %mul3A_764, %mul3A_761 : vector<16xf32>
    %mul3A_766 = arith.mulf %mul3A_765, %mul3A_761 : vector<16xf32>
    %sub3A_767 = arith.constant 1.500000e+00 : f32
    %sub3A_768 = vector.broadcast %sub3A_767 : f32 to vector<16xf32>
    %sub3A_769 = arith.subf %sub3A_768, %mul3A_766 : vector<16xf32>
    %mul3A_770 = arith.mulf %mul3A_761, %sub3A_769 : vector<16xf32>
    %mul3A_771 = arith.mulf %mul3A_732, %mul3A_770 : vector<16xf32>
    %neg3A_772 = arith.constant 0.000000e+00 : f32
    %neg3A_773 = vector.broadcast %neg3A_772 : f32 to vector<16xf32>
    %neg3A_774 = arith.subf %neg3A_773, %mul3A_771 : vector<16xf32>
    %exp3A_775 = math.exp %neg3A_774 : vector<16xf32>
    %add3A_776 = arith.constant 1.000000e+00 : f32
    %add3A_777 = vector.broadcast %add3A_776 : f32 to vector<16xf32>
    %add3A_778 = arith.addf %add3A_777, %exp3A_775 : vector<16xf32>
    %div3A_779 = arith.constant 1.000000e+00 : f32
    %div3A_780 = vector.broadcast %div3A_779 : f32 to vector<16xf32>
    %div3A_781 = arith.divf %div3A_780, %add3A_778 : vector<16xf32>
    %swap3A_782 = arith.constant 176 : index
    %swap3A_783 = tpu.vector_load %arg11[%swap3A_782] {strides = array<i32>} : memref<512xf32, #tpu.memory_space<vmem>>, vector<16xf32>,
    tpu.vector_store %arg11[%swap3A_782], %div3A_781 {strides = array<i32>} : memref<512xf32, #tpu.memory_space<vmem>>, vector<16xf32>,
    %get3A_784 = arith.constant 192 : index
    %get3A_785 = tpu.vector_load %arg8[%get3A_784] {strides = array<i32>} : memref<512xf32, #tpu.memory_space<vmem>>, vector<16xf32>,
    %get3A_786 = arith.constant 192 : index
    %get3A_787 = tpu.vector_load %arg9[%get3A_786] {strides = array<i32>} : memref<512xf32, #tpu.memory_space<vmem>>, vector<16xf32>,
    %get3A_788 = arith.constant 192 : index
    %get3A_789 = tpu.vector_load %arg10[%get3A_788] {strides = array<i32>} : memref<512xf32, #tpu.memory_space<vmem>>, vector<16xf32>,
    %mul3A_790 = arith.mulf %get3A_785, %get3A_785 : vector<16xf32>
    %mul3A_791 = arith.mulf %get3A_787, %get3A_787 : vector<16xf32>
    %add3A_792 = arith.addf %mul3A_790, %mul3A_791 : vector<16xf32>
    %mul3A_793 = arith.mulf %get3A_789, %get3A_789 : vector<16xf32>
    %add3A_794 = arith.addf %add3A_792, %mul3A_793 : vector<16xf32>
    %mul3A_795 = arith.constant 3.000000e+00 : f32
    %mul3A_796 = vector.broadcast %mul3A_795 : f32 to vector<16xf32>
    %mul3A_797 = arith.mulf %mul3A_796, %add3A_794 : vector<16xf32>
    %max3A_798 = arith.constant 1.000000e-30 : f32
    %max3A_799 = vector.broadcast %max3A_798 : f32 to vector<16xf32>
    %max3A_800 = arith.maximumf %mul3A_797, %max3A_799 : vector<16xf32>
    %bitcast3A_801 = vector.bitcast %max3A_800 : vector<16xf32> to vector<16xi32>
    %shift_right_arithmetic3A_802 = arith.constant 1 : i32
    %shift_right_arithmetic3A_803 = vector.broadcast %shift_right_arithmetic3A_802 : i32 to vector<16xi32>
    %shift_right_arithmetic3A_804 = arith.shrsi %bitcast3A_801, %shift_right_arithmetic3A_803 : vector<16xi32>
    %sub3A_805 = arith.constant 1597463007 : i32
    %sub3A_806 = vector.broadcast %sub3A_805 : i32 to vector<16xi32>
    %sub3A_807 = arith.subi %sub3A_806, %shift_right_arithmetic3A_804 : vector<16xi32>
    %bitcast3A_808 = vector.bitcast %sub3A_807 : vector<16xi32> to vector<16xf32>
    %mul3A_809 = arith.constant 5.000000e-01 : f32
    %mul3A_810 = vector.broadcast %mul3A_809 : f32 to vector<16xf32>
    %mul3A_811 = arith.mulf %mul3A_810, %max3A_800 : vector<16xf32>
    %mul3A_812 = arith.mulf %mul3A_811, %bitcast3A_808 : vector<16xf32>
    %mul3A_813 = arith.mulf %mul3A_812, %bitcast3A_808 : vector<16xf32>
    %sub3A_814 = arith.constant 1.500000e+00 : f32
    %sub3A_815 = vector.broadcast %sub3A_814 : f32 to vector<16xf32>
    %sub3A_816 = arith.subf %sub3A_815, %mul3A_813 : vector<16xf32>
    %mul3A_817 = arith.mulf %bitcast3A_808, %sub3A_816 : vector<16xf32>
    %mul3A_818 = arith.constant 5.000000e-01 : f32
    %mul3A_819 = vector.broadcast %mul3A_818 : f32 to vector<16xf32>
    %mul3A_820 = arith.mulf %mul3A_819, %max3A_800 : vector<16xf32>
    %mul3A_821 = arith.mulf %mul3A_820, %mul3A_817 : vector<16xf32>
    %mul3A_822 = arith.mulf %mul3A_821, %mul3A_817 : vector<16xf32>
    %sub3A_823 = arith.constant 1.500000e+00 : f32
    %sub3A_824 = vector.broadcast %sub3A_823 : f32 to vector<16xf32>
    %sub3A_825 = arith.subf %sub3A_824, %mul3A_822 : vector<16xf32>
    %mul3A_826 = arith.mulf %mul3A_817, %sub3A_825 : vector<16xf32>
    %mul3A_827 = arith.constant 5.000000e-01 : f32
    %mul3A_828 = vector.broadcast %mul3A_827 : f32 to vector<16xf32>
    %mul3A_829 = arith.mulf %mul3A_828, %max3A_800 : vector<16xf32>
    %mul3A_830 = arith.mulf %mul3A_829, %mul3A_826 : vector<16xf32>
    %mul3A_831 = arith.mulf %mul3A_830, %mul3A_826 : vector<16xf32>
    %sub3A_832 = arith.constant 1.500000e+00 : f32
    %sub3A_833 = vector.broadcast %sub3A_832 : f32 to vector<16xf32>
    %sub3A_834 = arith.subf %sub3A_833, %mul3A_831 : vector<16xf32>
    %mul3A_835 = arith.mulf %mul3A_826, %sub3A_834 : vector<16xf32>
    %mul3A_836 = arith.mulf %mul3A_797, %mul3A_835 : vector<16xf32>
    %neg3A_837 = arith.constant 0.000000e+00 : f32
    %neg3A_838 = vector.broadcast %neg3A_837 : f32 to vector<16xf32>
    %neg3A_839 = arith.subf %neg3A_838, %mul3A_836 : vector<16xf32>
    %exp3A_840 = math.exp %neg3A_839 : vector<16xf32>
    %add3A_841 = arith.constant 1.000000e+00 : f32
    %add3A_842 = vector.broadcast %add3A_841 : f32 to vector<16xf32>
    %add3A_843 = arith.addf %add3A_842, %exp3A_840 : vector<16xf32>
    %div3A_844 = arith.constant 1.000000e+00 : f32
    %div3A_845 = vector.broadcast %div3A_844 : f32 to vector<16xf32>
    %div3A_846 = arith.divf %div3A_845, %add3A_843 : vector<16xf32>
    %swap3A_847 = arith.constant 192 : index
    %swap3A_848 = tpu.vector_load %arg11[%swap3A_847] {strides = array<i32>} : memref<512xf32, #tpu.memory_space<vmem>>, vector<16xf32>,
    tpu.vector_store %arg11[%swap3A_847], %div3A_846 {strides = array<i32>} : memref<512xf32, #tpu.memory_space<vmem>>, vector<16xf32>,
    %get3A_849 = arith.constant 208 : index
    %get3A_850 = tpu.vector_load %arg8[%get3A_849] {strides = array<i32>} : memref<512xf32, #tpu.memory_space<vmem>>, vector<16xf32>,
    %get3A_851 = arith.constant 208 : index
    %get3A_852 = tpu.vector_load %arg9[%get3A_851] {strides = array<i32>} : memref<512xf32, #tpu.memory_space<vmem>>, vector<16xf32>,
    %get3A_853 = arith.constant 208 : index
    %get3A_854 = tpu.vector_load %arg10[%get3A_853] {strides = array<i32>} : memref<512xf32, #tpu.memory_space<vmem>>, vector<16xf32>,
    %mul3A_855 = arith.mulf %get3A_850, %get3A_850 : vector<16xf32>
    %mul3A_856 = arith.mulf %get3A_852, %get3A_852 : vector<16xf32>
    %add3A_857 = arith.addf %mul3A_855, %mul3A_856 : vector<16xf32>
    %mul3A_858 = arith.mulf %get3A_854, %get3A_854 : vector<16xf32>
    %add3A_859 = arith.addf %add3A_857, %mul3A_858 : vector<16xf32>
    %mul3A_860 = arith.constant 3.000000e+00 : f32
    %mul3A_861 = vector.broadcast %mul3A_860 : f32 to vector<16xf32>
    %mul3A_862 = arith.mulf %mul3A_861, %add3A_859 : vector<16xf32>
    %max3A_863 = arith.constant 1.000000e-30 : f32
    %max3A_864 = vector.broadcast %max3A_863 : f32 to vector<16xf32>
    %max3A_865 = arith.maximumf %mul3A_862, %max3A_864 : vector<16xf32>
    %bitcast3A_866 = vector.bitcast %max3A_865 : vector<16xf32> to vector<16xi32>
    %shift_right_arithmetic3A_867 = arith.constant 1 : i32
    %shift_right_arithmetic3A_868 = vector.broadcast %shift_right_arithmetic3A_867 : i32 to vector<16xi32>
    %shift_right_arithmetic3A_869 = arith.shrsi %bitcast3A_866, %shift_right_arithmetic3A_868 : vector<16xi32>
    %sub3A_870 = arith.constant 1597463007 : i32
    %sub3A_871 = vector.broadcast %sub3A_870 : i32 to vector<16xi32>
    %sub3A_872 = arith.subi %sub3A_871, %shift_right_arithmetic3A_869 : vector<16xi32>
    %bitcast3A_873 = vector.bitcast %sub3A_872 : vector<16xi32> to vector<16xf32>
    %mul3A_874 = arith.constant 5.000000e-01 : f32
    %mul3A_875 = vector.broadcast %mul3A_874 : f32 to vector<16xf32>
    %mul3A_876 = arith.mulf %mul3A_875, %max3A_865 : vector<16xf32>
    %mul3A_877 = arith.mulf %mul3A_876, %bitcast3A_873 : vector<16xf32>
    %mul3A_878 = arith.mulf %mul3A_877, %bitcast3A_873 : vector<16xf32>
    %sub3A_879 = arith.constant 1.500000e+00 : f32
    %sub3A_880 = vector.broadcast %sub3A_879 : f32 to vector<16xf32>
    %sub3A_881 = arith.subf %sub3A_880, %mul3A_878 : vector<16xf32>
    %mul3A_882 = arith.mulf %bitcast3A_873, %sub3A_881 : vector<16xf32>
    %mul3A_883 = arith.constant 5.000000e-01 : f32
    %mul3A_884 = vector.broadcast %mul3A_883 : f32 to vector<16xf32>
    %mul3A_885 = arith.mulf %mul3A_884, %max3A_865 : vector<16xf32>
    %mul3A_886 = arith.mulf %mul3A_885, %mul3A_882 : vector<16xf32>
    %mul3A_887 = arith.mulf %mul3A_886, %mul3A_882 : vector<16xf32>
    %sub3A_888 = arith.constant 1.500000e+00 : f32
    %sub3A_889 = vector.broadcast %sub3A_888 : f32 to vector<16xf32>
    %sub3A_890 = arith.subf %sub3A_889, %mul3A_887 : vector<16xf32>
    %mul3A_891 = arith.mulf %mul3A_882, %sub3A_890 : vector<16xf32>
    %mul3A_892 = arith.constant 5.000000e-01 : f32
    %mul3A_893 = vector.broadcast %mul3A_892 : f32 to vector<16xf32>
    %mul3A_894 = arith.mulf %mul3A_893, %max3A_865 : vector<16xf32>
    %mul3A_895 = arith.mulf %mul3A_894, %mul3A_891 : vector<16xf32>
    %mul3A_896 = arith.mulf %mul3A_895, %mul3A_891 : vector<16xf32>
    %sub3A_897 = arith.constant 1.500000e+00 : f32
    %sub3A_898 = vector.broadcast %sub3A_897 : f32 to vector<16xf32>
    %sub3A_899 = arith.subf %sub3A_898, %mul3A_896 : vector<16xf32>
    %mul3A_900 = arith.mulf %mul3A_891, %sub3A_899 : vector<16xf32>
    %mul3A_901 = arith.mulf %mul3A_862, %mul3A_900 : vector<16xf32>
    %neg3A_902 = arith.constant 0.000000e+00 : f32
    %neg3A_903 = vector.broadcast %neg3A_902 : f32 to vector<16xf32>
    %neg3A_904 = arith.subf %neg3A_903, %mul3A_901 : vector<16xf32>
    %exp3A_905 = math.exp %neg3A_904 : vector<16xf32>
    %add3A_906 = arith.constant 1.000000e+00 : f32
    %add3A_907 = vector.broadcast %add3A_906 : f32 to vector<16xf32>
    %add3A_908 = arith.addf %add3A_907, %exp3A_905 : vector<16xf32>
    %div3A_909 = arith.constant 1.000000e+00 : f32
    %div3A_910 = vector.broadcast %div3A_909 : f32 to vector<16xf32>
    %div3A_911 = arith.divf %div3A_910, %add3A_908 : vector<16xf32>
    %swap3A_912 = arith.constant 208 : index
    %swap3A_913 = tpu.vector_load %arg11[%swap3A_912] {strides = array<i32>} : memref<512xf32, #tpu.memory_space<vmem>>, vector<16xf32>,
    tpu.vector_store %arg11[%swap3A_912], %div3A_911 {strides = array<i32>} : memref<512xf32, #tpu.memory_space<vmem>>, vector<16xf32>,
    %get3A_914 = arith.constant 224 : index
    %get3A_915 = tpu.vector_load %arg8[%get3A_914] {strides = array<i32>} : memref<512xf32, #tpu.memory_space<vmem>>, vector<16xf32>,
    %get3A_916 = arith.constant 224 : index
    %get3A_917 = tpu.vector_load %arg9[%get3A_916] {strides = array<i32>} : memref<512xf32, #tpu.memory_space<vmem>>, vector<16xf32>,
    %get3A_918 = arith.constant 224 : index
    %get3A_919 = tpu.vector_load %arg10[%get3A_918] {strides = array<i32>} : memref<512xf32, #tpu.memory_space<vmem>>, vector<16xf32>,
    %mul3A_920 = arith.mulf %get3A_915, %get3A_915 : vector<16xf32>
    %mul3A_921 = arith.mulf %get3A_917, %get3A_917 : vector<16xf32>
    %add3A_922 = arith.addf %mul3A_920, %mul3A_921 : vector<16xf32>
    %mul3A_923 = arith.mulf %get3A_919, %get3A_919 : vector<16xf32>
    %add3A_924 = arith.addf %add3A_922, %mul3A_923 : vector<16xf32>
    %mul3A_925 = arith.constant 3.000000e+00 : f32
    %mul3A_926 = vector.broadcast %mul3A_925 : f32 to vector<16xf32>
    %mul3A_927 = arith.mulf %mul3A_926, %add3A_924 : vector<16xf32>
    %max3A_928 = arith.constant 1.000000e-30 : f32
    %max3A_929 = vector.broadcast %max3A_928 : f32 to vector<16xf32>
    %max3A_930 = arith.maximumf %mul3A_927, %max3A_929 : vector<16xf32>
    %bitcast3A_931 = vector.bitcast %max3A_930 : vector<16xf32> to vector<16xi32>
    %shift_right_arithmetic3A_932 = arith.constant 1 : i32
    %shift_right_arithmetic3A_933 = vector.broadcast %shift_right_arithmetic3A_932 : i32 to vector<16xi32>
    %shift_right_arithmetic3A_934 = arith.shrsi %bitcast3A_931, %shift_right_arithmetic3A_933 : vector<16xi32>
    %sub3A_935 = arith.constant 1597463007 : i32
    %sub3A_936 = vector.broadcast %sub3A_935 : i32 to vector<16xi32>
    %sub3A_937 = arith.subi %sub3A_936, %shift_right_arithmetic3A_934 : vector<16xi32>
    %bitcast3A_938 = vector.bitcast %sub3A_937 : vector<16xi32> to vector<16xf32>
    %mul3A_939 = arith.constant 5.000000e-01 : f32
    %mul3A_940 = vector.broadcast %mul3A_939 : f32 to vector<16xf32>
    %mul3A_941 = arith.mulf %mul3A_940, %max3A_930 : vector<16xf32>
    %mul3A_942 = arith.mulf %mul3A_941, %bitcast3A_938 : vector<16xf32>
    %mul3A_943 = arith.mulf %mul3A_942, %bitcast3A_938 : vector<16xf32>
    %sub3A_944 = arith.constant 1.500000e+00 : f32
    %sub3A_945 = vector.broadcast %sub3A_944 : f32 to vector<16xf32>
    %sub3A_946 = arith.subf %sub3A_945, %mul3A_943 : vector<16xf32>
    %mul3A_947 = arith.mulf %bitcast3A_938, %sub3A_946 : vector<16xf32>
    %mul3A_948 = arith.constant 5.000000e-01 : f32
    %mul3A_949 = vector.broadcast %mul3A_948 : f32 to vector<16xf32>
    %mul3A_950 = arith.mulf %mul3A_949, %max3A_930 : vector<16xf32>
    %mul3A_951 = arith.mulf %mul3A_950, %mul3A_947 : vector<16xf32>
    %mul3A_952 = arith.mulf %mul3A_951, %mul3A_947 : vector<16xf32>
    %sub3A_953 = arith.constant 1.500000e+00 : f32
    %sub3A_954 = vector.broadcast %sub3A_953 : f32 to vector<16xf32>
    %sub3A_955 = arith.subf %sub3A_954, %mul3A_952 : vector<16xf32>
    %mul3A_956 = arith.mulf %mul3A_947, %sub3A_955 : vector<16xf32>
    %mul3A_957 = arith.constant 5.000000e-01 : f32
    %mul3A_958 = vector.broadcast %mul3A_957 : f32 to vector<16xf32>
    %mul3A_959 = arith.mulf %mul3A_958, %max3A_930 : vector<16xf32>
    %mul3A_960 = arith.mulf %mul3A_959, %mul3A_956 : vector<16xf32>
    %mul3A_961 = arith.mulf %mul3A_960, %mul3A_956 : vector<16xf32>
    %sub3A_962 = arith.constant 1.500000e+00 : f32
    %sub3A_963 = vector.broadcast %sub3A_962 : f32 to vector<16xf32>
    %sub3A_964 = arith.subf %sub3A_963, %mul3A_961 : vector<16xf32>
    %mul3A_965 = arith.mulf %mul3A_956, %sub3A_964 : vector<16xf32>
    %mul3A_966 = arith.mulf %mul3A_927, %mul3A_965 : vector<16xf32>
    %neg3A_967 = arith.constant 0.000000e+00 : f32
    %neg3A_968 = vector.broadcast %neg3A_967 : f32 to vector<16xf32>
    %neg3A_969 = arith.subf %neg3A_968, %mul3A_966 : vector<16xf32>
    %exp3A_970 = math.exp %neg3A_969 : vector<16xf32>
    %add3A_971 = arith.constant 1.000000e+00 : f32
    %add3A_972 = vector.broadcast %add3A_971 : f32 to vector<16xf32>
    %add3A_973 = arith.addf %add3A_972, %exp3A_970 : vector<16xf32>
    %div3A_974 = arith.constant 1.000000e+00 : f32
    %div3A_975 = vector.broadcast %div3A_974 : f32 to vector<16xf32>
    %div3A_976 = arith.divf %div3A_975, %add3A_973 : vector<16xf32>
    %swap3A_977 = arith.constant 224 : index
    %swap3A_978 = tpu.vector_load %arg11[%swap3A_977] {strides = array<i32>} : memref<512xf32, #tpu.memory_space<vmem>>, vector<16xf32>,
    tpu.vector_store %arg11[%swap3A_977], %div3A_976 {strides = array<i32>} : memref<512xf32, #tpu.memory_space<vmem>>, vector<16xf32>,
    %get3A_979 = arith.constant 240 : index
    %get3A_980 = tpu.vector_load %arg8[%get3A_979] {strides = array<i32>} : memref<512xf32, #tpu.memory_space<vmem>>, vector<16xf32>,
    %get3A_981 = arith.constant 240 : index
    %get3A_982 = tpu.vector_load %arg9[%get3A_981] {strides = array<i32>} : memref<512xf32, #tpu.memory_space<vmem>>, vector<16xf32>,
    %get3A_983 = arith.constant 240 : index
    %get3A_984 = tpu.vector_load %arg10[%get3A_983] {strides = array<i32>} : memref<512xf32, #tpu.memory_space<vmem>>, vector<16xf32>,
    %mul3A_985 = arith.mulf %get3A_980, %get3A_980 : vector<16xf32>
    %mul3A_986 = arith.mulf %get3A_982, %get3A_982 : vector<16xf32>
    %add3A_987 = arith.addf %mul3A_985, %mul3A_986 : vector<16xf32>
    %mul3A_988 = arith.mulf %get3A_984, %get3A_984 : vector<16xf32>
    %add3A_989 = arith.addf %add3A_987, %mul3A_988 : vector<16xf32>
    %mul3A_990 = arith.constant 3.000000e+00 : f32
    %mul3A_991 = vector.broadcast %mul3A_990 : f32 to vector<16xf32>
    %mul3A_992 = arith.mulf %mul3A_991, %add3A_989 : vector<16xf32>
    %max3A_993 = arith.constant 1.000000e-30 : f32
    %max3A_994 = vector.broadcast %max3A_993 : f32 to vector<16xf32>
    %max3A_995 = arith.maximumf %mul3A_992, %max3A_994 : vector<16xf32>
    %bitcast3A_996 = vector.bitcast %max3A_995 : vector<16xf32> to vector<16xi32>
    %shift_right_arithmetic3A_997 = arith.constant 1 : i32
    %shift_right_arithmetic3A_998 = vector.broadcast %shift_right_arithmetic3A_997 : i32 to vector<16xi32>
    %shift_right_arithmetic3A_999 = arith.shrsi %bitcast3A_996, %shift_right_arithmetic3A_998 : vector<16xi32>
    %sub3A_1000 = arith.constant 1597463007 : i32
    %sub3A_1001 = vector.broadcast %sub3A_1000 : i32 to vector<16xi32>
    %sub3A_1002 = arith.subi %sub3A_1001, %shift_right_arithmetic3A_999 : vector<16xi32>
    %bitcast3A_1003 = vector.bitcast %sub3A_1002 : vector<16xi32> to vector<16xf32>
    %mul3A_1004 = arith.constant 5.000000e-01 : f32
    %mul3A_1005 = vector.broadcast %mul3A_1004 : f32 to vector<16xf32>
    %mul3A_1006 = arith.mulf %mul3A_1005, %max3A_995 : vector<16xf32>
    %mul3A_1007 = arith.mulf %mul3A_1006, %bitcast3A_1003 : vector<16xf32>
    %mul3A_1008 = arith.mulf %mul3A_1007, %bitcast3A_1003 : vector<16xf32>
    %sub3A_1009 = arith.constant 1.500000e+00 : f32
    %sub3A_1010 = vector.broadcast %sub3A_1009 : f32 to vector<16xf32>
    %sub3A_1011 = arith.subf %sub3A_1010, %mul3A_1008 : vector<16xf32>
    %mul3A_1012 = arith.mulf %bitcast3A_1003, %sub3A_1011 : vector<16xf32>
    %mul3A_1013 = arith.constant 5.000000e-01 : f32
    %mul3A_1014 = vector.broadcast %mul3A_1013 : f32 to vector<16xf32>
    %mul3A_1015 = arith.mulf %mul3A_1014, %max3A_995 : vector<16xf32>
    %mul3A_1016 = arith.mulf %mul3A_1015, %mul3A_1012 : vector<16xf32>
    %mul3A_1017 = arith.mulf %mul3A_1016, %mul3A_1012 : vector<16xf32>
    %sub3A_1018 = arith.constant 1.500000e+00 : f32
    %sub3A_1019 = vector.broadcast %sub3A_1018 : f32 to vector<16xf32>
    %sub3A_1020 = arith.subf %sub3A_1019, %mul3A_1017 : vector<16xf32>
    %mul3A_1021 = arith.mulf %mul3A_1012, %sub3A_1020 : vector<16xf32>
    %mul3A_1022 = arith.constant 5.000000e-01 : f32
    %mul3A_1023 = vector.broadcast %mul3A_1022 : f32 to vector<16xf32>
    %mul3A_1024 = arith.mulf %mul3A_1023, %max3A_995 : vector<16xf32>
    %mul3A_1025 = arith.mulf %mul3A_1024, %mul3A_1021 : vector<16xf32>
    %mul3A_1026 = arith.mulf %mul3A_1025, %mul3A_1021 : vector<16xf32>
    %sub3A_1027 = arith.constant 1.500000e+00 : f32
    %sub3A_1028 = vector.broadcast %sub3A_1027 : f32 to vector<16xf32>
    %sub3A_1029 = arith.subf %sub3A_1028, %mul3A_1026 : vector<16xf32>
    %mul3A_1030 = arith.mulf %mul3A_1021, %sub3A_1029 : vector<16xf32>
    %mul3A_1031 = arith.mulf %mul3A_992, %mul3A_1030 : vector<16xf32>
    %neg3A_1032 = arith.constant 0.000000e+00 : f32
    %neg3A_1033 = vector.broadcast %neg3A_1032 : f32 to vector<16xf32>
    %neg3A_1034 = arith.subf %neg3A_1033, %mul3A_1031 : vector<16xf32>
    %exp3A_1035 = math.exp %neg3A_1034 : vector<16xf32>
    %add3A_1036 = arith.constant 1.000000e+00 : f32
    %add3A_1037 = vector.broadcast %add3A_1036 : f32 to vector<16xf32>
    %add3A_1038 = arith.addf %add3A_1037, %exp3A_1035 : vector<16xf32>
    %div3A_1039 = arith.constant 1.000000e+00 : f32
    %div3A_1040 = vector.broadcast %div3A_1039 : f32 to vector<16xf32>
    %div3A_1041 = arith.divf %div3A_1040, %add3A_1038 : vector<16xf32>
    %swap3A_1042 = arith.constant 240 : index
    %swap3A_1043 = tpu.vector_load %arg11[%swap3A_1042] {strides = array<i32>} : memref<512xf32, #tpu.memory_space<vmem>>, vector<16xf32>,
    tpu.vector_store %arg11[%swap3A_1042], %div3A_1041 {strides = array<i32>} : memref<512xf32, #tpu.memory_space<vmem>>, vector<16xf32>,
    %get3A_1044 = arith.constant 256 : index
    %get3A_1045 = tpu.vector_load %arg8[%get3A_1044] {strides = array<i32>} : memref<512xf32, #tpu.memory_space<vmem>>, vector<16xf32>,
    %get3A_1046 = arith.constant 256 : index
    %get3A_1047 = tpu.vector_load %arg9[%get3A_1046] {strides = array<i32>} : memref<512xf32, #tpu.memory_space<vmem>>, vector<16xf32>,
    %get3A_1048 = arith.constant 256 : index
    %get3A_1049 = tpu.vector_load %arg10[%get3A_1048] {strides = array<i32>} : memref<512xf32, #tpu.memory_space<vmem>>, vector<16xf32>,
    %mul3A_1050 = arith.mulf %get3A_1045, %get3A_1045 : vector<16xf32>
    %mul3A_1051 = arith.mulf %get3A_1047, %get3A_1047 : vector<16xf32>
    %add3A_1052 = arith.addf %mul3A_1050, %mul3A_1051 : vector<16xf32>
    %mul3A_1053 = arith.mulf %get3A_1049, %get3A_1049 : vector<16xf32>
    %add3A_1054 = arith.addf %add3A_1052, %mul3A_1053 : vector<16xf32>
    %mul3A_1055 = arith.constant 3.000000e+00 : f32
    %mul3A_1056 = vector.broadcast %mul3A_1055 : f32 to vector<16xf32>
    %mul3A_1057 = arith.mulf %mul3A_1056, %add3A_1054 : vector<16xf32>
    %max3A_1058 = arith.constant 1.000000e-30 : f32
    %max3A_1059 = vector.broadcast %max3A_1058 : f32 to vector<16xf32>
    %max3A_1060 = arith.maximumf %mul3A_1057, %max3A_1059 : vector<16xf32>
    %bitcast3A_1061 = vector.bitcast %max3A_1060 : vector<16xf32> to vector<16xi32>
    %shift_right_arithmetic3A_1062 = arith.constant 1 : i32
    %shift_right_arithmetic3A_1063 = vector.broadcast %shift_right_arithmetic3A_1062 : i32 to vector<16xi32>
    %shift_right_arithmetic3A_1064 = arith.shrsi %bitcast3A_1061, %shift_right_arithmetic3A_1063 : vector<16xi32>
    %sub3A_1065 = arith.constant 1597463007 : i32
    %sub3A_1066 = vector.broadcast %sub3A_1065 : i32 to vector<16xi32>
    %sub3A_1067 = arith.subi %sub3A_1066, %shift_right_arithmetic3A_1064 : vector<16xi32>
    %bitcast3A_1068 = vector.bitcast %sub3A_1067 : vector<16xi32> to vector<16xf32>
    %mul3A_1069 = arith.constant 5.000000e-01 : f32
    %mul3A_1070 = vector.broadcast %mul3A_1069 : f32 to vector<16xf32>
    %mul3A_1071 = arith.mulf %mul3A_1070, %max3A_1060 : vector<16xf32>
    %mul3A_1072 = arith.mulf %mul3A_1071, %bitcast3A_1068 : vector<16xf32>
    %mul3A_1073 = arith.mulf %mul3A_1072, %bitcast3A_1068 : vector<16xf32>
    %sub3A_1074 = arith.constant 1.500000e+00 : f32
    %sub3A_1075 = vector.broadcast %sub3A_1074 : f32 to vector<16xf32>
    %sub3A_1076 = arith.subf %sub3A_1075, %mul3A_1073 : vector<16xf32>
    %mul3A_1077 = arith.mulf %bitcast3A_1068, %sub3A_1076 : vector<16xf32>
    %mul3A_1078 = arith.constant 5.000000e-01 : f32
    %mul3A_1079 = vector.broadcast %mul3A_1078 : f32 to vector<16xf32>
    %mul3A_1080 = arith.mulf %mul3A_1079, %max3A_1060 : vector<16xf32>
    %mul3A_1081 = arith.mulf %mul3A_1080, %mul3A_1077 : vector<16xf32>
    %mul3A_1082 = arith.mulf %mul3A_1081, %mul3A_1077 : vector<16xf32>
    %sub3A_1083 = arith.constant 1.500000e+00 : f32
    %sub3A_1084 = vector.broadcast %sub3A_1083 : f32 to vector<16xf32>
    %sub3A_1085 = arith.subf %sub3A_1084, %mul3A_1082 : vector<16xf32>
    %mul3A_1086 = arith.mulf %mul3A_1077, %sub3A_1085 : vector<16xf32>
    %mul3A_1087 = arith.constant 5.000000e-01 : f32
    %mul3A_1088 = vector.broadcast %mul3A_1087 : f32 to vector<16xf32>
    %mul3A_1089 = arith.mulf %mul3A_1088, %max3A_1060 : vector<16xf32>
    %mul3A_1090 = arith.mulf %mul3A_1089, %mul3A_1086 : vector<16xf32>
    %mul3A_1091 = arith.mulf %mul3A_1090, %mul3A_1086 : vector<16xf32>
    %sub3A_1092 = arith.constant 1.500000e+00 : f32
    %sub3A_1093 = vector.broadcast %sub3A_1092 : f32 to vector<16xf32>
    %sub3A_1094 = arith.subf %sub3A_1093, %mul3A_1091 : vector<16xf32>
    %mul3A_1095 = arith.mulf %mul3A_1086, %sub3A_1094 : vector<16xf32>
    %mul3A_1096 = arith.mulf %mul3A_1057, %mul3A_1095 : vector<16xf32>
    %neg3A_1097 = arith.constant 0.000000e+00 : f32
    %neg3A_1098 = vector.broadcast %neg3A_1097 : f32 to vector<16xf32>
    %neg3A_1099 = arith.subf %neg3A_1098, %mul3A_1096 : vector<16xf32>
    %exp3A_1100 = math.exp %neg3A_1099 : vector<16xf32>
    %add3A_1101 = arith.constant 1.000000e+00 : f32
    %add3A_1102 = vector.broadcast %add3A_1101 : f32 to vector<16xf32>
    %add3A_1103 = arith.addf %add3A_1102, %exp3A_1100 : vector<16xf32>
    %div3A_1104 = arith.constant 1.000000e+00 : f32
    %div3A_1105 = vector.broadcast %div3A_1104 : f32 to vector<16xf32>
    %div3A_1106 = arith.divf %div3A_1105, %add3A_1103 : vector<16xf32>
    %swap3A_1107 = arith.constant 256 : index
    %swap3A_1108 = tpu.vector_load %arg11[%swap3A_1107] {strides = array<i32>} : memref<512xf32, #tpu.memory_space<vmem>>, vector<16xf32>,
    tpu.vector_store %arg11[%swap3A_1107], %div3A_1106 {strides = array<i32>} : memref<512xf32, #tpu.memory_space<vmem>>, vector<16xf32>,
    %get3A_1109 = arith.constant 272 : index
    %get3A_1110 = tpu.vector_load %arg8[%get3A_1109] {strides = array<i32>} : memref<512xf32, #tpu.memory_space<vmem>>, vector<16xf32>,
    %get3A_1111 = arith.constant 272 : index
    %get3A_1112 = tpu.vector_load %arg9[%get3A_1111] {strides = array<i32>} : memref<512xf32, #tpu.memory_space<vmem>>, vector<16xf32>,
    %get3A_1113 = arith.constant 272 : index
    %get3A_1114 = tpu.vector_load %arg10[%get3A_1113] {strides = array<i32>} : memref<512xf32, #tpu.memory_space<vmem>>, vector<16xf32>,
    %mul3A_1115 = arith.mulf %get3A_1110, %get3A_1110 : vector<16xf32>
    %mul3A_1116 = arith.mulf %get3A_1112, %get3A_1112 : vector<16xf32>
    %add3A_1117 = arith.addf %mul3A_1115, %mul3A_1116 : vector<16xf32>
    %mul3A_1118 = arith.mulf %get3A_1114, %get3A_1114 : vector<16xf32>
    %add3A_1119 = arith.addf %add3A_1117, %mul3A_1118 : vector<16xf32>
    %mul3A_1120 = arith.constant 3.000000e+00 : f32
    %mul3A_1121 = vector.broadcast %mul3A_1120 : f32 to vector<16xf32>
    %mul3A_1122 = arith.mulf %mul3A_1121, %add3A_1119 : vector<16xf32>
    %max3A_1123 = arith.constant 1.000000e-30 : f32
    %max3A_1124 = vector.broadcast %max3A_1123 : f32 to vector<16xf32>
    %max3A_1125 = arith.maximumf %mul3A_1122, %max3A_1124 : vector<16xf32>
    %bitcast3A_1126 = vector.bitcast %max3A_1125 : vector<16xf32> to vector<16xi32>
    %shift_right_arithmetic3A_1127 = arith.constant 1 : i32
    %shift_right_arithmetic3A_1128 = vector.broadcast %shift_right_arithmetic3A_1127 : i32 to vector<16xi32>
    %shift_right_arithmetic3A_1129 = arith.shrsi %bitcast3A_1126, %shift_right_arithmetic3A_1128 : vector<16xi32>
    %sub3A_1130 = arith.constant 1597463007 : i32
    %sub3A_1131 = vector.broadcast %sub3A_1130 : i32 to vector<16xi32>
    %sub3A_1132 = arith.subi %sub3A_1131, %shift_right_arithmetic3A_1129 : vector<16xi32>
    %bitcast3A_1133 = vector.bitcast %sub3A_1132 : vector<16xi32> to vector<16xf32>
    %mul3A_1134 = arith.constant 5.000000e-01 : f32
    %mul3A_1135 = vector.broadcast %mul3A_1134 : f32 to vector<16xf32>
    %mul3A_1136 = arith.mulf %mul3A_1135, %max3A_1125 : vector<16xf32>
    %mul3A_1137 = arith.mulf %mul3A_1136, %bitcast3A_1133 : vector<16xf32>
    %mul3A_1138 = arith.mulf %mul3A_1137, %bitcast3A_1133 : vector<16xf32>
    %sub3A_1139 = arith.constant 1.500000e+00 : f32
    %sub3A_1140 = vector.broadcast %sub3A_1139 : f32 to vector<16xf32>
    %sub3A_1141 = arith.subf %sub3A_1140, %mul3A_1138 : vector<16xf32>
    %mul3A_1142 = arith.mulf %bitcast3A_1133, %sub3A_1141 : vector<16xf32>
    %mul3A_1143 = arith.constant 5.000000e-01 : f32
    %mul3A_1144 = vector.broadcast %mul3A_1143 : f32 to vector<16xf32>
    %mul3A_1145 = arith.mulf %mul3A_1144, %max3A_1125 : vector<16xf32>
    %mul3A_1146 = arith.mulf %mul3A_1145, %mul3A_1142 : vector<16xf32>
    %mul3A_1147 = arith.mulf %mul3A_1146, %mul3A_1142 : vector<16xf32>
    %sub3A_1148 = arith.constant 1.500000e+00 : f32
    %sub3A_1149 = vector.broadcast %sub3A_1148 : f32 to vector<16xf32>
    %sub3A_1150 = arith.subf %sub3A_1149, %mul3A_1147 : vector<16xf32>
    %mul3A_1151 = arith.mulf %mul3A_1142, %sub3A_1150 : vector<16xf32>
    %mul3A_1152 = arith.constant 5.000000e-01 : f32
    %mul3A_1153 = vector.broadcast %mul3A_1152 : f32 to vector<16xf32>
    %mul3A_1154 = arith.mulf %mul3A_1153, %max3A_1125 : vector<16xf32>
    %mul3A_1155 = arith.mulf %mul3A_1154, %mul3A_1151 : vector<16xf32>
    %mul3A_1156 = arith.mulf %mul3A_1155, %mul3A_1151 : vector<16xf32>
    %sub3A_1157 = arith.constant 1.500000e+00 : f32
    %sub3A_1158 = vector.broadcast %sub3A_1157 : f32 to vector<16xf32>
    %sub3A_1159 = arith.subf %sub3A_1158, %mul3A_1156 : vector<16xf32>
    %mul3A_1160 = arith.mulf %mul3A_1151, %sub3A_1159 : vector<16xf32>
    %mul3A_1161 = arith.mulf %mul3A_1122, %mul3A_1160 : vector<16xf32>
    %neg3A_1162 = arith.constant 0.000000e+00 : f32
    %neg3A_1163 = vector.broadcast %neg3A_1162 : f32 to vector<16xf32>
    %neg3A_1164 = arith.subf %neg3A_1163, %mul3A_1161 : vector<16xf32>
    %exp3A_1165 = math.exp %neg3A_1164 : vector<16xf32>
    %add3A_1166 = arith.constant 1.000000e+00 : f32
    %add3A_1167 = vector.broadcast %add3A_1166 : f32 to vector<16xf32>
    %add3A_1168 = arith.addf %add3A_1167, %exp3A_1165 : vector<16xf32>
    %div3A_1169 = arith.constant 1.000000e+00 : f32
    %div3A_1170 = vector.broadcast %div3A_1169 : f32 to vector<16xf32>
    %div3A_1171 = arith.divf %div3A_1170, %add3A_1168 : vector<16xf32>
    %swap3A_1172 = arith.constant 272 : index
    %swap3A_1173 = tpu.vector_load %arg11[%swap3A_1172] {strides = array<i32>} : memref<512xf32, #tpu.memory_space<vmem>>, vector<16xf32>,
    tpu.vector_store %arg11[%swap3A_1172], %div3A_1171 {strides = array<i32>} : memref<512xf32, #tpu.memory_space<vmem>>, vector<16xf32>,
    %get3A_1174 = arith.constant 288 : index
    %get3A_1175 = tpu.vector_load %arg8[%get3A_1174] {strides = array<i32>} : memref<512xf32, #tpu.memory_space<vmem>>, vector<16xf32>,
    %get3A_1176 = arith.constant 288 : index
    %get3A_1177 = tpu.vector_load %arg9[%get3A_1176] {strides = array<i32>} : memref<512xf32, #tpu.memory_space<vmem>>, vector<16xf32>,
    %get3A_1178 = arith.constant 288 : index
    %get3A_1179 = tpu.vector_load %arg10[%get3A_1178] {strides = array<i32>} : memref<512xf32, #tpu.memory_space<vmem>>, vector<16xf32>,
    %mul3A_1180 = arith.mulf %get3A_1175, %get3A_1175 : vector<16xf32>
    %mul3A_1181 = arith.mulf %get3A_1177, %get3A_1177 : vector<16xf32>
    %add3A_1182 = arith.addf %mul3A_1180, %mul3A_1181 : vector<16xf32>
    %mul3A_1183 = arith.mulf %get3A_1179, %get3A_1179 : vector<16xf32>
    %add3A_1184 = arith.addf %add3A_1182, %mul3A_1183 : vector<16xf32>
    %mul3A_1185 = arith.constant 3.000000e+00 : f32
    %mul3A_1186 = vector.broadcast %mul3A_1185 : f32 to vector<16xf32>
    %mul3A_1187 = arith.mulf %mul3A_1186, %add3A_1184 : vector<16xf32>
    %max3A_1188 = arith.constant 1.000000e-30 : f32
    %max3A_1189 = vector.broadcast %max3A_1188 : f32 to vector<16xf32>
    %max3A_1190 = arith.maximumf %mul3A_1187, %max3A_1189 : vector<16xf32>
    %bitcast3A_1191 = vector.bitcast %max3A_1190 : vector<16xf32> to vector<16xi32>
    %shift_right_arithmetic3A_1192 = arith.constant 1 : i32
    %shift_right_arithmetic3A_1193 = vector.broadcast %shift_right_arithmetic3A_1192 : i32 to vector<16xi32>
    %shift_right_arithmetic3A_1194 = arith.shrsi %bitcast3A_1191, %shift_right_arithmetic3A_1193 : vector<16xi32>
    %sub3A_1195 = arith.constant 1597463007 : i32
    %sub3A_1196 = vector.broadcast %sub3A_1195 : i32 to vector<16xi32>
    %sub3A_1197 = arith.subi %sub3A_1196, %shift_right_arithmetic3A_1194 : vector<16xi32>
    %bitcast3A_1198 = vector.bitcast %sub3A_1197 : vector<16xi32> to vector<16xf32>
    %mul3A_1199 = arith.constant 5.000000e-01 : f32
    %mul3A_1200 = vector.broadcast %mul3A_1199 : f32 to vector<16xf32>
    %mul3A_1201 = arith.mulf %mul3A_1200, %max3A_1190 : vector<16xf32>
    %mul3A_1202 = arith.mulf %mul3A_1201, %bitcast3A_1198 : vector<16xf32>
    %mul3A_1203 = arith.mulf %mul3A_1202, %bitcast3A_1198 : vector<16xf32>
    %sub3A_1204 = arith.constant 1.500000e+00 : f32
    %sub3A_1205 = vector.broadcast %sub3A_1204 : f32 to vector<16xf32>
    %sub3A_1206 = arith.subf %sub3A_1205, %mul3A_1203 : vector<16xf32>
    %mul3A_1207 = arith.mulf %bitcast3A_1198, %sub3A_1206 : vector<16xf32>
    %mul3A_1208 = arith.constant 5.000000e-01 : f32
    %mul3A_1209 = vector.broadcast %mul3A_1208 : f32 to vector<16xf32>
    %mul3A_1210 = arith.mulf %mul3A_1209, %max3A_1190 : vector<16xf32>
    %mul3A_1211 = arith.mulf %mul3A_1210, %mul3A_1207 : vector<16xf32>
    %mul3A_1212 = arith.mulf %mul3A_1211, %mul3A_1207 : vector<16xf32>
    %sub3A_1213 = arith.constant 1.500000e+00 : f32
    %sub3A_1214 = vector.broadcast %sub3A_1213 : f32 to vector<16xf32>
    %sub3A_1215 = arith.subf %sub3A_1214, %mul3A_1212 : vector<16xf32>
    %mul3A_1216 = arith.mulf %mul3A_1207, %sub3A_1215 : vector<16xf32>
    %mul3A_1217 = arith.constant 5.000000e-01 : f32
    %mul3A_1218 = vector.broadcast %mul3A_1217 : f32 to vector<16xf32>
    %mul3A_1219 = arith.mulf %mul3A_1218, %max3A_1190 : vector<16xf32>
    %mul3A_1220 = arith.mulf %mul3A_1219, %mul3A_1216 : vector<16xf32>
    %mul3A_1221 = arith.mulf %mul3A_1220, %mul3A_1216 : vector<16xf32>
    %sub3A_1222 = arith.constant 1.500000e+00 : f32
    %sub3A_1223 = vector.broadcast %sub3A_1222 : f32 to vector<16xf32>
    %sub3A_1224 = arith.subf %sub3A_1223, %mul3A_1221 : vector<16xf32>
    %mul3A_1225 = arith.mulf %mul3A_1216, %sub3A_1224 : vector<16xf32>
    %mul3A_1226 = arith.mulf %mul3A_1187, %mul3A_1225 : vector<16xf32>
    %neg3A_1227 = arith.constant 0.000000e+00 : f32
    %neg3A_1228 = vector.broadcast %neg3A_1227 : f32 to vector<16xf32>
    %neg3A_1229 = arith.subf %neg3A_1228, %mul3A_1226 : vector<16xf32>
    %exp3A_1230 = math.exp %neg3A_1229 : vector<16xf32>
    %add3A_1231 = arith.constant 1.000000e+00 : f32
    %add3A_1232 = vector.broadcast %add3A_1231 : f32 to vector<16xf32>
    %add3A_1233 = arith.addf %add3A_1232, %exp3A_1230 : vector<16xf32>
    %div3A_1234 = arith.constant 1.000000e+00 : f32
    %div3A_1235 = vector.broadcast %div3A_1234 : f32 to vector<16xf32>
    %div3A_1236 = arith.divf %div3A_1235, %add3A_1233 : vector<16xf32>
    %swap3A_1237 = arith.constant 288 : index
    %swap3A_1238 = tpu.vector_load %arg11[%swap3A_1237] {strides = array<i32>} : memref<512xf32, #tpu.memory_space<vmem>>, vector<16xf32>,
    tpu.vector_store %arg11[%swap3A_1237], %div3A_1236 {strides = array<i32>} : memref<512xf32, #tpu.memory_space<vmem>>, vector<16xf32>,
    %get3A_1239 = arith.constant 304 : index
    %get3A_1240 = tpu.vector_load %arg8[%get3A_1239] {strides = array<i32>} : memref<512xf32, #tpu.memory_space<vmem>>, vector<16xf32>,
    %get3A_1241 = arith.constant 304 : index
    %get3A_1242 = tpu.vector_load %arg9[%get3A_1241] {strides = array<i32>} : memref<512xf32, #tpu.memory_space<vmem>>, vector<16xf32>,
    %get3A_1243 = arith.constant 304 : index
    %get3A_1244 = tpu.vector_load %arg10[%get3A_1243] {strides = array<i32>} : memref<512xf32, #tpu.memory_space<vmem>>, vector<16xf32>,
    %mul3A_1245 = arith.mulf %get3A_1240, %get3A_1240 : vector<16xf32>
    %mul3A_1246 = arith.mulf %get3A_1242, %get3A_1242 : vector<16xf32>
    %add3A_1247 = arith.addf %mul3A_1245, %mul3A_1246 : vector<16xf32>
    %mul3A_1248 = arith.mulf %get3A_1244, %get3A_1244 : vector<16xf32>
    %add3A_1249 = arith.addf %add3A_1247, %mul3A_1248 : vector<16xf32>
    %mul3A_1250 = arith.constant 3.000000e+00 : f32
    %mul3A_1251 = vector.broadcast %mul3A_1250 : f32 to vector<16xf32>
    %mul3A_1252 = arith.mulf %mul3A_1251, %add3A_1249 : vector<16xf32>
    %max3A_1253 = arith.constant 1.000000e-30 : f32
    %max3A_1254 = vector.broadcast %max3A_1253 : f32 to vector<16xf32>
    %max3A_1255 = arith.maximumf %mul3A_1252, %max3A_1254 : vector<16xf32>
    %bitcast3A_1256 = vector.bitcast %max3A_1255 : vector<16xf32> to vector<16xi32>
    %shift_right_arithmetic3A_1257 = arith.constant 1 : i32
    %shift_right_arithmetic3A_1258 = vector.broadcast %shift_right_arithmetic3A_1257 : i32 to vector<16xi32>
    %shift_right_arithmetic3A_1259 = arith.shrsi %bitcast3A_1256, %shift_right_arithmetic3A_1258 : vector<16xi32>
    %sub3A_1260 = arith.constant 1597463007 : i32
    %sub3A_1261 = vector.broadcast %sub3A_1260 : i32 to vector<16xi32>
    %sub3A_1262 = arith.subi %sub3A_1261, %shift_right_arithmetic3A_1259 : vector<16xi32>
    %bitcast3A_1263 = vector.bitcast %sub3A_1262 : vector<16xi32> to vector<16xf32>
    %mul3A_1264 = arith.constant 5.000000e-01 : f32
    %mul3A_1265 = vector.broadcast %mul3A_1264 : f32 to vector<16xf32>
    %mul3A_1266 = arith.mulf %mul3A_1265, %max3A_1255 : vector<16xf32>
    %mul3A_1267 = arith.mulf %mul3A_1266, %bitcast3A_1263 : vector<16xf32>
    %mul3A_1268 = arith.mulf %mul3A_1267, %bitcast3A_1263 : vector<16xf32>
    %sub3A_1269 = arith.constant 1.500000e+00 : f32
    %sub3A_1270 = vector.broadcast %sub3A_1269 : f32 to vector<16xf32>
    %sub3A_1271 = arith.subf %sub3A_1270, %mul3A_1268 : vector<16xf32>
    %mul3A_1272 = arith.mulf %bitcast3A_1263, %sub3A_1271 : vector<16xf32>
    %mul3A_1273 = arith.constant 5.000000e-01 : f32
    %mul3A_1274 = vector.broadcast %mul3A_1273 : f32 to vector<16xf32>
    %mul3A_1275 = arith.mulf %mul3A_1274, %max3A_1255 : vector<16xf32>
    %mul3A_1276 = arith.mulf %mul3A_1275, %mul3A_1272 : vector<16xf32>
    %mul3A_1277 = arith.mulf %mul3A_1276, %mul3A_1272 : vector<16xf32>
    %sub3A_1278 = arith.constant 1.500000e+00 : f32
    %sub3A_1279 = vector.broadcast %sub3A_1278 : f32 to vector<16xf32>
    %sub3A_1280 = arith.subf %sub3A_1279, %mul3A_1277 : vector<16xf32>
    %mul3A_1281 = arith.mulf %mul3A_1272, %sub3A_1280 : vector<16xf32>
    %mul3A_1282 = arith.constant 5.000000e-01 : f32
    %mul3A_1283 = vector.broadcast %mul3A_1282 : f32 to vector<16xf32>
    %mul3A_1284 = arith.mulf %mul3A_1283, %max3A_1255 : vector<16xf32>
    %mul3A_1285 = arith.mulf %mul3A_1284, %mul3A_1281 : vector<16xf32>
    %mul3A_1286 = arith.mulf %mul3A_1285, %mul3A_1281 : vector<16xf32>
    %sub3A_1287 = arith.constant 1.500000e+00 : f32
    %sub3A_1288 = vector.broadcast %sub3A_1287 : f32 to vector<16xf32>
    %sub3A_1289 = arith.subf %sub3A_1288, %mul3A_1286 : vector<16xf32>
    %mul3A_1290 = arith.mulf %mul3A_1281, %sub3A_1289 : vector<16xf32>
    %mul3A_1291 = arith.mulf %mul3A_1252, %mul3A_1290 : vector<16xf32>
    %neg3A_1292 = arith.constant 0.000000e+00 : f32
    %neg3A_1293 = vector.broadcast %neg3A_1292 : f32 to vector<16xf32>
    %neg3A_1294 = arith.subf %neg3A_1293, %mul3A_1291 : vector<16xf32>
    %exp3A_1295 = math.exp %neg3A_1294 : vector<16xf32>
    %add3A_1296 = arith.constant 1.000000e+00 : f32
    %add3A_1297 = vector.broadcast %add3A_1296 : f32 to vector<16xf32>
    %add3A_1298 = arith.addf %add3A_1297, %exp3A_1295 : vector<16xf32>
    %div3A_1299 = arith.constant 1.000000e+00 : f32
    %div3A_1300 = vector.broadcast %div3A_1299 : f32 to vector<16xf32>
    %div3A_1301 = arith.divf %div3A_1300, %add3A_1298 : vector<16xf32>
    %swap3A_1302 = arith.constant 304 : index
    %swap3A_1303 = tpu.vector_load %arg11[%swap3A_1302] {strides = array<i32>} : memref<512xf32, #tpu.memory_space<vmem>>, vector<16xf32>,
    tpu.vector_store %arg11[%swap3A_1302], %div3A_1301 {strides = array<i32>} : memref<512xf32, #tpu.memory_space<vmem>>, vector<16xf32>,
    %get3A_1304 = arith.constant 320 : index
    %get3A_1305 = tpu.vector_load %arg8[%get3A_1304] {strides = array<i32>} : memref<512xf32, #tpu.memory_space<vmem>>, vector<16xf32>,
    %get3A_1306 = arith.constant 320 : index
    %get3A_1307 = tpu.vector_load %arg9[%get3A_1306] {strides = array<i32>} : memref<512xf32, #tpu.memory_space<vmem>>, vector<16xf32>,
    %get3A_1308 = arith.constant 320 : index
    %get3A_1309 = tpu.vector_load %arg10[%get3A_1308] {strides = array<i32>} : memref<512xf32, #tpu.memory_space<vmem>>, vector<16xf32>,
    %mul3A_1310 = arith.mulf %get3A_1305, %get3A_1305 : vector<16xf32>
    %mul3A_1311 = arith.mulf %get3A_1307, %get3A_1307 : vector<16xf32>
    %add3A_1312 = arith.addf %mul3A_1310, %mul3A_1311 : vector<16xf32>
    %mul3A_1313 = arith.mulf %get3A_1309, %get3A_1309 : vector<16xf32>
    %add3A_1314 = arith.addf %add3A_1312, %mul3A_1313 : vector<16xf32>
    %mul3A_1315 = arith.constant 3.000000e+00 : f32
    %mul3A_1316 = vector.broadcast %mul3A_1315 : f32 to vector<16xf32>
    %mul3A_1317 = arith.mulf %mul3A_1316, %add3A_1314 : vector<16xf32>
    %max3A_1318 = arith.constant 1.000000e-30 : f32
    %max3A_1319 = vector.broadcast %max3A_1318 : f32 to vector<16xf32>
    %max3A_1320 = arith.maximumf %mul3A_1317, %max3A_1319 : vector<16xf32>
    %bitcast3A_1321 = vector.bitcast %max3A_1320 : vector<16xf32> to vector<16xi32>
    %shift_right_arithmetic3A_1322 = arith.constant 1 : i32
    %shift_right_arithmetic3A_1323 = vector.broadcast %shift_right_arithmetic3A_1322 : i32 to vector<16xi32>
    %shift_right_arithmetic3A_1324 = arith.shrsi %bitcast3A_1321, %shift_right_arithmetic3A_1323 : vector<16xi32>
    %sub3A_1325 = arith.constant 1597463007 : i32
    %sub3A_1326 = vector.broadcast %sub3A_1325 : i32 to vector<16xi32>
    %sub3A_1327 = arith.subi %sub3A_1326, %shift_right_arithmetic3A_1324 : vector<16xi32>
    %bitcast3A_1328 = vector.bitcast %sub3A_1327 : vector<16xi32> to vector<16xf32>
    %mul3A_1329 = arith.constant 5.000000e-01 : f32
    %mul3A_1330 = vector.broadcast %mul3A_1329 : f32 to vector<16xf32>
    %mul3A_1331 = arith.mulf %mul3A_1330, %max3A_1320 : vector<16xf32>
    %mul3A_1332 = arith.mulf %mul3A_1331, %bitcast3A_1328 : vector<16xf32>
    %mul3A_1333 = arith.mulf %mul3A_1332, %bitcast3A_1328 : vector<16xf32>
    %sub3A_1334 = arith.constant 1.500000e+00 : f32
    %sub3A_1335 = vector.broadcast %sub3A_1334 : f32 to vector<16xf32>
    %sub3A_1336 = arith.subf %sub3A_1335, %mul3A_1333 : vector<16xf32>
    %mul3A_1337 = arith.mulf %bitcast3A_1328, %sub3A_1336 : vector<16xf32>
    %mul3A_1338 = arith.constant 5.000000e-01 : f32
    %mul3A_1339 = vector.broadcast %mul3A_1338 : f32 to vector<16xf32>
    %mul3A_1340 = arith.mulf %mul3A_1339, %max3A_1320 : vector<16xf32>
    %mul3A_1341 = arith.mulf %mul3A_1340, %mul3A_1337 : vector<16xf32>
    %mul3A_1342 = arith.mulf %mul3A_1341, %mul3A_1337 : vector<16xf32>
    %sub3A_1343 = arith.constant 1.500000e+00 : f32
    %sub3A_1344 = vector.broadcast %sub3A_1343 : f32 to vector<16xf32>
    %sub3A_1345 = arith.subf %sub3A_1344, %mul3A_1342 : vector<16xf32>
    %mul3A_1346 = arith.mulf %mul3A_1337, %sub3A_1345 : vector<16xf32>
    %mul3A_1347 = arith.constant 5.000000e-01 : f32
    %mul3A_1348 = vector.broadcast %mul3A_1347 : f32 to vector<16xf32>
    %mul3A_1349 = arith.mulf %mul3A_1348, %max3A_1320 : vector<16xf32>
    %mul3A_1350 = arith.mulf %mul3A_1349, %mul3A_1346 : vector<16xf32>
    %mul3A_1351 = arith.mulf %mul3A_1350, %mul3A_1346 : vector<16xf32>
    %sub3A_1352 = arith.constant 1.500000e+00 : f32
    %sub3A_1353 = vector.broadcast %sub3A_1352 : f32 to vector<16xf32>
    %sub3A_1354 = arith.subf %sub3A_1353, %mul3A_1351 : vector<16xf32>
    %mul3A_1355 = arith.mulf %mul3A_1346, %sub3A_1354 : vector<16xf32>
    %mul3A_1356 = arith.mulf %mul3A_1317, %mul3A_1355 : vector<16xf32>
    %neg3A_1357 = arith.constant 0.000000e+00 : f32
    %neg3A_1358 = vector.broadcast %neg3A_1357 : f32 to vector<16xf32>
    %neg3A_1359 = arith.subf %neg3A_1358, %mul3A_1356 : vector<16xf32>
    %exp3A_1360 = math.exp %neg3A_1359 : vector<16xf32>
    %add3A_1361 = arith.constant 1.000000e+00 : f32
    %add3A_1362 = vector.broadcast %add3A_1361 : f32 to vector<16xf32>
    %add3A_1363 = arith.addf %add3A_1362, %exp3A_1360 : vector<16xf32>
    %div3A_1364 = arith.constant 1.000000e+00 : f32
    %div3A_1365 = vector.broadcast %div3A_1364 : f32 to vector<16xf32>
    %div3A_1366 = arith.divf %div3A_1365, %add3A_1363 : vector<16xf32>
    %swap3A_1367 = arith.constant 320 : index
    %swap3A_1368 = tpu.vector_load %arg11[%swap3A_1367] {strides = array<i32>} : memref<512xf32, #tpu.memory_space<vmem>>, vector<16xf32>,
    tpu.vector_store %arg11[%swap3A_1367], %div3A_1366 {strides = array<i32>} : memref<512xf32, #tpu.memory_space<vmem>>, vector<16xf32>,
    %get3A_1369 = arith.constant 336 : index
    %get3A_1370 = tpu.vector_load %arg8[%get3A_1369] {strides = array<i32>} : memref<512xf32, #tpu.memory_space<vmem>>, vector<16xf32>,
    %get3A_1371 = arith.constant 336 : index
    %get3A_1372 = tpu.vector_load %arg9[%get3A_1371] {strides = array<i32>} : memref<512xf32, #tpu.memory_space<vmem>>, vector<16xf32>,
    %get3A_1373 = arith.constant 336 : index
    %get3A_1374 = tpu.vector_load %arg10[%get3A_1373] {strides = array<i32>} : memref<512xf32, #tpu.memory_space<vmem>>, vector<16xf32>,
    %mul3A_1375 = arith.mulf %get3A_1370, %get3A_1370 : vector<16xf32>
    %mul3A_1376 = arith.mulf %get3A_1372, %get3A_1372 : vector<16xf32>
    %add3A_1377 = arith.addf %mul3A_1375, %mul3A_1376 : vector<16xf32>
    %mul3A_1378 = arith.mulf %get3A_1374, %get3A_1374 : vector<16xf32>
    %add3A_1379 = arith.addf %add3A_1377, %mul3A_1378 : vector<16xf32>
    %mul3A_1380 = arith.constant 3.000000e+00 : f32
    %mul3A_1381 = vector.broadcast %mul3A_1380 : f32 to vector<16xf32>
    %mul3A_1382 = arith.mulf %mul3A_1381, %add3A_1379 : vector<16xf32>
    %max3A_1383 = arith.constant 1.000000e-30 : f32
    %max3A_1384 = vector.broadcast %max3A_1383 : f32 to vector<16xf32>
    %max3A_1385 = arith.maximumf %mul3A_1382, %max3A_1384 : vector<16xf32>
    %bitcast3A_1386 = vector.bitcast %max3A_1385 : vector<16xf32> to vector<16xi32>
    %shift_right_arithmetic3A_1387 = arith.constant 1 : i32
    %shift_right_arithmetic3A_1388 = vector.broadcast %shift_right_arithmetic3A_1387 : i32 to vector<16xi32>
    %shift_right_arithmetic3A_1389 = arith.shrsi %bitcast3A_1386, %shift_right_arithmetic3A_1388 : vector<16xi32>
    %sub3A_1390 = arith.constant 1597463007 : i32
    %sub3A_1391 = vector.broadcast %sub3A_1390 : i32 to vector<16xi32>
    %sub3A_1392 = arith.subi %sub3A_1391, %shift_right_arithmetic3A_1389 : vector<16xi32>
    %bitcast3A_1393 = vector.bitcast %sub3A_1392 : vector<16xi32> to vector<16xf32>
    %mul3A_1394 = arith.constant 5.000000e-01 : f32
    %mul3A_1395 = vector.broadcast %mul3A_1394 : f32 to vector<16xf32>
    %mul3A_1396 = arith.mulf %mul3A_1395, %max3A_1385 : vector<16xf32>
    %mul3A_1397 = arith.mulf %mul3A_1396, %bitcast3A_1393 : vector<16xf32>
    %mul3A_1398 = arith.mulf %mul3A_1397, %bitcast3A_1393 : vector<16xf32>
    %sub3A_1399 = arith.constant 1.500000e+00 : f32
    %sub3A_1400 = vector.broadcast %sub3A_1399 : f32 to vector<16xf32>
    %sub3A_1401 = arith.subf %sub3A_1400, %mul3A_1398 : vector<16xf32>
    %mul3A_1402 = arith.mulf %bitcast3A_1393, %sub3A_1401 : vector<16xf32>
    %mul3A_1403 = arith.constant 5.000000e-01 : f32
    %mul3A_1404 = vector.broadcast %mul3A_1403 : f32 to vector<16xf32>
    %mul3A_1405 = arith.mulf %mul3A_1404, %max3A_1385 : vector<16xf32>
    %mul3A_1406 = arith.mulf %mul3A_1405, %mul3A_1402 : vector<16xf32>
    %mul3A_1407 = arith.mulf %mul3A_1406, %mul3A_1402 : vector<16xf32>
    %sub3A_1408 = arith.constant 1.500000e+00 : f32
    %sub3A_1409 = vector.broadcast %sub3A_1408 : f32 to vector<16xf32>
    %sub3A_1410 = arith.subf %sub3A_1409, %mul3A_1407 : vector<16xf32>
    %mul3A_1411 = arith.mulf %mul3A_1402, %sub3A_1410 : vector<16xf32>
    %mul3A_1412 = arith.constant 5.000000e-01 : f32
    %mul3A_1413 = vector.broadcast %mul3A_1412 : f32 to vector<16xf32>
    %mul3A_1414 = arith.mulf %mul3A_1413, %max3A_1385 : vector<16xf32>
    %mul3A_1415 = arith.mulf %mul3A_1414, %mul3A_1411 : vector<16xf32>
    %mul3A_1416 = arith.mulf %mul3A_1415, %mul3A_1411 : vector<16xf32>
    %sub3A_1417 = arith.constant 1.500000e+00 : f32
    %sub3A_1418 = vector.broadcast %sub3A_1417 : f32 to vector<16xf32>
    %sub3A_1419 = arith.subf %sub3A_1418, %mul3A_1416 : vector<16xf32>
    %mul3A_1420 = arith.mulf %mul3A_1411, %sub3A_1419 : vector<16xf32>
    %mul3A_1421 = arith.mulf %mul3A_1382, %mul3A_1420 : vector<16xf32>
    %neg3A_1422 = arith.constant 0.000000e+00 : f32
    %neg3A_1423 = vector.broadcast %neg3A_1422 : f32 to vector<16xf32>
    %neg3A_1424 = arith.subf %neg3A_1423, %mul3A_1421 : vector<16xf32>
    %exp3A_1425 = math.exp %neg3A_1424 : vector<16xf32>
    %add3A_1426 = arith.constant 1.000000e+00 : f32
    %add3A_1427 = vector.broadcast %add3A_1426 : f32 to vector<16xf32>
    %add3A_1428 = arith.addf %add3A_1427, %exp3A_1425 : vector<16xf32>
    %div3A_1429 = arith.constant 1.000000e+00 : f32
    %div3A_1430 = vector.broadcast %div3A_1429 : f32 to vector<16xf32>
    %div3A_1431 = arith.divf %div3A_1430, %add3A_1428 : vector<16xf32>
    %swap3A_1432 = arith.constant 336 : index
    %swap3A_1433 = tpu.vector_load %arg11[%swap3A_1432] {strides = array<i32>} : memref<512xf32, #tpu.memory_space<vmem>>, vector<16xf32>,
    tpu.vector_store %arg11[%swap3A_1432], %div3A_1431 {strides = array<i32>} : memref<512xf32, #tpu.memory_space<vmem>>, vector<16xf32>,
    %get3A_1434 = arith.constant 352 : index
    %get3A_1435 = tpu.vector_load %arg8[%get3A_1434] {strides = array<i32>} : memref<512xf32, #tpu.memory_space<vmem>>, vector<16xf32>,
    %get3A_1436 = arith.constant 352 : index
    %get3A_1437 = tpu.vector_load %arg9[%get3A_1436] {strides = array<i32>} : memref<512xf32, #tpu.memory_space<vmem>>, vector<16xf32>,
    %get3A_1438 = arith.constant 352 : index
    %get3A_1439 = tpu.vector_load %arg10[%get3A_1438] {strides = array<i32>} : memref<512xf32, #tpu.memory_space<vmem>>, vector<16xf32>,
    %mul3A_1440 = arith.mulf %get3A_1435, %get3A_1435 : vector<16xf32>
    %mul3A_1441 = arith.mulf %get3A_1437, %get3A_1437 : vector<16xf32>
    %add3A_1442 = arith.addf %mul3A_1440, %mul3A_1441 : vector<16xf32>
    %mul3A_1443 = arith.mulf %get3A_1439, %get3A_1439 : vector<16xf32>
    %add3A_1444 = arith.addf %add3A_1442, %mul3A_1443 : vector<16xf32>
    %mul3A_1445 = arith.constant 3.000000e+00 : f32
    %mul3A_1446 = vector.broadcast %mul3A_1445 : f32 to vector<16xf32>
    %mul3A_1447 = arith.mulf %mul3A_1446, %add3A_1444 : vector<16xf32>
    %max3A_1448 = arith.constant 1.000000e-30 : f32
    %max3A_1449 = vector.broadcast %max3A_1448 : f32 to vector<16xf32>
    %max3A_1450 = arith.maximumf %mul3A_1447, %max3A_1449 : vector<16xf32>
    %bitcast3A_1451 = vector.bitcast %max3A_1450 : vector<16xf32> to vector<16xi32>
    %shift_right_arithmetic3A_1452 = arith.constant 1 : i32
    %shift_right_arithmetic3A_1453 = vector.broadcast %shift_right_arithmetic3A_1452 : i32 to vector<16xi32>
    %shift_right_arithmetic3A_1454 = arith.shrsi %bitcast3A_1451, %shift_right_arithmetic3A_1453 : vector<16xi32>
    %sub3A_1455 = arith.constant 1597463007 : i32
    %sub3A_1456 = vector.broadcast %sub3A_1455 : i32 to vector<16xi32>
    %sub3A_1457 = arith.subi %sub3A_1456, %shift_right_arithmetic3A_1454 : vector<16xi32>
    %bitcast3A_1458 = vector.bitcast %sub3A_1457 : vector<16xi32> to vector<16xf32>
    %mul3A_1459 = arith.constant 5.000000e-01 : f32
    %mul3A_1460 = vector.broadcast %mul3A_1459 : f32 to vector<16xf32>
    %mul3A_1461 = arith.mulf %mul3A_1460, %max3A_1450 : vector<16xf32>
    %mul3A_1462 = arith.mulf %mul3A_1461, %bitcast3A_1458 : vector<16xf32>
    %mul3A_1463 = arith.mulf %mul3A_1462, %bitcast3A_1458 : vector<16xf32>
    %sub3A_1464 = arith.constant 1.500000e+00 : f32
    %sub3A_1465 = vector.broadcast %sub3A_1464 : f32 to vector<16xf32>
    %sub3A_1466 = arith.subf %sub3A_1465, %mul3A_1463 : vector<16xf32>
    %mul3A_1467 = arith.mulf %bitcast3A_1458, %sub3A_1466 : vector<16xf32>
    %mul3A_1468 = arith.constant 5.000000e-01 : f32
    %mul3A_1469 = vector.broadcast %mul3A_1468 : f32 to vector<16xf32>
    %mul3A_1470 = arith.mulf %mul3A_1469, %max3A_1450 : vector<16xf32>
    %mul3A_1471 = arith.mulf %mul3A_1470, %mul3A_1467 : vector<16xf32>
    %mul3A_1472 = arith.mulf %mul3A_1471, %mul3A_1467 : vector<16xf32>
    %sub3A_1473 = arith.constant 1.500000e+00 : f32
    %sub3A_1474 = vector.broadcast %sub3A_1473 : f32 to vector<16xf32>
    %sub3A_1475 = arith.subf %sub3A_1474, %mul3A_1472 : vector<16xf32>
    %mul3A_1476 = arith.mulf %mul3A_1467, %sub3A_1475 : vector<16xf32>
    %mul3A_1477 = arith.constant 5.000000e-01 : f32
    %mul3A_1478 = vector.broadcast %mul3A_1477 : f32 to vector<16xf32>
    %mul3A_1479 = arith.mulf %mul3A_1478, %max3A_1450 : vector<16xf32>
    %mul3A_1480 = arith.mulf %mul3A_1479, %mul3A_1476 : vector<16xf32>
    %mul3A_1481 = arith.mulf %mul3A_1480, %mul3A_1476 : vector<16xf32>
    %sub3A_1482 = arith.constant 1.500000e+00 : f32
    %sub3A_1483 = vector.broadcast %sub3A_1482 : f32 to vector<16xf32>
    %sub3A_1484 = arith.subf %sub3A_1483, %mul3A_1481 : vector<16xf32>
    %mul3A_1485 = arith.mulf %mul3A_1476, %sub3A_1484 : vector<16xf32>
    %mul3A_1486 = arith.mulf %mul3A_1447, %mul3A_1485 : vector<16xf32>
    %neg3A_1487 = arith.constant 0.000000e+00 : f32
    %neg3A_1488 = vector.broadcast %neg3A_1487 : f32 to vector<16xf32>
    %neg3A_1489 = arith.subf %neg3A_1488, %mul3A_1486 : vector<16xf32>
    %exp3A_1490 = math.exp %neg3A_1489 : vector<16xf32>
    %add3A_1491 = arith.constant 1.000000e+00 : f32
    %add3A_1492 = vector.broadcast %add3A_1491 : f32 to vector<16xf32>
    %add3A_1493 = arith.addf %add3A_1492, %exp3A_1490 : vector<16xf32>
    %div3A_1494 = arith.constant 1.000000e+00 : f32
    %div3A_1495 = vector.broadcast %div3A_1494 : f32 to vector<16xf32>
    %div3A_1496 = arith.divf %div3A_1495, %add3A_1493 : vector<16xf32>
    %swap3A_1497 = arith.constant 352 : index
    %swap3A_1498 = tpu.vector_load %arg11[%swap3A_1497] {strides = array<i32>} : memref<512xf32, #tpu.memory_space<vmem>>, vector<16xf32>,
    tpu.vector_store %arg11[%swap3A_1497], %div3A_1496 {strides = array<i32>} : memref<512xf32, #tpu.memory_space<vmem>>, vector<16xf32>,
    %get3A_1499 = arith.constant 368 : index
    %get3A_1500 = tpu.vector_load %arg8[%get3A_1499] {strides = array<i32>} : memref<512xf32, #tpu.memory_space<vmem>>, vector<16xf32>,
    %get3A_1501 = arith.constant 368 : index
    %get3A_1502 = tpu.vector_load %arg9[%get3A_1501] {strides = array<i32>} : memref<512xf32, #tpu.memory_space<vmem>>, vector<16xf32>,
    %get3A_1503 = arith.constant 368 : index
    %get3A_1504 = tpu.vector_load %arg10[%get3A_1503] {strides = array<i32>} : memref<512xf32, #tpu.memory_space<vmem>>, vector<16xf32>,
    %mul3A_1505 = arith.mulf %get3A_1500, %get3A_1500 : vector<16xf32>
    %mul3A_1506 = arith.mulf %get3A_1502, %get3A_1502 : vector<16xf32>
    %add3A_1507 = arith.addf %mul3A_1505, %mul3A_1506 : vector<16xf32>
    %mul3A_1508 = arith.mulf %get3A_1504, %get3A_1504 : vector<16xf32>
    %add3A_1509 = arith.addf %add3A_1507, %mul3A_1508 : vector<16xf32>
    %mul3A_1510 = arith.constant 3.000000e+00 : f32
    %mul3A_1511 = vector.broadcast %mul3A_1510 : f32 to vector<16xf32>
    %mul3A_1512 = arith.mulf %mul3A_1511, %add3A_1509 : vector<16xf32>
    %max3A_1513 = arith.constant 1.000000e-30 : f32
    %max3A_1514 = vector.broadcast %max3A_1513 : f32 to vector<16xf32>
    %max3A_1515 = arith.maximumf %mul3A_1512, %max3A_1514 : vector<16xf32>
    %bitcast3A_1516 = vector.bitcast %max3A_1515 : vector<16xf32> to vector<16xi32>
    %shift_right_arithmetic3A_1517 = arith.constant 1 : i32
    %shift_right_arithmetic3A_1518 = vector.broadcast %shift_right_arithmetic3A_1517 : i32 to vector<16xi32>
    %shift_right_arithmetic3A_1519 = arith.shrsi %bitcast3A_1516, %shift_right_arithmetic3A_1518 : vector<16xi32>
    %sub3A_1520 = arith.constant 1597463007 : i32
    %sub3A_1521 = vector.broadcast %sub3A_1520 : i32 to vector<16xi32>
    %sub3A_1522 = arith.subi %sub3A_1521, %shift_right_arithmetic3A_1519 : vector<16xi32>
    %bitcast3A_1523 = vector.bitcast %sub3A_1522 : vector<16xi32> to vector<16xf32>
    %mul3A_1524 = arith.constant 5.000000e-01 : f32
    %mul3A_1525 = vector.broadcast %mul3A_1524 : f32 to vector<16xf32>
    %mul3A_1526 = arith.mulf %mul3A_1525, %max3A_1515 : vector<16xf32>
    %mul3A_1527 = arith.mulf %mul3A_1526, %bitcast3A_1523 : vector<16xf32>
    %mul3A_1528 = arith.mulf %mul3A_1527, %bitcast3A_1523 : vector<16xf32>
    %sub3A_1529 = arith.constant 1.500000e+00 : f32
    %sub3A_1530 = vector.broadcast %sub3A_1529 : f32 to vector<16xf32>
    %sub3A_1531 = arith.subf %sub3A_1530, %mul3A_1528 : vector<16xf32>
    %mul3A_1532 = arith.mulf %bitcast3A_1523, %sub3A_1531 : vector<16xf32>
    %mul3A_1533 = arith.constant 5.000000e-01 : f32
    %mul3A_1534 = vector.broadcast %mul3A_1533 : f32 to vector<16xf32>
    %mul3A_1535 = arith.mulf %mul3A_1534, %max3A_1515 : vector<16xf32>
    %mul3A_1536 = arith.mulf %mul3A_1535, %mul3A_1532 : vector<16xf32>
    %mul3A_1537 = arith.mulf %mul3A_1536, %mul3A_1532 : vector<16xf32>
    %sub3A_1538 = arith.constant 1.500000e+00 : f32
    %sub3A_1539 = vector.broadcast %sub3A_1538 : f32 to vector<16xf32>
    %sub3A_1540 = arith.subf %sub3A_1539, %mul3A_1537 : vector<16xf32>
    %mul3A_1541 = arith.mulf %mul3A_1532, %sub3A_1540 : vector<16xf32>
    %mul3A_1542 = arith.constant 5.000000e-01 : f32
    %mul3A_1543 = vector.broadcast %mul3A_1542 : f32 to vector<16xf32>
    %mul3A_1544 = arith.mulf %mul3A_1543, %max3A_1515 : vector<16xf32>
    %mul3A_1545 = arith.mulf %mul3A_1544, %mul3A_1541 : vector<16xf32>
    %mul3A_1546 = arith.mulf %mul3A_1545, %mul3A_1541 : vector<16xf32>
    %sub3A_1547 = arith.constant 1.500000e+00 : f32
    %sub3A_1548 = vector.broadcast %sub3A_1547 : f32 to vector<16xf32>
    %sub3A_1549 = arith.subf %sub3A_1548, %mul3A_1546 : vector<16xf32>
    %mul3A_1550 = arith.mulf %mul3A_1541, %sub3A_1549 : vector<16xf32>
    %mul3A_1551 = arith.mulf %mul3A_1512, %mul3A_1550 : vector<16xf32>
    %neg3A_1552 = arith.constant 0.000000e+00 : f32
    %neg3A_1553 = vector.broadcast %neg3A_1552 : f32 to vector<16xf32>
    %neg3A_1554 = arith.subf %neg3A_1553, %mul3A_1551 : vector<16xf32>
    %exp3A_1555 = math.exp %neg3A_1554 : vector<16xf32>
    %add3A_1556 = arith.constant 1.000000e+00 : f32
    %add3A_1557 = vector.broadcast %add3A_1556 : f32 to vector<16xf32>
    %add3A_1558 = arith.addf %add3A_1557, %exp3A_1555 : vector<16xf32>
    %div3A_1559 = arith.constant 1.000000e+00 : f32
    %div3A_1560 = vector.broadcast %div3A_1559 : f32 to vector<16xf32>
    %div3A_1561 = arith.divf %div3A_1560, %add3A_1558 : vector<16xf32>
    %swap3A_1562 = arith.constant 368 : index
    %swap3A_1563 = tpu.vector_load %arg11[%swap3A_1562] {strides = array<i32>} : memref<512xf32, #tpu.memory_space<vmem>>, vector<16xf32>,
    tpu.vector_store %arg11[%swap3A_1562], %div3A_1561 {strides = array<i32>} : memref<512xf32, #tpu.memory_space<vmem>>, vector<16xf32>,
    %get3A_1564 = arith.constant 384 : index
    %get3A_1565 = tpu.vector_load %arg8[%get3A_1564] {strides = array<i32>} : memref<512xf32, #tpu.memory_space<vmem>>, vector<16xf32>,
    %get3A_1566 = arith.constant 384 : index
    %get3A_1567 = tpu.vector_load %arg9[%get3A_1566] {strides = array<i32>} : memref<512xf32, #tpu.memory_space<vmem>>, vector<16xf32>,
    %get3A_1568 = arith.constant 384 : index
    %get3A_1569 = tpu.vector_load %arg10[%get3A_1568] {strides = array<i32>} : memref<512xf32, #tpu.memory_space<vmem>>, vector<16xf32>,
    %mul3A_1570 = arith.mulf %get3A_1565, %get3A_1565 : vector<16xf32>
    %mul3A_1571 = arith.mulf %get3A_1567, %get3A_1567 : vector<16xf32>
    %add3A_1572 = arith.addf %mul3A_1570, %mul3A_1571 : vector<16xf32>
    %mul3A_1573 = arith.mulf %get3A_1569, %get3A_1569 : vector<16xf32>
    %add3A_1574 = arith.addf %add3A_1572, %mul3A_1573 : vector<16xf32>
    %mul3A_1575 = arith.constant 3.000000e+00 : f32
    %mul3A_1576 = vector.broadcast %mul3A_1575 : f32 to vector<16xf32>
    %mul3A_1577 = arith.mulf %mul3A_1576, %add3A_1574 : vector<16xf32>
    %max3A_1578 = arith.constant 1.000000e-30 : f32
    %max3A_1579 = vector.broadcast %max3A_1578 : f32 to vector<16xf32>
    %max3A_1580 = arith.maximumf %mul3A_1577, %max3A_1579 : vector<16xf32>
    %bitcast3A_1581 = vector.bitcast %max3A_1580 : vector<16xf32> to vector<16xi32>
    %shift_right_arithmetic3A_1582 = arith.constant 1 : i32
    %shift_right_arithmetic3A_1583 = vector.broadcast %shift_right_arithmetic3A_1582 : i32 to vector<16xi32>
    %shift_right_arithmetic3A_1584 = arith.shrsi %bitcast3A_1581, %shift_right_arithmetic3A_1583 : vector<16xi32>
    %sub3A_1585 = arith.constant 1597463007 : i32
    %sub3A_1586 = vector.broadcast %sub3A_1585 : i32 to vector<16xi32>
    %sub3A_1587 = arith.subi %sub3A_1586, %shift_right_arithmetic3A_1584 : vector<16xi32>
    %bitcast3A_1588 = vector.bitcast %sub3A_1587 : vector<16xi32> to vector<16xf32>
    %mul3A_1589 = arith.constant 5.000000e-01 : f32
    %mul3A_1590 = vector.broadcast %mul3A_1589 : f32 to vector<16xf32>
    %mul3A_1591 = arith.mulf %mul3A_1590, %max3A_1580 : vector<16xf32>
    %mul3A_1592 = arith.mulf %mul3A_1591, %bitcast3A_1588 : vector<16xf32>
    %mul3A_1593 = arith.mulf %mul3A_1592, %bitcast3A_1588 : vector<16xf32>
    %sub3A_1594 = arith.constant 1.500000e+00 : f32
    %sub3A_1595 = vector.broadcast %sub3A_1594 : f32 to vector<16xf32>
    %sub3A_1596 = arith.subf %sub3A_1595, %mul3A_1593 : vector<16xf32>
    %mul3A_1597 = arith.mulf %bitcast3A_1588, %sub3A_1596 : vector<16xf32>
    %mul3A_1598 = arith.constant 5.000000e-01 : f32
    %mul3A_1599 = vector.broadcast %mul3A_1598 : f32 to vector<16xf32>
    %mul3A_1600 = arith.mulf %mul3A_1599, %max3A_1580 : vector<16xf32>
    %mul3A_1601 = arith.mulf %mul3A_1600, %mul3A_1597 : vector<16xf32>
    %mul3A_1602 = arith.mulf %mul3A_1601, %mul3A_1597 : vector<16xf32>
    %sub3A_1603 = arith.constant 1.500000e+00 : f32
    %sub3A_1604 = vector.broadcast %sub3A_1603 : f32 to vector<16xf32>
    %sub3A_1605 = arith.subf %sub3A_1604, %mul3A_1602 : vector<16xf32>
    %mul3A_1606 = arith.mulf %mul3A_1597, %sub3A_1605 : vector<16xf32>
    %mul3A_1607 = arith.constant 5.000000e-01 : f32
    %mul3A_1608 = vector.broadcast %mul3A_1607 : f32 to vector<16xf32>
    %mul3A_1609 = arith.mulf %mul3A_1608, %max3A_1580 : vector<16xf32>
    %mul3A_1610 = arith.mulf %mul3A_1609, %mul3A_1606 : vector<16xf32>
    %mul3A_1611 = arith.mulf %mul3A_1610, %mul3A_1606 : vector<16xf32>
    %sub3A_1612 = arith.constant 1.500000e+00 : f32
    %sub3A_1613 = vector.broadcast %sub3A_1612 : f32 to vector<16xf32>
    %sub3A_1614 = arith.subf %sub3A_1613, %mul3A_1611 : vector<16xf32>
    %mul3A_1615 = arith.mulf %mul3A_1606, %sub3A_1614 : vector<16xf32>
    %mul3A_1616 = arith.mulf %mul3A_1577, %mul3A_1615 : vector<16xf32>
    %neg3A_1617 = arith.constant 0.000000e+00 : f32
    %neg3A_1618 = vector.broadcast %neg3A_1617 : f32 to vector<16xf32>
    %neg3A_1619 = arith.subf %neg3A_1618, %mul3A_1616 : vector<16xf32>
    %exp3A_1620 = math.exp %neg3A_1619 : vector<16xf32>
    %add3A_1621 = arith.constant 1.000000e+00 : f32
    %add3A_1622 = vector.broadcast %add3A_1621 : f32 to vector<16xf32>
    %add3A_1623 = arith.addf %add3A_1622, %exp3A_1620 : vector<16xf32>
    %div3A_1624 = arith.constant 1.000000e+00 : f32
    %div3A_1625 = vector.broadcast %div3A_1624 : f32 to vector<16xf32>
    %div3A_1626 = arith.divf %div3A_1625, %add3A_1623 : vector<16xf32>
    %swap3A_1627 = arith.constant 384 : index
    %swap3A_1628 = tpu.vector_load %arg11[%swap3A_1627] {strides = array<i32>} : memref<512xf32, #tpu.memory_space<vmem>>, vector<16xf32>,
    tpu.vector_store %arg11[%swap3A_1627], %div3A_1626 {strides = array<i32>} : memref<512xf32, #tpu.memory_space<vmem>>, vector<16xf32>,
    %get3A_1629 = arith.constant 400 : index
    %get3A_1630 = tpu.vector_load %arg8[%get3A_1629] {strides = array<i32>} : memref<512xf32, #tpu.memory_space<vmem>>, vector<16xf32>,
    %get3A_1631 = arith.constant 400 : index
    %get3A_1632 = tpu.vector_load %arg9[%get3A_1631] {strides = array<i32>} : memref<512xf32, #tpu.memory_space<vmem>>, vector<16xf32>,
    %get3A_1633 = arith.constant 400 : index
    %get3A_1634 = tpu.vector_load %arg10[%get3A_1633] {strides = array<i32>} : memref<512xf32, #tpu.memory_space<vmem>>, vector<16xf32>,
    %mul3A_1635 = arith.mulf %get3A_1630, %get3A_1630 : vector<16xf32>
    %mul3A_1636 = arith.mulf %get3A_1632, %get3A_1632 : vector<16xf32>
    %add3A_1637 = arith.addf %mul3A_1635, %mul3A_1636 : vector<16xf32>
    %mul3A_1638 = arith.mulf %get3A_1634, %get3A_1634 : vector<16xf32>
    %add3A_1639 = arith.addf %add3A_1637, %mul3A_1638 : vector<16xf32>
    %mul3A_1640 = arith.constant 3.000000e+00 : f32
    %mul3A_1641 = vector.broadcast %mul3A_1640 : f32 to vector<16xf32>
    %mul3A_1642 = arith.mulf %mul3A_1641, %add3A_1639 : vector<16xf32>
    %max3A_1643 = arith.constant 1.000000e-30 : f32
    %max3A_1644 = vector.broadcast %max3A_1643 : f32 to vector<16xf32>
    %max3A_1645 = arith.maximumf %mul3A_1642, %max3A_1644 : vector<16xf32>
    %bitcast3A_1646 = vector.bitcast %max3A_1645 : vector<16xf32> to vector<16xi32>
    %shift_right_arithmetic3A_1647 = arith.constant 1 : i32
    %shift_right_arithmetic3A_1648 = vector.broadcast %shift_right_arithmetic3A_1647 : i32 to vector<16xi32>
    %shift_right_arithmetic3A_1649 = arith.shrsi %bitcast3A_1646, %shift_right_arithmetic3A_1648 : vector<16xi32>
    %sub3A_1650 = arith.constant 1597463007 : i32
    %sub3A_1651 = vector.broadcast %sub3A_1650 : i32 to vector<16xi32>
    %sub3A_1652 = arith.subi %sub3A_1651, %shift_right_arithmetic3A_1649 : vector<16xi32>
    %bitcast3A_1653 = vector.bitcast %sub3A_1652 : vector<16xi32> to vector<16xf32>
    %mul3A_1654 = arith.constant 5.000000e-01 : f32
    %mul3A_1655 = vector.broadcast %mul3A_1654 : f32 to vector<16xf32>
    %mul3A_1656 = arith.mulf %mul3A_1655, %max3A_1645 : vector<16xf32>
    %mul3A_1657 = arith.mulf %mul3A_1656, %bitcast3A_1653 : vector<16xf32>
    %mul3A_1658 = arith.mulf %mul3A_1657, %bitcast3A_1653 : vector<16xf32>
    %sub3A_1659 = arith.constant 1.500000e+00 : f32
    %sub3A_1660 = vector.broadcast %sub3A_1659 : f32 to vector<16xf32>
    %sub3A_1661 = arith.subf %sub3A_1660, %mul3A_1658 : vector<16xf32>
    %mul3A_1662 = arith.mulf %bitcast3A_1653, %sub3A_1661 : vector<16xf32>
    %mul3A_1663 = arith.constant 5.000000e-01 : f32
    %mul3A_1664 = vector.broadcast %mul3A_1663 : f32 to vector<16xf32>
    %mul3A_1665 = arith.mulf %mul3A_1664, %max3A_1645 : vector<16xf32>
    %mul3A_1666 = arith.mulf %mul3A_1665, %mul3A_1662 : vector<16xf32>
    %mul3A_1667 = arith.mulf %mul3A_1666, %mul3A_1662 : vector<16xf32>
    %sub3A_1668 = arith.constant 1.500000e+00 : f32
    %sub3A_1669 = vector.broadcast %sub3A_1668 : f32 to vector<16xf32>
    %sub3A_1670 = arith.subf %sub3A_1669, %mul3A_1667 : vector<16xf32>
    %mul3A_1671 = arith.mulf %mul3A_1662, %sub3A_1670 : vector<16xf32>
    %mul3A_1672 = arith.constant 5.000000e-01 : f32
    %mul3A_1673 = vector.broadcast %mul3A_1672 : f32 to vector<16xf32>
    %mul3A_1674 = arith.mulf %mul3A_1673, %max3A_1645 : vector<16xf32>
    %mul3A_1675 = arith.mulf %mul3A_1674, %mul3A_1671 : vector<16xf32>
    %mul3A_1676 = arith.mulf %mul3A_1675, %mul3A_1671 : vector<16xf32>
    %sub3A_1677 = arith.constant 1.500000e+00 : f32
    %sub3A_1678 = vector.broadcast %sub3A_1677 : f32 to vector<16xf32>
    %sub3A_1679 = arith.subf %sub3A_1678, %mul3A_1676 : vector<16xf32>
    %mul3A_1680 = arith.mulf %mul3A_1671, %sub3A_1679 : vector<16xf32>
    %mul3A_1681 = arith.mulf %mul3A_1642, %mul3A_1680 : vector<16xf32>
    %neg3A_1682 = arith.constant 0.000000e+00 : f32
    %neg3A_1683 = vector.broadcast %neg3A_1682 : f32 to vector<16xf32>
    %neg3A_1684 = arith.subf %neg3A_1683, %mul3A_1681 : vector<16xf32>
    %exp3A_1685 = math.exp %neg3A_1684 : vector<16xf32>
    %add3A_1686 = arith.constant 1.000000e+00 : f32
    %add3A_1687 = vector.broadcast %add3A_1686 : f32 to vector<16xf32>
    %add3A_1688 = arith.addf %add3A_1687, %exp3A_1685 : vector<16xf32>
    %div3A_1689 = arith.constant 1.000000e+00 : f32
    %div3A_1690 = vector.broadcast %div3A_1689 : f32 to vector<16xf32>
    %div3A_1691 = arith.divf %div3A_1690, %add3A_1688 : vector<16xf32>
    %swap3A_1692 = arith.constant 400 : index
    %swap3A_1693 = tpu.vector_load %arg11[%swap3A_1692] {strides = array<i32>} : memref<512xf32, #tpu.memory_space<vmem>>, vector<16xf32>,
    tpu.vector_store %arg11[%swap3A_1692], %div3A_1691 {strides = array<i32>} : memref<512xf32, #tpu.memory_space<vmem>>, vector<16xf32>,
    %get3A_1694 = arith.constant 416 : index
    %get3A_1695 = tpu.vector_load %arg8[%get3A_1694] {strides = array<i32>} : memref<512xf32, #tpu.memory_space<vmem>>, vector<16xf32>,
    %get3A_1696 = arith.constant 416 : index
    %get3A_1697 = tpu.vector_load %arg9[%get3A_1696] {strides = array<i32>} : memref<512xf32, #tpu.memory_space<vmem>>, vector<16xf32>,
    %get3A_1698 = arith.constant 416 : index
    %get3A_1699 = tpu.vector_load %arg10[%get3A_1698] {strides = array<i32>} : memref<512xf32, #tpu.memory_space<vmem>>, vector<16xf32>,
    %mul3A_1700 = arith.mulf %get3A_1695, %get3A_1695 : vector<16xf32>
    %mul3A_1701 = arith.mulf %get3A_1697, %get3A_1697 : vector<16xf32>
    %add3A_1702 = arith.addf %mul3A_1700, %mul3A_1701 : vector<16xf32>
    %mul3A_1703 = arith.mulf %get3A_1699, %get3A_1699 : vector<16xf32>
    %add3A_1704 = arith.addf %add3A_1702, %mul3A_1703 : vector<16xf32>
    %mul3A_1705 = arith.constant 3.000000e+00 : f32
    %mul3A_1706 = vector.broadcast %mul3A_1705 : f32 to vector<16xf32>
    %mul3A_1707 = arith.mulf %mul3A_1706, %add3A_1704 : vector<16xf32>
    %max3A_1708 = arith.constant 1.000000e-30 : f32
    %max3A_1709 = vector.broadcast %max3A_1708 : f32 to vector<16xf32>
    %max3A_1710 = arith.maximumf %mul3A_1707, %max3A_1709 : vector<16xf32>
    %bitcast3A_1711 = vector.bitcast %max3A_1710 : vector<16xf32> to vector<16xi32>
    %shift_right_arithmetic3A_1712 = arith.constant 1 : i32
    %shift_right_arithmetic3A_1713 = vector.broadcast %shift_right_arithmetic3A_1712 : i32 to vector<16xi32>
    %shift_right_arithmetic3A_1714 = arith.shrsi %bitcast3A_1711, %shift_right_arithmetic3A_1713 : vector<16xi32>
    %sub3A_1715 = arith.constant 1597463007 : i32
    %sub3A_1716 = vector.broadcast %sub3A_1715 : i32 to vector<16xi32>
    %sub3A_1717 = arith.subi %sub3A_1716, %shift_right_arithmetic3A_1714 : vector<16xi32>
    %bitcast3A_1718 = vector.bitcast %sub3A_1717 : vector<16xi32> to vector<16xf32>
    %mul3A_1719 = arith.constant 5.000000e-01 : f32
    %mul3A_1720 = vector.broadcast %mul3A_1719 : f32 to vector<16xf32>
    %mul3A_1721 = arith.mulf %mul3A_1720, %max3A_1710 : vector<16xf32>
    %mul3A_1722 = arith.mulf %mul3A_1721, %bitcast3A_1718 : vector<16xf32>
    %mul3A_1723 = arith.mulf %mul3A_1722, %bitcast3A_1718 : vector<16xf32>
    %sub3A_1724 = arith.constant 1.500000e+00 : f32
    %sub3A_1725 = vector.broadcast %sub3A_1724 : f32 to vector<16xf32>
    %sub3A_1726 = arith.subf %sub3A_1725, %mul3A_1723 : vector<16xf32>
    %mul3A_1727 = arith.mulf %bitcast3A_1718, %sub3A_1726 : vector<16xf32>
    %mul3A_1728 = arith.constant 5.000000e-01 : f32
    %mul3A_1729 = vector.broadcast %mul3A_1728 : f32 to vector<16xf32>
    %mul3A_1730 = arith.mulf %mul3A_1729, %max3A_1710 : vector<16xf32>
    %mul3A_1731 = arith.mulf %mul3A_1730, %mul3A_1727 : vector<16xf32>
    %mul3A_1732 = arith.mulf %mul3A_1731, %mul3A_1727 : vector<16xf32>
    %sub3A_1733 = arith.constant 1.500000e+00 : f32
    %sub3A_1734 = vector.broadcast %sub3A_1733 : f32 to vector<16xf32>
    %sub3A_1735 = arith.subf %sub3A_1734, %mul3A_1732 : vector<16xf32>
    %mul3A_1736 = arith.mulf %mul3A_1727, %sub3A_1735 : vector<16xf32>
    %mul3A_1737 = arith.constant 5.000000e-01 : f32
    %mul3A_1738 = vector.broadcast %mul3A_1737 : f32 to vector<16xf32>
    %mul3A_1739 = arith.mulf %mul3A_1738, %max3A_1710 : vector<16xf32>
    %mul3A_1740 = arith.mulf %mul3A_1739, %mul3A_1736 : vector<16xf32>
    %mul3A_1741 = arith.mulf %mul3A_1740, %mul3A_1736 : vector<16xf32>
    %sub3A_1742 = arith.constant 1.500000e+00 : f32
    %sub3A_1743 = vector.broadcast %sub3A_1742 : f32 to vector<16xf32>
    %sub3A_1744 = arith.subf %sub3A_1743, %mul3A_1741 : vector<16xf32>
    %mul3A_1745 = arith.mulf %mul3A_1736, %sub3A_1744 : vector<16xf32>
    %mul3A_1746 = arith.mulf %mul3A_1707, %mul3A_1745 : vector<16xf32>
    %neg3A_1747 = arith.constant 0.000000e+00 : f32
    %neg3A_1748 = vector.broadcast %neg3A_1747 : f32 to vector<16xf32>
    %neg3A_1749 = arith.subf %neg3A_1748, %mul3A_1746 : vector<16xf32>
    %exp3A_1750 = math.exp %neg3A_1749 : vector<16xf32>
    %add3A_1751 = arith.constant 1.000000e+00 : f32
    %add3A_1752 = vector.broadcast %add3A_1751 : f32 to vector<16xf32>
    %add3A_1753 = arith.addf %add3A_1752, %exp3A_1750 : vector<16xf32>
    %div3A_1754 = arith.constant 1.000000e+00 : f32
    %div3A_1755 = vector.broadcast %div3A_1754 : f32 to vector<16xf32>
    %div3A_1756 = arith.divf %div3A_1755, %add3A_1753 : vector<16xf32>
    %swap3A_1757 = arith.constant 416 : index
    %swap3A_1758 = tpu.vector_load %arg11[%swap3A_1757] {strides = array<i32>} : memref<512xf32, #tpu.memory_space<vmem>>, vector<16xf32>,
    tpu.vector_store %arg11[%swap3A_1757], %div3A_1756 {strides = array<i32>} : memref<512xf32, #tpu.memory_space<vmem>>, vector<16xf32>,
    %get3A_1759 = arith.constant 432 : index
    %get3A_1760 = tpu.vector_load %arg8[%get3A_1759] {strides = array<i32>} : memref<512xf32, #tpu.memory_space<vmem>>, vector<16xf32>,
    %get3A_1761 = arith.constant 432 : index
    %get3A_1762 = tpu.vector_load %arg9[%get3A_1761] {strides = array<i32>} : memref<512xf32, #tpu.memory_space<vmem>>, vector<16xf32>,
    %get3A_1763 = arith.constant 432 : index
    %get3A_1764 = tpu.vector_load %arg10[%get3A_1763] {strides = array<i32>} : memref<512xf32, #tpu.memory_space<vmem>>, vector<16xf32>,
    %mul3A_1765 = arith.mulf %get3A_1760, %get3A_1760 : vector<16xf32>
    %mul3A_1766 = arith.mulf %get3A_1762, %get3A_1762 : vector<16xf32>
    %add3A_1767 = arith.addf %mul3A_1765, %mul3A_1766 : vector<16xf32>
    %mul3A_1768 = arith.mulf %get3A_1764, %get3A_1764 : vector<16xf32>
    %add3A_1769 = arith.addf %add3A_1767, %mul3A_1768 : vector<16xf32>
    %mul3A_1770 = arith.constant 3.000000e+00 : f32
    %mul3A_1771 = vector.broadcast %mul3A_1770 : f32 to vector<16xf32>
    %mul3A_1772 = arith.mulf %mul3A_1771, %add3A_1769 : vector<16xf32>
    %max3A_1773 = arith.constant 1.000000e-30 : f32
    %max3A_1774 = vector.broadcast %max3A_1773 : f32 to vector<16xf32>
    %max3A_1775 = arith.maximumf %mul3A_1772, %max3A_1774 : vector<16xf32>
    %bitcast3A_1776 = vector.bitcast %max3A_1775 : vector<16xf32> to vector<16xi32>
    %shift_right_arithmetic3A_1777 = arith.constant 1 : i32
    %shift_right_arithmetic3A_1778 = vector.broadcast %shift_right_arithmetic3A_1777 : i32 to vector<16xi32>
    %shift_right_arithmetic3A_1779 = arith.shrsi %bitcast3A_1776, %shift_right_arithmetic3A_1778 : vector<16xi32>
    %sub3A_1780 = arith.constant 1597463007 : i32
    %sub3A_1781 = vector.broadcast %sub3A_1780 : i32 to vector<16xi32>
    %sub3A_1782 = arith.subi %sub3A_1781, %shift_right_arithmetic3A_1779 : vector<16xi32>
    %bitcast3A_1783 = vector.bitcast %sub3A_1782 : vector<16xi32> to vector<16xf32>
    %mul3A_1784 = arith.constant 5.000000e-01 : f32
    %mul3A_1785 = vector.broadcast %mul3A_1784 : f32 to vector<16xf32>
    %mul3A_1786 = arith.mulf %mul3A_1785, %max3A_1775 : vector<16xf32>
    %mul3A_1787 = arith.mulf %mul3A_1786, %bitcast3A_1783 : vector<16xf32>
    %mul3A_1788 = arith.mulf %mul3A_1787, %bitcast3A_1783 : vector<16xf32>
    %sub3A_1789 = arith.constant 1.500000e+00 : f32
    %sub3A_1790 = vector.broadcast %sub3A_1789 : f32 to vector<16xf32>
    %sub3A_1791 = arith.subf %sub3A_1790, %mul3A_1788 : vector<16xf32>
    %mul3A_1792 = arith.mulf %bitcast3A_1783, %sub3A_1791 : vector<16xf32>
    %mul3A_1793 = arith.constant 5.000000e-01 : f32
    %mul3A_1794 = vector.broadcast %mul3A_1793 : f32 to vector<16xf32>
    %mul3A_1795 = arith.mulf %mul3A_1794, %max3A_1775 : vector<16xf32>
    %mul3A_1796 = arith.mulf %mul3A_1795, %mul3A_1792 : vector<16xf32>
    %mul3A_1797 = arith.mulf %mul3A_1796, %mul3A_1792 : vector<16xf32>
    %sub3A_1798 = arith.constant 1.500000e+00 : f32
    %sub3A_1799 = vector.broadcast %sub3A_1798 : f32 to vector<16xf32>
    %sub3A_1800 = arith.subf %sub3A_1799, %mul3A_1797 : vector<16xf32>
    %mul3A_1801 = arith.mulf %mul3A_1792, %sub3A_1800 : vector<16xf32>
    %mul3A_1802 = arith.constant 5.000000e-01 : f32
    %mul3A_1803 = vector.broadcast %mul3A_1802 : f32 to vector<16xf32>
    %mul3A_1804 = arith.mulf %mul3A_1803, %max3A_1775 : vector<16xf32>
    %mul3A_1805 = arith.mulf %mul3A_1804, %mul3A_1801 : vector<16xf32>
    %mul3A_1806 = arith.mulf %mul3A_1805, %mul3A_1801 : vector<16xf32>
    %sub3A_1807 = arith.constant 1.500000e+00 : f32
    %sub3A_1808 = vector.broadcast %sub3A_1807 : f32 to vector<16xf32>
    %sub3A_1809 = arith.subf %sub3A_1808, %mul3A_1806 : vector<16xf32>
    %mul3A_1810 = arith.mulf %mul3A_1801, %sub3A_1809 : vector<16xf32>
    %mul3A_1811 = arith.mulf %mul3A_1772, %mul3A_1810 : vector<16xf32>
    %neg3A_1812 = arith.constant 0.000000e+00 : f32
    %neg3A_1813 = vector.broadcast %neg3A_1812 : f32 to vector<16xf32>
    %neg3A_1814 = arith.subf %neg3A_1813, %mul3A_1811 : vector<16xf32>
    %exp3A_1815 = math.exp %neg3A_1814 : vector<16xf32>
    %add3A_1816 = arith.constant 1.000000e+00 : f32
    %add3A_1817 = vector.broadcast %add3A_1816 : f32 to vector<16xf32>
    %add3A_1818 = arith.addf %add3A_1817, %exp3A_1815 : vector<16xf32>
    %div3A_1819 = arith.constant 1.000000e+00 : f32
    %div3A_1820 = vector.broadcast %div3A_1819 : f32 to vector<16xf32>
    %div3A_1821 = arith.divf %div3A_1820, %add3A_1818 : vector<16xf32>
    %swap3A_1822 = arith.constant 432 : index
    %swap3A_1823 = tpu.vector_load %arg11[%swap3A_1822] {strides = array<i32>} : memref<512xf32, #tpu.memory_space<vmem>>, vector<16xf32>,
    tpu.vector_store %arg11[%swap3A_1822], %div3A_1821 {strides = array<i32>} : memref<512xf32, #tpu.memory_space<vmem>>, vector<16xf32>,
    %get3A_1824 = arith.constant 448 : index
    %get3A_1825 = tpu.vector_load %arg8[%get3A_1824] {strides = array<i32>} : memref<512xf32, #tpu.memory_space<vmem>>, vector<16xf32>,
    %get3A_1826 = arith.constant 448 : index
    %get3A_1827 = tpu.vector_load %arg9[%get3A_1826] {strides = array<i32>} : memref<512xf32, #tpu.memory_space<vmem>>, vector<16xf32>,
    %get3A_1828 = arith.constant 448 : index
    %get3A_1829 = tpu.vector_load %arg10[%get3A_1828] {strides = array<i32>} : memref<512xf32, #tpu.memory_space<vmem>>, vector<16xf32>,
    %mul3A_1830 = arith.mulf %get3A_1825, %get3A_1825 : vector<16xf32>
    %mul3A_1831 = arith.mulf %get3A_1827, %get3A_1827 : vector<16xf32>
    %add3A_1832 = arith.addf %mul3A_1830, %mul3A_1831 : vector<16xf32>
    %mul3A_1833 = arith.mulf %get3A_1829, %get3A_1829 : vector<16xf32>
    %add3A_1834 = arith.addf %add3A_1832, %mul3A_1833 : vector<16xf32>
    %mul3A_1835 = arith.constant 3.000000e+00 : f32
    %mul3A_1836 = vector.broadcast %mul3A_1835 : f32 to vector<16xf32>
    %mul3A_1837 = arith.mulf %mul3A_1836, %add3A_1834 : vector<16xf32>
    %max3A_1838 = arith.constant 1.000000e-30 : f32
    %max3A_1839 = vector.broadcast %max3A_1838 : f32 to vector<16xf32>
    %max3A_1840 = arith.maximumf %mul3A_1837, %max3A_1839 : vector<16xf32>
    %bitcast3A_1841 = vector.bitcast %max3A_1840 : vector<16xf32> to vector<16xi32>
    %shift_right_arithmetic3A_1842 = arith.constant 1 : i32
    %shift_right_arithmetic3A_1843 = vector.broadcast %shift_right_arithmetic3A_1842 : i32 to vector<16xi32>
    %shift_right_arithmetic3A_1844 = arith.shrsi %bitcast3A_1841, %shift_right_arithmetic3A_1843 : vector<16xi32>
    %sub3A_1845 = arith.constant 1597463007 : i32
    %sub3A_1846 = vector.broadcast %sub3A_1845 : i32 to vector<16xi32>
    %sub3A_1847 = arith.subi %sub3A_1846, %shift_right_arithmetic3A_1844 : vector<16xi32>
    %bitcast3A_1848 = vector.bitcast %sub3A_1847 : vector<16xi32> to vector<16xf32>
    %mul3A_1849 = arith.constant 5.000000e-01 : f32
    %mul3A_1850 = vector.broadcast %mul3A_1849 : f32 to vector<16xf32>
    %mul3A_1851 = arith.mulf %mul3A_1850, %max3A_1840 : vector<16xf32>
    %mul3A_1852 = arith.mulf %mul3A_1851, %bitcast3A_1848 : vector<16xf32>
    %mul3A_1853 = arith.mulf %mul3A_1852, %bitcast3A_1848 : vector<16xf32>
    %sub3A_1854 = arith.constant 1.500000e+00 : f32
    %sub3A_1855 = vector.broadcast %sub3A_1854 : f32 to vector<16xf32>
    %sub3A_1856 = arith.subf %sub3A_1855, %mul3A_1853 : vector<16xf32>
    %mul3A_1857 = arith.mulf %bitcast3A_1848, %sub3A_1856 : vector<16xf32>
    %mul3A_1858 = arith.constant 5.000000e-01 : f32
    %mul3A_1859 = vector.broadcast %mul3A_1858 : f32 to vector<16xf32>
    %mul3A_1860 = arith.mulf %mul3A_1859, %max3A_1840 : vector<16xf32>
    %mul3A_1861 = arith.mulf %mul3A_1860, %mul3A_1857 : vector<16xf32>
    %mul3A_1862 = arith.mulf %mul3A_1861, %mul3A_1857 : vector<16xf32>
    %sub3A_1863 = arith.constant 1.500000e+00 : f32
    %sub3A_1864 = vector.broadcast %sub3A_1863 : f32 to vector<16xf32>
    %sub3A_1865 = arith.subf %sub3A_1864, %mul3A_1862 : vector<16xf32>
    %mul3A_1866 = arith.mulf %mul3A_1857, %sub3A_1865 : vector<16xf32>
    %mul3A_1867 = arith.constant 5.000000e-01 : f32
    %mul3A_1868 = vector.broadcast %mul3A_1867 : f32 to vector<16xf32>
    %mul3A_1869 = arith.mulf %mul3A_1868, %max3A_1840 : vector<16xf32>
    %mul3A_1870 = arith.mulf %mul3A_1869, %mul3A_1866 : vector<16xf32>
    %mul3A_1871 = arith.mulf %mul3A_1870, %mul3A_1866 : vector<16xf32>
    %sub3A_1872 = arith.constant 1.500000e+00 : f32
    %sub3A_1873 = vector.broadcast %sub3A_1872 : f32 to vector<16xf32>
    %sub3A_1874 = arith.subf %sub3A_1873, %mul3A_1871 : vector<16xf32>
    %mul3A_1875 = arith.mulf %mul3A_1866, %sub3A_1874 : vector<16xf32>
    %mul3A_1876 = arith.mulf %mul3A_1837, %mul3A_1875 : vector<16xf32>
    %neg3A_1877 = arith.constant 0.000000e+00 : f32
    %neg3A_1878 = vector.broadcast %neg3A_1877 : f32 to vector<16xf32>
    %neg3A_1879 = arith.subf %neg3A_1878, %mul3A_1876 : vector<16xf32>
    %exp3A_1880 = math.exp %neg3A_1879 : vector<16xf32>
    %add3A_1881 = arith.constant 1.000000e+00 : f32
    %add3A_1882 = vector.broadcast %add3A_1881 : f32 to vector<16xf32>
    %add3A_1883 = arith.addf %add3A_1882, %exp3A_1880 : vector<16xf32>
    %div3A_1884 = arith.constant 1.000000e+00 : f32
    %div3A_1885 = vector.broadcast %div3A_1884 : f32 to vector<16xf32>
    %div3A_1886 = arith.divf %div3A_1885, %add3A_1883 : vector<16xf32>
    %swap3A_1887 = arith.constant 448 : index
    %swap3A_1888 = tpu.vector_load %arg11[%swap3A_1887] {strides = array<i32>} : memref<512xf32, #tpu.memory_space<vmem>>, vector<16xf32>,
    tpu.vector_store %arg11[%swap3A_1887], %div3A_1886 {strides = array<i32>} : memref<512xf32, #tpu.memory_space<vmem>>, vector<16xf32>,
    %get3A_1889 = arith.constant 464 : index
    %get3A_1890 = tpu.vector_load %arg8[%get3A_1889] {strides = array<i32>} : memref<512xf32, #tpu.memory_space<vmem>>, vector<16xf32>,
    %get3A_1891 = arith.constant 464 : index
    %get3A_1892 = tpu.vector_load %arg9[%get3A_1891] {strides = array<i32>} : memref<512xf32, #tpu.memory_space<vmem>>, vector<16xf32>,
    %get3A_1893 = arith.constant 464 : index
    %get3A_1894 = tpu.vector_load %arg10[%get3A_1893] {strides = array<i32>} : memref<512xf32, #tpu.memory_space<vmem>>, vector<16xf32>,
    %mul3A_1895 = arith.mulf %get3A_1890, %get3A_1890 : vector<16xf32>
    %mul3A_1896 = arith.mulf %get3A_1892, %get3A_1892 : vector<16xf32>
    %add3A_1897 = arith.addf %mul3A_1895, %mul3A_1896 : vector<16xf32>
    %mul3A_1898 = arith.mulf %get3A_1894, %get3A_1894 : vector<16xf32>
    %add3A_1899 = arith.addf %add3A_1897, %mul3A_1898 : vector<16xf32>
    %mul3A_1900 = arith.constant 3.000000e+00 : f32
    %mul3A_1901 = vector.broadcast %mul3A_1900 : f32 to vector<16xf32>
    %mul3A_1902 = arith.mulf %mul3A_1901, %add3A_1899 : vector<16xf32>
    %max3A_1903 = arith.constant 1.000000e-30 : f32
    %max3A_1904 = vector.broadcast %max3A_1903 : f32 to vector<16xf32>
    %max3A_1905 = arith.maximumf %mul3A_1902, %max3A_1904 : vector<16xf32>
    %bitcast3A_1906 = vector.bitcast %max3A_1905 : vector<16xf32> to vector<16xi32>
    %shift_right_arithmetic3A_1907 = arith.constant 1 : i32
    %shift_right_arithmetic3A_1908 = vector.broadcast %shift_right_arithmetic3A_1907 : i32 to vector<16xi32>
    %shift_right_arithmetic3A_1909 = arith.shrsi %bitcast3A_1906, %shift_right_arithmetic3A_1908 : vector<16xi32>
    %sub3A_1910 = arith.constant 1597463007 : i32
    %sub3A_1911 = vector.broadcast %sub3A_1910 : i32 to vector<16xi32>
    %sub3A_1912 = arith.subi %sub3A_1911, %shift_right_arithmetic3A_1909 : vector<16xi32>
    %bitcast3A_1913 = vector.bitcast %sub3A_1912 : vector<16xi32> to vector<16xf32>
    %mul3A_1914 = arith.constant 5.000000e-01 : f32
    %mul3A_1915 = vector.broadcast %mul3A_1914 : f32 to vector<16xf32>
    %mul3A_1916 = arith.mulf %mul3A_1915, %max3A_1905 : vector<16xf32>
    %mul3A_1917 = arith.mulf %mul3A_1916, %bitcast3A_1913 : vector<16xf32>
    %mul3A_1918 = arith.mulf %mul3A_1917, %bitcast3A_1913 : vector<16xf32>
    %sub3A_1919 = arith.constant 1.500000e+00 : f32
    %sub3A_1920 = vector.broadcast %sub3A_1919 : f32 to vector<16xf32>
    %sub3A_1921 = arith.subf %sub3A_1920, %mul3A_1918 : vector<16xf32>
    %mul3A_1922 = arith.mulf %bitcast3A_1913, %sub3A_1921 : vector<16xf32>
    %mul3A_1923 = arith.constant 5.000000e-01 : f32
    %mul3A_1924 = vector.broadcast %mul3A_1923 : f32 to vector<16xf32>
    %mul3A_1925 = arith.mulf %mul3A_1924, %max3A_1905 : vector<16xf32>
    %mul3A_1926 = arith.mulf %mul3A_1925, %mul3A_1922 : vector<16xf32>
    %mul3A_1927 = arith.mulf %mul3A_1926, %mul3A_1922 : vector<16xf32>
    %sub3A_1928 = arith.constant 1.500000e+00 : f32
    %sub3A_1929 = vector.broadcast %sub3A_1928 : f32 to vector<16xf32>
    %sub3A_1930 = arith.subf %sub3A_1929, %mul3A_1927 : vector<16xf32>
    %mul3A_1931 = arith.mulf %mul3A_1922, %sub3A_1930 : vector<16xf32>
    %mul3A_1932 = arith.constant 5.000000e-01 : f32
    %mul3A_1933 = vector.broadcast %mul3A_1932 : f32 to vector<16xf32>
    %mul3A_1934 = arith.mulf %mul3A_1933, %max3A_1905 : vector<16xf32>
    %mul3A_1935 = arith.mulf %mul3A_1934, %mul3A_1931 : vector<16xf32>
    %mul3A_1936 = arith.mulf %mul3A_1935, %mul3A_1931 : vector<16xf32>
    %sub3A_1937 = arith.constant 1.500000e+00 : f32
    %sub3A_1938 = vector.broadcast %sub3A_1937 : f32 to vector<16xf32>
    %sub3A_1939 = arith.subf %sub3A_1938, %mul3A_1936 : vector<16xf32>
    %mul3A_1940 = arith.mulf %mul3A_1931, %sub3A_1939 : vector<16xf32>
    %mul3A_1941 = arith.mulf %mul3A_1902, %mul3A_1940 : vector<16xf32>
    %neg3A_1942 = arith.constant 0.000000e+00 : f32
    %neg3A_1943 = vector.broadcast %neg3A_1942 : f32 to vector<16xf32>
    %neg3A_1944 = arith.subf %neg3A_1943, %mul3A_1941 : vector<16xf32>
    %exp3A_1945 = math.exp %neg3A_1944 : vector<16xf32>
    %add3A_1946 = arith.constant 1.000000e+00 : f32
    %add3A_1947 = vector.broadcast %add3A_1946 : f32 to vector<16xf32>
    %add3A_1948 = arith.addf %add3A_1947, %exp3A_1945 : vector<16xf32>
    %div3A_1949 = arith.constant 1.000000e+00 : f32
    %div3A_1950 = vector.broadcast %div3A_1949 : f32 to vector<16xf32>
    %div3A_1951 = arith.divf %div3A_1950, %add3A_1948 : vector<16xf32>
    %swap3A_1952 = arith.constant 464 : index
    %swap3A_1953 = tpu.vector_load %arg11[%swap3A_1952] {strides = array<i32>} : memref<512xf32, #tpu.memory_space<vmem>>, vector<16xf32>,
    tpu.vector_store %arg11[%swap3A_1952], %div3A_1951 {strides = array<i32>} : memref<512xf32, #tpu.memory_space<vmem>>, vector<16xf32>,
    %get3A_1954 = arith.constant 480 : index
    %get3A_1955 = tpu.vector_load %arg8[%get3A_1954] {strides = array<i32>} : memref<512xf32, #tpu.memory_space<vmem>>, vector<16xf32>,
    %get3A_1956 = arith.constant 480 : index
    %get3A_1957 = tpu.vector_load %arg9[%get3A_1956] {strides = array<i32>} : memref<512xf32, #tpu.memory_space<vmem>>, vector<16xf32>,
    %get3A_1958 = arith.constant 480 : index
    %get3A_1959 = tpu.vector_load %arg10[%get3A_1958] {strides = array<i32>} : memref<512xf32, #tpu.memory_space<vmem>>, vector<16xf32>,
    %mul3A_1960 = arith.mulf %get3A_1955, %get3A_1955 : vector<16xf32>
    %mul3A_1961 = arith.mulf %get3A_1957, %get3A_1957 : vector<16xf32>
    %add3A_1962 = arith.addf %mul3A_1960, %mul3A_1961 : vector<16xf32>
    %mul3A_1963 = arith.mulf %get3A_1959, %get3A_1959 : vector<16xf32>
    %add3A_1964 = arith.addf %add3A_1962, %mul3A_1963 : vector<16xf32>
    %mul3A_1965 = arith.constant 3.000000e+00 : f32
    %mul3A_1966 = vector.broadcast %mul3A_1965 : f32 to vector<16xf32>
    %mul3A_1967 = arith.mulf %mul3A_1966, %add3A_1964 : vector<16xf32>
    %max3A_1968 = arith.constant 1.000000e-30 : f32
    %max3A_1969 = vector.broadcast %max3A_1968 : f32 to vector<16xf32>
    %max3A_1970 = arith.maximumf %mul3A_1967, %max3A_1969 : vector<16xf32>
    %bitcast3A_1971 = vector.bitcast %max3A_1970 : vector<16xf32> to vector<16xi32>
    %shift_right_arithmetic3A_1972 = arith.constant 1 : i32
    %shift_right_arithmetic3A_1973 = vector.broadcast %shift_right_arithmetic3A_1972 : i32 to vector<16xi32>
    %shift_right_arithmetic3A_1974 = arith.shrsi %bitcast3A_1971, %shift_right_arithmetic3A_1973 : vector<16xi32>
    %sub3A_1975 = arith.constant 1597463007 : i32
    %sub3A_1976 = vector.broadcast %sub3A_1975 : i32 to vector<16xi32>
    %sub3A_1977 = arith.subi %sub3A_1976, %shift_right_arithmetic3A_1974 : vector<16xi32>
    %bitcast3A_1978 = vector.bitcast %sub3A_1977 : vector<16xi32> to vector<16xf32>
    %mul3A_1979 = arith.constant 5.000000e-01 : f32
    %mul3A_1980 = vector.broadcast %mul3A_1979 : f32 to vector<16xf32>
    %mul3A_1981 = arith.mulf %mul3A_1980, %max3A_1970 : vector<16xf32>
    %mul3A_1982 = arith.mulf %mul3A_1981, %bitcast3A_1978 : vector<16xf32>
    %mul3A_1983 = arith.mulf %mul3A_1982, %bitcast3A_1978 : vector<16xf32>
    %sub3A_1984 = arith.constant 1.500000e+00 : f32
    %sub3A_1985 = vector.broadcast %sub3A_1984 : f32 to vector<16xf32>
    %sub3A_1986 = arith.subf %sub3A_1985, %mul3A_1983 : vector<16xf32>
    %mul3A_1987 = arith.mulf %bitcast3A_1978, %sub3A_1986 : vector<16xf32>
    %mul3A_1988 = arith.constant 5.000000e-01 : f32
    %mul3A_1989 = vector.broadcast %mul3A_1988 : f32 to vector<16xf32>
    %mul3A_1990 = arith.mulf %mul3A_1989, %max3A_1970 : vector<16xf32>
    %mul3A_1991 = arith.mulf %mul3A_1990, %mul3A_1987 : vector<16xf32>
    %mul3A_1992 = arith.mulf %mul3A_1991, %mul3A_1987 : vector<16xf32>
    %sub3A_1993 = arith.constant 1.500000e+00 : f32
    %sub3A_1994 = vector.broadcast %sub3A_1993 : f32 to vector<16xf32>
    %sub3A_1995 = arith.subf %sub3A_1994, %mul3A_1992 : vector<16xf32>
    %mul3A_1996 = arith.mulf %mul3A_1987, %sub3A_1995 : vector<16xf32>
    %mul3A_1997 = arith.constant 5.000000e-01 : f32
    %mul3A_1998 = vector.broadcast %mul3A_1997 : f32 to vector<16xf32>
    %mul3A_1999 = arith.mulf %mul3A_1998, %max3A_1970 : vector<16xf32>
    %mul3A_2000 = arith.mulf %mul3A_1999, %mul3A_1996 : vector<16xf32>
    %mul3A_2001 = arith.mulf %mul3A_2000, %mul3A_1996 : vector<16xf32>
    %sub3A_2002 = arith.constant 1.500000e+00 : f32
    %sub3A_2003 = vector.broadcast %sub3A_2002 : f32 to vector<16xf32>
    %sub3A_2004 = arith.subf %sub3A_2003, %mul3A_2001 : vector<16xf32>
    %mul3A_2005 = arith.mulf %mul3A_1996, %sub3A_2004 : vector<16xf32>
    %mul3A_2006 = arith.mulf %mul3A_1967, %mul3A_2005 : vector<16xf32>
    %neg3A_2007 = arith.constant 0.000000e+00 : f32
    %neg3A_2008 = vector.broadcast %neg3A_2007 : f32 to vector<16xf32>
    %neg3A_2009 = arith.subf %neg3A_2008, %mul3A_2006 : vector<16xf32>
    %exp3A_2010 = math.exp %neg3A_2009 : vector<16xf32>
    %add3A_2011 = arith.constant 1.000000e+00 : f32
    %add3A_2012 = vector.broadcast %add3A_2011 : f32 to vector<16xf32>
    %add3A_2013 = arith.addf %add3A_2012, %exp3A_2010 : vector<16xf32>
    %div3A_2014 = arith.constant 1.000000e+00 : f32
    %div3A_2015 = vector.broadcast %div3A_2014 : f32 to vector<16xf32>
    %div3A_2016 = arith.divf %div3A_2015, %add3A_2013 : vector<16xf32>
    %swap3A_2017 = arith.constant 480 : index
    %swap3A_2018 = tpu.vector_load %arg11[%swap3A_2017] {strides = array<i32>} : memref<512xf32, #tpu.memory_space<vmem>>, vector<16xf32>,
    tpu.vector_store %arg11[%swap3A_2017], %div3A_2016 {strides = array<i32>} : memref<512xf32, #tpu.memory_space<vmem>>, vector<16xf32>,
    %get3A_2019 = arith.constant 496 : index
    %get3A_2020 = tpu.vector_load %arg8[%get3A_2019] {strides = array<i32>} : memref<512xf32, #tpu.memory_space<vmem>>, vector<16xf32>,
    %get3A_2021 = arith.constant 496 : index
    %get3A_2022 = tpu.vector_load %arg9[%get3A_2021] {strides = array<i32>} : memref<512xf32, #tpu.memory_space<vmem>>, vector<16xf32>,
    %get3A_2023 = arith.constant 496 : index
    %get3A_2024 = tpu.vector_load %arg10[%get3A_2023] {strides = array<i32>} : memref<512xf32, #tpu.memory_space<vmem>>, vector<16xf32>,
    %mul3A_2025 = arith.mulf %get3A_2020, %get3A_2020 : vector<16xf32>
    %mul3A_2026 = arith.mulf %get3A_2022, %get3A_2022 : vector<16xf32>
    %add3A_2027 = arith.addf %mul3A_2025, %mul3A_2026 : vector<16xf32>
    %mul3A_2028 = arith.mulf %get3A_2024, %get3A_2024 : vector<16xf32>
    %add3A_2029 = arith.addf %add3A_2027, %mul3A_2028 : vector<16xf32>
    %mul3A_2030 = arith.constant 3.000000e+00 : f32
    %mul3A_2031 = vector.broadcast %mul3A_2030 : f32 to vector<16xf32>
    %mul3A_2032 = arith.mulf %mul3A_2031, %add3A_2029 : vector<16xf32>
    %max3A_2033 = arith.constant 1.000000e-30 : f32
    %max3A_2034 = vector.broadcast %max3A_2033 : f32 to vector<16xf32>
    %max3A_2035 = arith.maximumf %mul3A_2032, %max3A_2034 : vector<16xf32>
    %bitcast3A_2036 = vector.bitcast %max3A_2035 : vector<16xf32> to vector<16xi32>
    %shift_right_arithmetic3A_2037 = arith.constant 1 : i32
    %shift_right_arithmetic3A_2038 = vector.broadcast %shift_right_arithmetic3A_2037 : i32 to vector<16xi32>
    %shift_right_arithmetic3A_2039 = arith.shrsi %bitcast3A_2036, %shift_right_arithmetic3A_2038 : vector<16xi32>
    %sub3A_2040 = arith.constant 1597463007 : i32
    %sub3A_2041 = vector.broadcast %sub3A_2040 : i32 to vector<16xi32>
    %sub3A_2042 = arith.subi %sub3A_2041, %shift_right_arithmetic3A_2039 : vector<16xi32>
    %bitcast3A_2043 = vector.bitcast %sub3A_2042 : vector<16xi32> to vector<16xf32>
    %mul3A_2044 = arith.constant 5.000000e-01 : f32
    %mul3A_2045 = vector.broadcast %mul3A_2044 : f32 to vector<16xf32>
    %mul3A_2046 = arith.mulf %mul3A_2045, %max3A_2035 : vector<16xf32>
    %mul3A_2047 = arith.mulf %mul3A_2046, %bitcast3A_2043 : vector<16xf32>
    %mul3A_2048 = arith.mulf %mul3A_2047, %bitcast3A_2043 : vector<16xf32>
    %sub3A_2049 = arith.constant 1.500000e+00 : f32
    %sub3A_2050 = vector.broadcast %sub3A_2049 : f32 to vector<16xf32>
    %sub3A_2051 = arith.subf %sub3A_2050, %mul3A_2048 : vector<16xf32>
    %mul3A_2052 = arith.mulf %bitcast3A_2043, %sub3A_2051 : vector<16xf32>
    %mul3A_2053 = arith.constant 5.000000e-01 : f32
    %mul3A_2054 = vector.broadcast %mul3A_2053 : f32 to vector<16xf32>
    %mul3A_2055 = arith.mulf %mul3A_2054, %max3A_2035 : vector<16xf32>
    %mul3A_2056 = arith.mulf %mul3A_2055, %mul3A_2052 : vector<16xf32>
    %mul3A_2057 = arith.mulf %mul3A_2056, %mul3A_2052 : vector<16xf32>
    %sub3A_2058 = arith.constant 1.500000e+00 : f32
    %sub3A_2059 = vector.broadcast %sub3A_2058 : f32 to vector<16xf32>
    %sub3A_2060 = arith.subf %sub3A_2059, %mul3A_2057 : vector<16xf32>
    %mul3A_2061 = arith.mulf %mul3A_2052, %sub3A_2060 : vector<16xf32>
    %mul3A_2062 = arith.constant 5.000000e-01 : f32
    %mul3A_2063 = vector.broadcast %mul3A_2062 : f32 to vector<16xf32>
    %mul3A_2064 = arith.mulf %mul3A_2063, %max3A_2035 : vector<16xf32>
    %mul3A_2065 = arith.mulf %mul3A_2064, %mul3A_2061 : vector<16xf32>
    %mul3A_2066 = arith.mulf %mul3A_2065, %mul3A_2061 : vector<16xf32>
    %sub3A_2067 = arith.constant 1.500000e+00 : f32
    %sub3A_2068 = vector.broadcast %sub3A_2067 : f32 to vector<16xf32>
    %sub3A_2069 = arith.subf %sub3A_2068, %mul3A_2066 : vector<16xf32>
    %mul3A_2070 = arith.mulf %mul3A_2061, %sub3A_2069 : vector<16xf32>
    %mul3A_2071 = arith.mulf %mul3A_2032, %mul3A_2070 : vector<16xf32>
    %neg3A_2072 = arith.constant 0.000000e+00 : f32
    %neg3A_2073 = vector.broadcast %neg3A_2072 : f32 to vector<16xf32>
    %neg3A_2074 = arith.subf %neg3A_2073, %mul3A_2071 : vector<16xf32>
    %exp3A_2075 = math.exp %neg3A_2074 : vector<16xf32>
    %add3A_2076 = arith.constant 1.000000e+00 : f32
    %add3A_2077 = vector.broadcast %add3A_2076 : f32 to vector<16xf32>
    %add3A_2078 = arith.addf %add3A_2077, %exp3A_2075 : vector<16xf32>
    %div3A_2079 = arith.constant 1.000000e+00 : f32
    %div3A_2080 = vector.broadcast %div3A_2079 : f32 to vector<16xf32>
    %div3A_2081 = arith.divf %div3A_2080, %add3A_2078 : vector<16xf32>
    %swap3A_2082 = arith.constant 496 : index
    %swap3A_2083 = tpu.vector_load %arg11[%swap3A_2082] {strides = array<i32>} : memref<512xf32, #tpu.memory_space<vmem>>, vector<16xf32>,
    tpu.vector_store %arg11[%swap3A_2082], %div3A_2081 {strides = array<i32>} : memref<512xf32, #tpu.memory_space<vmem>>, vector<16xf32>,
    "tpu.region"() ({
      %run_scoped3A = tpu.sem_alloc : memref<!tpu.dma_semaphore, #tpu.memory_space<semaphore_mem>>
      %dma_start3A_2084 = tpu.memref_slice %arg6[%mul3A_2] : memref<16384xf32, #tpu.memory_space<hbm>> -> memref<512xf32, #tpu.memory_space<hbm>>
      %dma_start3A_2085 = tpu.memref_slice %arg6[%mul3A_2] : memref<16384xf32, #tpu.memory_space<hbm>> -> memref<512xf32, #tpu.memory_space<hbm>>
      tpu.enqueue_dma source(%arg11 : memref<512xf32, #tpu.memory_space<vmem>>) target(%dma_start3A_2085 : memref<512xf32, #tpu.memory_space<hbm>>) target_semaphore(%run_scoped3A : memref<!tpu.dma_semaphore, #tpu.memory_space<semaphore_mem>>)
      %dma_wait3A_2086 = tpu.memref_slice %arg6[%mul3A_2] : memref<16384xf32, #tpu.memory_space<hbm>> -> memref<512xf32, #tpu.memory_space<hbm>>
      %dma_wait3A_2087 = tpu.memref_slice %arg6[%mul3A_2] : memref<16384xf32, #tpu.memory_space<hbm>> -> memref<512xf32, #tpu.memory_space<hbm>>
      tpu.wait_dma2 semaphore(%run_scoped3A : memref<!tpu.dma_semaphore, #tpu.memory_space<semaphore_mem>>) src(%arg11 : memref<512xf32, #tpu.memory_space<vmem>>) dst(%dma_wait3A_2087 : memref<512xf32, #tpu.memory_space<hbm>>)
      tpu.yield
    }) : () -> ()
    return
  }
}

</mosaic_0001>

<sc_bundles>
// kernel: kernel.3.cloned.1.call-start
scs
__scs_entry_jumppad:
0x0: {  	(pc) =	sbr.rel $0x88, $3  }
0x1: {  	(tag) =	ssettag $0x0;
	lr =	simm.s32 $0x1  }
0x2: {  	[smem:$0x3F9F] =	sst lr;
	_ =	strace $0xD0000000  }
0x3: {  	_ = 	snop  }
0x4: {  	_ = 	snop  }
0x5: {  	_ = 	snop  }
0x6: {  	_ = 	snop  }
0x7: {  	_ = 	snop  }
__scs_overlays_trampoline_lowered:
0x8: {  	[smem:$0x3FAE] =	sst s0  }
0x9: {  	[smem:$0x3FAF] =	sst s1  }
0xa: {  	[smem:$0x3FB0] =	sst s2  }
0xb: {  	[smem:$0x3FB1] =	sst s3  }
0xc: {  	[smem:$0x3FB2] =	sst s4  }
0xd: {  	[smem:$0x3FB3] =	sst s5  }
0xe: {  	[smem:$0x3FB4] =	sst s6  }
0xf: {  	[smem:$0x3FB5] =	sst s7  }
0x10: {  	[smem:$0x3FB6] =	sst s8  }
0x11: {  	[smem:$0x3FB7] =	sst s9;
	s0 =	simm.s32 @!p0 $0x0  }
0x12: {  	s1 =	sld [smem:$0x3F9D];
	s0 =	simm.s32 @p0 $0x1  }
0x13: {  	[smem:$0x3FB8] =	sst s0;
	s0 =	simm.s32 @!p1 $0x0  }
0x14: {  	s2 =	sld [smem:$0x3F9C];
	s0 =	simm.s32 @p1 $0x1  }
0x15: {  	[smem:$0x3FB9] =	sst s0;
	s0 =	simm.s32 @!p2 $0x0  }
0x16: {  	s3 =	sld [smem:$0x3FDB];
	s0 =	simm.s32 @p2 $0x1  }
0x17: {  	s4 =	simm.s32 $0x1BF5;
	[smem:$0x3FBB] =	sst s0  }
0x18: {  	s0 =	sld [smem:$0x3F9E];
	_ =	swait.ge [sflag:s4], $0x0  }
0x19: {  	s7 =	sld [smem:$0x3F9F]  }
0x1a: {  	s8 =	sadd.s32 $0xFFFFE003, lr  }
0x1b: {  	s9 =	sadd.s32 $0xFFFFFEF7, lr;
	s5 =	simm.s32 $0xFFFFFFFF;
	p2 =	slt.u32 s8, $0xFFFFF086  }
0x1c: {  	p1 =	slt.u32 s9, $0xF7A;
	s5 =	simm.s32 @!p2 $0x0  }
0x1d: {  	s5 =	simm.s32 @p1 $0x1;
	p0 =	seq.s32 s7, s2  }
0x1e: {  	s7 =	smul.u32 @!p0 $0xF7A, s2;
	p2 =	seq.s32 @!p0 s5, $0x0  }
0x1f: {  	s9 =	smul.u32 $0xF7A, s1;
	s8 =	simm.s32 @!p0 $0x1BF5;
	p2 =	por !p2, p0  }
0x20: {  	[sflag:s8] =	ssyncset.s32 @!p0 $0xFFFFF086;
	s6 =	sadd.s32 @!p0 s3, s7;
	s7 =	simm.s32 @!p0 $0x108  }
0x21: {  	s3 =	sadd.s32 s3, s9;
	s6 =	sadd.s32 @!p0 $0x88, s6;
	s7 =	simm.s32 @p2 $0x1082  }
0x22: {  	[simem:s7], [sflag:s8] =	dma.local @!p0 [hbm:s6], $0xF7A  }
0x23: {  	s9 =	sor.u32 $0xD0000000, s2;
	s6 =	simm.s32 $0x108;
	_ =	swait.ge @!p0 [sflag:s8], $0x0  }
0x24: {  	s3 =	sadd.s32 $0x88, s3;
	s6 =	simm.s32 @!p1 $0x1082;
	[sflag:s4] =	ssyncset.s32 $0xFFFFF086  }
0x25: {  	[simem:s6], [sflag:s4] =	dma.local [hbm:s3], $0xF7A  }
0x26: {  	[smem:$0x3F9F] =	sst s1;
	(tag) =	ssettag s2;
	_ =	strace s9  }
0x27: {  	s1 =	sld [smem:$0x3FAF]  }
0x28: {  	s2 =	sld [smem:$0x3FB0]  }
0x29: {  	s4 =	sld [smem:$0x3FB2]  }
0x2a: {  	p0 =	seq.s32 s5, $0x0;
	s5 =	sld [smem:$0x3FB3]  }
0x2b: {  	s6 =	sld [smem:$0x3FB4]  }
0x2c: {  	s7 =	sld [smem:$0x3FB5]  }
0x2d: {  	s3 =	simm.s32 $0x108;
	s8 =	sld [smem:$0x3FB6]  }
0x2e: {  	s3 =	simm.s32 @!p0 $0x1082;
	s9 =	sld [smem:$0x3FB7]  }
0x2f: {  	lr =	sadd.s32 s0, s3;
	s0 =	sld [smem:$0x3FAE]  }
0x30: {  	s3 =	sld [smem:$0x3FB1]  }
0x31: {  	[smem:$0x3FBA] =	sst s10  }
0x32: {  	s10 =	sld [smem:$0x3FB8];
	_ =	sdelay $0x3  }
0x33: {  	p0 =	seq.s32 s10, $0x1;
	s10 =	sld [smem:$0x3FBA];
	_ =	sdelay $0x3  }
0x34: {  	[smem:$0x3FBA] =	sst s10  }
0x35: {  	s10 =	sld [smem:$0x3FB9];
	_ =	sdelay $0x3  }
0x36: {  	p1 =	seq.s32 s10, $0x1;
	s10 =	sld [smem:$0x3FBA];
	_ =	sdelay $0x3  }
0x37: {  	[smem:$0x3FBA] =	sst s10  }
0x38: {  	s10 =	sld [smem:$0x3FBB]  }
0x39: {  	_ = 	snop;
	(pc) =	sbr.ind lr, $3  }
0x3a: {  	_ = 	snop  }
0x3b: {  	_ = 	snop  }
0x3c: {  	p2 =	seq.s32 s10, $0x1;
	s10 =	sld [smem:$0x3FBA]  }
0x3d: {  	_ =	shalt  }
0x3e: {  	_ =	shalt  }
0x3f: {  	_ =	shalt  }
0x40: {  	_ =	shalt  }
0x41: {  	_ =	shalt  }
0x42: {  	_ =	shalt  }
0x43: {  	_ =	shalt  }
0x44: {  	_ =	shalt  }
0x45: {  	_ =	shalt  }
0x46: {  	_ =	shalt  }
0x47: {  	_ =	shalt  }
0x48: {  	_ =	shalt  }
0x49: {  	_ =	shalt  }
0x4a: {  	_ =	shalt  }
0x4b: {  	_ =	shalt  }
0x4c: {  	_ =	shalt  }
0x4d: {  	_ =	shalt  }
0x4e: {  	_ =	shalt  }
0x4f: {  	_ =	shalt  }
0x50: {  	_ =	shalt  }
0x51: {  	_ =	shalt  }
0x52: {  	_ =	shalt  }
0x53: {  	_ =	shalt  }
0x54: {  	_ =	shalt  }
0x55: {  	_ =	shalt  }
0x56: {  	_ =	shalt  }
0x57: {  	_ =	shalt  }
0x58: {  	_ =	shalt  }
0x59: {  	_ =	shalt  }
0x5a: {  	_ =	shalt  }
0x5b: {  	_ =	shalt  }
0x5c: {  	_ =	shalt  }
0x5d: {  	_ =	shalt  }
0x5e: {  	_ =	shalt  }
0x5f: {  	_ =	shalt  }
0x60: {  	_ =	shalt  }
0x61: {  	_ =	shalt  }
0x62: {  	_ =	shalt  }
0x63: {  	_ =	shalt  }
0x64: {  	_ =	shalt  }
0x65: {  	_ =	shalt  }
0x66: {  	_ =	shalt  }
0x67: {  	_ =	shalt  }
0x68: {  	_ =	shalt  }
0x69: {  	_ =	shalt  }
0x6a: {  	_ =	shalt  }
0x6b: {  	_ =	shalt  }
0x6c: {  	_ =	shalt  }
0x6d: {  	_ =	shalt  }
0x6e: {  	_ =	shalt  }
0x6f: {  	_ =	shalt  }
0x70: {  	_ =	shalt  }
0x71: {  	_ =	shalt  }
0x72: {  	_ =	shalt  }
0x73: {  	_ =	shalt  }
0x74: {  	_ =	shalt  }
0x75: {  	_ =	shalt  }
0x76: {  	_ =	shalt  }
0x77: {  	_ =	shalt  }
0x78: {  	_ =	shalt  }
0x79: {  	_ =	shalt  }
0x7a: {  	_ =	shalt  }
0x7b: {  	_ =	shalt  }
0x7c: {  	_ =	shalt  }
0x7d: {  	_ =	shalt  }
0x7e: {  	_ =	shalt  }
0x7f: {  	_ =	shalt  }
0x80: {  	_ =	shalt  }
0x81: {  	_ =	shalt  }
0x82: {  	_ =	shalt  }
0x83: {  	_ =	shalt  }
0x84: {  	_ =	shalt  }
0x85: {  	_ =	shalt  }
0x86: {  	_ =	shalt  }
0x87: {  	_ =	shalt  }
.Lfunc_end0:
.L_simem_size_0:
called_computation_lowered:
.L_overlay_start_0:
0x88: {  	s2 =	sld [smem:$0x3FD9]  }
0x89: {  	s3 =	sld [smem:$0x3FFE];
	_ =	sdelay $0x1  }
0x8a: {  	s1 =	srdreg.scid  }
0x8b: {  	s0 =	sand.u32 $0x1, s1  }
0x8c: {  	s17 =	sshll.u32 s0, $0xA;
	s2 =	sadd.s32 s3, s2  }
0x8d: {  	s2 =	sadd.s32 s2, s17  }
0x8e: {  	[smem:$0x3FC6] =	sst s2  }
0x8f: {  	_ = 	snop  }
0x90: {  	s2 =	sld [smem:$0x3FC9]  }
0x91: {  	s18 =	sld [smem:$0x3FD0];
	(tm) =	ssettm $0x1  }
0x92: {  	s4 =	sld [smem:$0x3FFB];
	_ =	sdelay $0x3  }
0x93: {  	_ =	strace s4  }
0x94: {  	s4 =	sld [smem:$0x3FFC];
	_ =	sdelay $0x3  }
0x95: {  	_ =	strace s4  }
0x96: {  	s4 =	sld [smem:$0x3FFD];
	_ =	sdelay $0x3  }
0x97: {  	_ =	strace s4  }
0x98: {  	_ =	strace $0x8FFFFFFF  }
0x99: {  	s19 =	sld [smem:$0x3FDB];
	_ =	sdelay $0x1  }
0x9a: {  	s5 =	simm.s32 $_scs_section_size  }
0x9b: {  	s6 =	simm.s32 $_size__tile_overlayer_lowered;
	s7 =	simm.s32 $_tile_overlayer_lowered  }
0x9c: {  	s22 =	simm.s32 $0x1BFF;
	s21 =	sshll.u32 s7, $0x1;
	s4 =	sadd.s32 s5, s19  }
0x9d: {  	s8 =	simm.s32 $0x0;
	s20 =	sshll.u32 s6, $0x1;
	s6 =	sadd.s32 s21, s4  }
0x9e: {  	[timem:s8], [sflag:s22] =	dma.local [hbm:s6], s20  }
0x9f: {  	_ =	swait.ge [sflag:s22], s20  }
0xa0: {  	s5 =	ssub.s32 $0x0, s20;
	[sflag:s22] =	ssyncset.done $0x0  }
0xa1: {  	[sflag:s22] =	ssyncadd.s32 s5;
	_ =	sdelay $0x1  }
0xa2: {  	s23 =	simm.s32 $0x1B8B  }
0xa3: {  	_ =	swait.ge [sflag:s23], $0x1  }
0xa4: {  	[sflag:s23] =	ssyncset.done $0x0  }
0xa5: {  	s25 =	simm.s32 $0x1B8E;
	s24 =	sld [smem:$0x3FFE];
	[sflag:s23] =	ssyncadd.s32 $0xFFFFFFFF  }
0xa6: {  	s26 =	simm.s32 $execute0_lowered;
	[smem:$0x3FD2] =	sst s25  }
0xa7: {  	s6 =	sshll.u32 s26, $0x1;
	_ =	strace $0x80000046;
	[dreg:$0x1] =	wrdreg $0xFFFFFFFF  }
0xa8: {  	s28 =	simm.s32 $_size_execute0_lowered;
	s4 =	sadd.s32 s4, s6;
	[dreg:$0x0] =	wrdreg $0x0  }
0xa9: {  	s6 =	sshll.u32 s28, $0x1;
	[dreg:$0x2] =	wrdreg s4  }
0xaa: {  	[dreg:$0x3] =	wrdreg s6  }
0xab: {  	[dreg:$0x4] =	wrdreg $0xC0  }
0xac: {  	_ =	task [dreg:s8], $0x5FFFF  }
0xad: {  	[dreg:$0x1] =	wrdreg $0xFFFFFFFF  }
0xae: {  	[dreg:$0x0] =	wrdreg $0x60  }
0xaf: {  	[dreg:$0x2] =	wrdreg s2  }
0xb0: {  	[dreg:$0x3] =	wrdreg s24  }
0xb1: {  	[dreg:$0x4] =	wrdreg s18  }
0xb2: {  	[dreg:$0x5] =	wrdreg $0x9  }
0xb3: {  	_ =	task.clear_ibuf [dreg:s8], $0x6FFFF;
	_ =	strace $0x90000046  }
0xb4: {  	s29 =	simm.s32 $0x9;
	_ =	strace $0x80000048  }
0xb5: {  	_ =	swait.ge [sflag:s29], $0x1  }
0xb6: {  	[sflag:s29] =	ssyncadd.s32 $0xFFFFFFFF  }
0xb7: {  	_ =	strace $0x90000048  }
0xb8: {  	_ =	sfence  }
0xb9: {  	s30 =	sld [smem:$0x0];
	_ =	sdelay $0x2  }
0xba: {  	s31 =	sshll.u32 s1, $0xD;
	s1 =	sshrl.u32 s1, $0x2  }
0xbb: {  	s3 =	sand.u32 $0x4000, s31;
	s1 =	sadd.s32 s1, s30  }
0xbc: {  	s0 =	sor.u32 s3, s0;
	s1 =	sshll.u32 s1, $0x11  }
0xbd: {  	s0 =	sor.u32 s1, s0  }
0xbe: {  	s0 =	sadd.s32 $0x8F2B, s0  }
0xbf: {  	[sflag:s0] =	ssyncadd.remote.s32 $0x1  }
0xc0: {  	_ =	sfence.sel $0xFFFF  }
0xc1: {  	[dreg:$0x0] =	wrdreg $0xFFFFFFFF;
	(pc) =	sbr.abs _section_cstart, $3  }
0xc2: {  	[dreg:$0x1] =	wrdreg $0xFFFFFFFF  }
0xc3: {  	_ =	task.clear_ibuf [dreg:s8], $0x2FFFF;
	_ =	strace $0x9FFFFFFF  }
0xc4: {  	(tm) =	ssettm $0x7FFFFFFF  }
0xc5: {  	_ =	shalt  }
tec
execute0_lowered:
.L_overlay_start_1:
0x0: {  	(tag) =	ssettag $0x1  }
0x1: {  	s6 =	rddreg [dreg:$0x0]  }
0x2: {  	s1 =	rddreg [dreg:$0x1]  }
0x3: {  	s7 =	rddreg [dreg:$0x2]  }
0x4: {  	s0 =	rddreg [dreg:$0x3];
	s2 =	simm.s32 $0x0;
	s3 =	srdreg.scid  }
0x5: {  	s12 =	simm.s32 $0x600;
	s13 =	simm.s32 $0x1;
	s14 =	simm.s32 $0x800  }
0x6: {  	[smem:$0x7FF] =	sst s2;
	s5 =	sand.u32 $0x1, s3;
	s4 =	sadd.s32 $0x6400, s1  }
0x7: {  	s3 =	stileid.u32;
	_ =	strace $0x80000047;
	s8 =	ssub.s32 $0x2, s5  }
0x8: {  	s10 =	sshll.u32 s3, $0x7;
	s11 =	sshll.u32 s5, $0x6;
	s5 =	sadd.s32 $0x3200, s1  }
0x9: {  	s9 =	sshrl.u32 s8, $0x1;
	s31 =	sor.u32 s11, s10;
	s10 =	simm.s32 $0x200  }
0xa: {  	s11 =	simm.s32 $0x400;
	s8 =	ssub.s32 s8, s9;
	s6 =	sadd.s32 s6, s31  }
0xb: {  	s7 =	sadd.s32 s7, s31;
	s9 =	simm.s32 $0x2;
	s8 =	smax.u32 s8, $0x1  }
.LBB2_1:
0xc: {  	[tilespmem:s2], [sflag:$0x2] =	stream.linear.gather [hbm4b:s6+s2], $0x200, $0x38;
	[tilespmem:$0xA00] =	vst v63  }
0xd: {  	_ =	swait.ge [sflag:s9], $0x200  }
0xe: {  	[sflag:s9] =	ssyncset.done $0x0  }
0xf: {  	[sflag:s9] =	ssyncadd.s32 $0xFFFFFE00  }
0x10: {  	[tilespmem:s10], [sflag:$0x1] =	stream.indirect.gather [hbm4b:s4+s10], $0x1, s2, s10, $0xb8;
	[tilespmem:$0xA00] =	vst v63  }
0x11: {  	_ = 	snop  }
0x12: {  	[tilespmem:s11], [sflag:$0x1] =	stream.indirect.gather [hbm4b:s5+s10], $0x1, s2, s10, $0xb8;
	[tilespmem:$0xA00] =	vst v63  }
0x13: {  	_ = 	snop  }
0x14: {  	[tilespmem:s12], [sflag:$0x1] =	stream.indirect.gather [hbm4b:s1+s10], $0x1, s2, s10, $0xb8;
	[tilespmem:$0xA00] =	vst v63  }
0x15: {  	_ =	swait.ge [sflag:s13], $0x200  }
0x16: {  	[sflag:s13] =	ssyncset.done $0x0  }
0x17: {  	[sflag:s13] =	ssyncadd.s32 $0xFFFFFE00  }
0x18: {  	_ =	swait.ge [sflag:s13], $0x200  }
0x19: {  	[sflag:s13] =	ssyncset.done $0x0  }
0x1a: {  	[sflag:s13] =	ssyncadd.s32 $0xFFFFFE00  }
0x1b: {  	_ =	swait.ge [sflag:s13], $0x200  }
0x1c: {  	[sflag:s13] =	ssyncset.done $0x0  }
0x1d: {  	[sflag:s13] =	ssyncadd.s32 $0xFFFFFE00  }
0x1e: {  	v0 =	vld [tilespmem:$0x200]  }
0x1f: {  	v1 =	vld [tilespmem:$0x400];
	_ =	sdelay $0x1  }
0x20: {  	v2 =	vld [tilespmem:$0x600];
	_ =	sdelay $0x2  }
0x21: {  	v0 =	vmul.f32 v0, v0;
	v1 =	vmul.f32 v1, v1;
	_ =	sdelay $0x1  }
0x22: {  	v57 =	vmul.f32 v2, v2;
	v0 =	vadd.f32 v1, v0;
	_ =	sdelay $0x1  }
0x23: {  	v0 =	vadd.f32 v57, v0;
	_ =	sdelay $0x1  }
0x24: {  	v0 =	vmul.f32 $3.000000000e+00, v0  }
0x25: {  	v59 =	vld [tilespmem:$0x210]  }
0x26: {  	v4 =	vld [tilespmem:$0x410];
	v58 =	vmax.f32 v0, $1.000000000e-30  }
0x27: {  	v3 =	vshra.s32 v58, $0x1;
	v1 =	vmul.f32 $5.000000000e-01, v58  }
0x28: {  	v6 =	vld [tilespmem:$0x610];
	v3 =	vsub.s32 $0x5F3759DF, v3  }
0x29: {  	v5 =	vmul.f32 v3, v1  }
0x2a: {  	v2 =	vmul.f32 v59, v59  }
0x2b: {  	v4 =	vmul.f32 v4, v4;
	v5 =	vmul.f32 v3, v5;
	_ =	sdelay $0x1  }
0x2c: {  	v60 =	vmul.f32 v6, v6;
	v2 =	vadd.f32 v4, v2;
	v5 =	vsub.f32 $1.500000000e+00, v5;
	_ =	sdelay $0x1  }
0x2d: {  	v2 =	vadd.f32 v60, v2;
	v3 =	vmul.f32 v3, v5;
	_ =	sdelay $0x1  }
0x2e: {  	v2 =	vmul.f32 $3.000000000e+00, v2;
	v61 =	vmul.f32 v3, v1  }
0x2f: {  	v63 =	vld [tilespmem:$0x220]  }
0x30: {  	v8 =	vld [tilespmem:$0x420];
	v62 =	vmax.f32 v2, $1.000000000e-30;
	v4 =	vmul.f32 v61, v3  }
0x31: {  	v7 =	vshra.s32 v62, $0x1;
	v5 =	vmul.f32 $5.000000000e-01, v62  }
0x32: {  	v9 =	vld [tilespmem:$0x620];
	v7 =	vsub.s32 $0x5F3759DF, v7;
	v4 =	vsub.f32 $1.500000000e+00, v4  }
0x33: {  	v12 =	vmul.f32 v7, v5  }
0x34: {  	v6 =	vmul.f32 v63, v63;
	v3 =	vmul.f32 v4, v3  }
0x35: {  	v8 =	vmul.f32 v8, v8;
	v4 =	vmul.f32 v7, v12  }
0x36: {  	v1 =	vmul.f32 v3, v1  }
0x37: {  	v13 =	vmul.f32 v9, v9;
	v6 =	vadd.f32 v8, v6;
	v4 =	vsub.f32 $1.500000000e+00, v4  }
0x38: {  	v1 =	vmul.f32 v1, v3  }
0x39: {  	v6 =	vadd.f32 v13, v6;
	v4 =	vmul.f32 v7, v4  }
0x3a: {  	v1 =	vsub.f32 $1.500000000e+00, v1  }
0x3b: {  	v14 =	vmul.f32 $3.000000000e+00, v6;
	v7 =	vmul.f32 v4, v5  }
0x3c: {  	v18 =	vld [tilespmem:$0x230];
	v1 =	vmul.f32 v1, v3  }
0x3d: {  	v16 =	vmax.f32 v14, $1.000000000e-30;
	v15 =	vmul.f32 v7, v4  }
0x3e: {  	v20 =	vld [tilespmem:$0x430];
	v17 =	vshra.s32 v16, $0x1;
	v0 =	vmul.f32 v1, v0;
	v1 =	vmul.f32 $5.000000000e-01, v16  }
0x3f: {  	v7 =	vsub.s32 $0x5F3759DF, v17  }
0x40: {  	v10 =	vld [tilespmem:$0x630];
	v6 =	vsub.f32 $1.500000000e+00, v15;
	v19 =	vmul.f32 v7, v1  }
0x41: {  	v23 =	vmul.f32 v18, v18;
	v0 =	vsub.f32 $0.0e+00, v0  }
0x42: {  	v4 =	vmul.f32 v6, v4;
	v6 =	vmul.f32 v7, v19  }
0x43: {  	v24 =	vmul.f32 v20, v20;
	v0 =	vmul.f32 $1.442695020e+00, v0  }
0x44: {  	v5 =	vmul.f32 v4, v5;
	v22 =	vsub.f32 $1.500000000e+00, v6  }
0x45: {  	v25 =	vmul.f32 v10, v10;
	(erf) = vpow2.f32 v0;
	v6 =	vadd.f32 v24, v23  }
0x46: {  	v32 =	vld [tilespmem:$0x240];
	v21 =	vmul.f32 v5, v4;
	v5 =	vmul.f32 v7, v22  }
0x47: {  	v27 =	vadd.f32 v25, v6  }
0x48: {  	v34 =	vld [tilespmem:$0x440];
	v26 =	vmul.f32 v5, v1  }
0x49: {  	v0 =	vsub.f32 $1.500000000e+00, v21;
	v29 =	vmul.f32 $3.000000000e+00, v27  }
0x4a: {  	v36 =	vld [tilespmem:$0x640];
	v28 =	vmul.f32 v26, v5  }
0x4b: {  	v39 =	vmul.f32 v32, v32;
	v0 =	vmul.f32 v0, v4;
	v31 =	vmax.f32 v29, $1.000000000e-30  }
0x4c: {  	v33 =	vshra.s32 v31, $0x1;
	v7 =	vmul.f32 $5.000000000e-01, v31;
	v6 =	vsub.f32 $1.500000000e+00, v28  }
0x4d: {  	v40 =	vmul.f32 v34, v34;
	v0 =	vmul.f32 v0, v2;
	v35 =	vsub.s32 $0x5F3759DF, v33  }
0x4e: {  	v30 =	vpop (erf);
	v5 =	vmul.f32 v6, v5;
	v6 =	vmul.f32 v35, v7  }
0x4f: {  	v41 =	vmul.f32 v36, v36;
	v0 =	vsub.f32 $0.0e+00, v0;
	v4 =	vadd.f32 $1.000000000e+00, v30  }
0x50: {  	v1 =	vmul.f32 v5, v1;
	v38 =	vmul.f32 v35, v6  }
0x51: {  	v0 =	vmul.f32 $1.442695020e+00, v0;
	(erf) = vrcp.f32 v4  }
0x52: {  	v6 =	vadd.f32 v40, v39;
	v37 =	vmul.f32 v1, v5;
	v1 =	vsub.f32 $1.500000000e+00, v38  }
0x53: {  	(erf) = vpow2.f32 v0  }
0x54: {  	v43 =	vadd.f32 v41, v6;
	v1 =	vmul.f32 v35, v1;
	_ =	sdelay $0x1  }
0x55: {  	v48 =	vld [tilespmem:$0x250];
	v0 =	vsub.f32 $1.500000000e+00, v37;
	v45 =	vmul.f32 $3.000000000e+00, v43;
	v44 =	vmul.f32 v1, v7  }
0x56: {  	v11 =	vld [tilespmem:$0x450]  }
0x57: {  	v52 =	vld [tilespmem:$0x650];
	v42 =	vmul.f32 v0, v5;
	v47 =	vmax.f32 v45, $1.000000000e-30;
	v6 =	vmul.f32 v44, v1  }
0x58: {  	v49 =	vshra.s32 v47, $0x1;
	v8 =	vmul.f32 $5.000000000e-01, v47  }
0x59: {  	v3 =	vmul.f32 v42, v14;
	v50 =	vsub.s32 $0x5F3759DF, v49;
	v6 =	vsub.f32 $1.500000000e+00, v6  }
0x5a: {  	v54 =	vmul.f32 v48, v48;
	v0 =	vpop (erf);
	v51 =	vmul.f32 v50, v8  }
0x5b: {  	v55 =	vmul.f32 v11, v11;
	v46 =	vpop (erf);
	v3 =	vsub.f32 $0.0e+00, v3;
	v1 =	vmul.f32 v6, v1  }
0x5c: {  	v56 =	vmul.f32 v52, v52;
	v5 =	vadd.f32 $1.000000000e+00, v46;
	v6 =	vmul.f32 v50, v51  }
0x5d: {  	v3 =	vmul.f32 $1.442695020e+00, v3;
	v53 =	vmul.f32 v1, v7  }
0x5e: {  	(erf) = vrcp.f32 v5;
	v6 =	vsub.f32 $1.500000000e+00, v6;
	v7 =	vadd.f32 v55, v54  }
0x5f: {  	(erf) = vpow2.f32 v3;
	v3 =	vmul.f32 v53, v1  }
0x60: {  	v5 =	vmul.f32 v50, v6;
	v57 =	vadd.f32 v56, v7  }
0x61: {  	v3 =	vsub.f32 $1.500000000e+00, v3  }
0x62: {  	v58 =	vmul.f32 v5, v8;
	v6 =	vmul.f32 $3.000000000e+00, v57  }
0x63: {  	v12 =	vld [tilespmem:$0x460];
	v3 =	vmul.f32 v3, v1  }
0x64: {  	v62 =	vld [tilespmem:$0x260];
	v7 =	vmul.f32 v58, v5;
	v59 =	vmax.f32 v6, $1.000000000e-30  }
0x65: {  	v61 =	vshra.s32 v59, $0x1;
	v2 =	vmul.f32 v3, v29;
	v3 =	vmul.f32 $5.000000000e-01, v59  }
0x66: {  	v15 =	vld [tilespmem:$0x660];
	v7 =	vsub.f32 $1.500000000e+00, v7;
	v10 =	vsub.s32 $0x5F3759DF, v61  }
0x67: {  	v1 =	vpop (erf);
	v63 =	vmul.f32 v10, v3  }
0x68: {  	v18 =	vmul.f32 v12, v12;
	v60 =	vpop (erf);
	v2 =	vsub.f32 $0.0e+00, v2;
	v5 =	vmul.f32 v7, v5  }
0x69: {  	v17 =	vmul.f32 v62, v62;
	v9 =	vadd.f32 $1.000000000e+00, v60;
	v7 =	vmul.f32 v10, v63  }
0x6a: {  	v2 =	vmul.f32 $1.442695020e+00, v2;
	v8 =	vmul.f32 v5, v8  }
0x6b: {  	(erf) = vrcp.f32 v9;
	v9 =	vmul.f32 v15, v15;
	v7 =	vsub.f32 $1.500000000e+00, v7  }
0x6c: {  	(erf) = vpow2.f32 v2;
	v16 =	vmul.f32 v8, v5;
	v8 =	vadd.f32 v18, v17  }
0x6d: {  	v7 =	vmul.f32 v10, v7  }
0x6e: {  	v2 =	vsub.f32 $1.500000000e+00, v16;
	v8 =	vadd.f32 v9, v8  }
0x6f: {  	v23 =	vld [tilespmem:$0x270];
	v10 =	vmul.f32 v7, v3  }
0x70: {  	v13 =	vld [tilespmem:$0x670];
	v5 =	vmul.f32 v2, v5;
	v20 =	vmul.f32 $3.000000000e+00, v8  }
0x71: {  	v25 =	vld [tilespmem:$0x470];
	v19 =	vmul.f32 v10, v7  }
0x72: {  	v4 =	vmul.f32 v5, v45;
	v22 =	vmax.f32 v20, $1.000000000e-30  }
0x73: {  	v24 =	vshra.s32 v22, $0x1;
	v10 =	vmul.f32 $5.000000000e-01, v22;
	v9 =	vsub.f32 $1.500000000e+00, v19  }
0x74: {  	v28 =	vmul.f32 v23, v23;
	v2 =	vpop (erf);
	v26 =	vsub.s32 $0x5F3759DF, v24  }
0x75: {  	v4 =	vsub.f32 $0.0e+00, v4;
	v21 =	vpop (erf);
	v7 =	vmul.f32 v9, v7;
	v9 =	vmul.f32 v26, v10  }
0x76: {  	v30 =	vmul.f32 v13, v13;
	v29 =	vmul.f32 v25, v25;
	v8 =	vadd.f32 $1.000000000e+00, v21  }
0x77: {  	v4 =	vmul.f32 $1.442695020e+00, v4;
	v27 =	vmul.f32 v26, v9  }
0x78: {  	(erf) = vrcp.f32 v8;
	v3 =	vmul.f32 v7, v3  }
0x79: {  	v9 =	vadd.f32 v29, v28;
	(erf) = vpow2.f32 v4;
	v4 =	vsub.f32 $1.500000000e+00, v27;
	_ =	sdelay $0x1  }
0x7a: {  	v3 =	vmul.f32 v3, v7;
	v31 =	vadd.f32 v30, v9;
	v4 =	vmul.f32 v26, v4;
	_ =	sdelay $0x1  }
0x7b: {  	v36 =	vld [tilespmem:$0x280];
	v3 =	vsub.f32 $1.500000000e+00, v3;
	v33 =	vmul.f32 $3.000000000e+00, v31;
	v32 =	vmul.f32 v4, v10  }
0x7c: {  	v40 =	vld [tilespmem:$0x680]  }
0x7d: {  	v14 =	vld [tilespmem:$0x480];
	v7 =	vmul.f32 v3, v7;
	v35 =	vmax.f32 v33, $1.000000000e-30;
	v9 =	vmul.f32 v32, v4  }
0x7e: {  	v37 =	vshra.s32 v35, $0x1;
	v11 =	vmul.f32 $5.000000000e-01, v35  }
0x7f: {  	v6 =	vmul.f32 v7, v6;
	v38 =	vsub.s32 $0x5F3759DF, v37;
	v9 =	vsub.f32 $1.500000000e+00, v9  }
0x80: {  	v42 =	vmul.f32 v36, v36;
	v3 =	vpop (erf);
	v39 =	vmul.f32 v38, v11  }
0x81: {  	v44 =	vmul.f32 v40, v40;
	v34 =	vpop (erf);
	v6 =	vsub.f32 $0.0e+00, v6;
	v4 =	vmul.f32 v9, v4  }
0x82: {  	v43 =	vmul.f32 v14, v14;
	v8 =	vadd.f32 $1.000000000e+00, v34;
	v9 =	vmul.f32 v38, v39  }
0x83: {  	v6 =	vmul.f32 $1.442695020e+00, v6;
	v41 =	vmul.f32 v4, v10  }
0x84: {  	(erf) = vrcp.f32 v8;
	v9 =	vsub.f32 $1.500000000e+00, v9;
	v10 =	vadd.f32 v43, v42  }
0x85: {  	(erf) = vpow2.f32 v6;
	v6 =	vmul.f32 v41, v4  }
0x86: {  	v8 =	vmul.f32 v38, v9;
	v45 =	vadd.f32 v44, v10  }
0x87: {  	v6 =	vsub.f32 $1.500000000e+00, v6  }
0x88: {  	v46 =	vmul.f32 v8, v11;
	v9 =	vmul.f32 $3.000000000e+00, v45  }
0x89: {  	v50 =	vld [tilespmem:$0x290];
	v6 =	vmul.f32 v6, v4  }
0x8a: {  	v15 =	vld [tilespmem:$0x490];
	v10 =	vmul.f32 v46, v8;
	v47 =	vmax.f32 v9, $1.000000000e-30  }
0x8b: {  	v49 =	vshra.s32 v47, $0x1;
	v5 =	vmul.f32 v6, v20;
	v6 =	vmul.f32 $5.000000000e-01, v47  }
0x8c: {  	v52 =	vld [tilespmem:$0x690];
	v10 =	vsub.f32 $1.500000000e+00, v10;
	v13 =	vsub.s32 $0x5F3759DF, v49  }
0x8d: {  	v4 =	vpop (erf);
	v51 =	vmul.f32 v13, v6  }
0x8e: {  	v54 =	vmul.f32 v50, v50;
	v48 =	vpop (erf);
	v5 =	vsub.f32 $0.0e+00, v5;
	v8 =	vmul.f32 v10, v8  }
0x8f: {  	v55 =	vmul.f32 v15, v15;
	v12 =	vadd.f32 $1.000000000e+00, v48;
	v10 =	vmul.f32 v13, v51  }
0x90: {  	v5 =	vmul.f32 $1.442695020e+00, v5;
	v11 =	vmul.f32 v8, v11  }
0x91: {  	(erf) = vrcp.f32 v12;
	v12 =	vmul.f32 v52, v52;
	v10 =	vsub.f32 $1.500000000e+00, v10  }
0x92: {  	(erf) = vpow2.f32 v5;
	v53 =	vmul.f32 v11, v8;
	v11 =	vadd.f32 v55, v54  }
0x93: {  	v10 =	vmul.f32 v13, v10  }
0x94: {  	v5 =	vsub.f32 $1.500000000e+00, v53;
	v11 =	vadd.f32 v12, v11  }
0x95: {  	v60 =	vld [tilespmem:$0x2A0];
	v13 =	vmul.f32 v10, v6  }
0x96: {  	v62 =	vld [tilespmem:$0x4A0];
	v8 =	vmul.f32 v5, v8;
	v57 =	vmul.f32 $3.000000000e+00, v11  }
0x97: {  	v16 =	vld [tilespmem:$0x6A0];
	v56 =	vmul.f32 v13, v10  }
0x98: {  	v7 =	vmul.f32 v8, v33;
	v59 =	vmax.f32 v57, $1.000000000e-30  }
0x99: {  	v61 =	vshra.s32 v59, $0x1;
	v13 =	vmul.f32 $5.000000000e-01, v59;
	v12 =	vsub.f32 $1.500000000e+00, v56  }
0x9a: {  	v18 =	vmul.f32 v60, v60;
	v5 =	vpop (erf);
	v63 =	vsub.s32 $0x5F3759DF, v61  }
0x9b: {  	v7 =	vsub.f32 $0.0e+00, v7;
	v58 =	vpop (erf);
	v10 =	vmul.f32 v12, v10;
	v12 =	vmul.f32 v63, v13  }
0x9c: {  	v19 =	vmul.f32 v62, v62;
	v20 =	vmul.f32 v16, v16;
	v11 =	vadd.f32 $1.000000000e+00, v58  }
0x9d: {  	v7 =	vmul.f32 $1.442695020e+00, v7;
	v17 =	vmul.f32 v63, v12  }
0x9e: {  	(erf) = vrcp.f32 v11;
	v6 =	vmul.f32 v10, v6  }
0x9f: {  	v12 =	vadd.f32 v19, v18;
	(erf) = vpow2.f32 v7;
	v7 =	vsub.f32 $1.500000000e+00, v17;
	_ =	sdelay $0x1  }
0xa0: {  	v6 =	vmul.f32 v6, v10;
	v21 =	vadd.f32 v20, v12;
	v7 =	vmul.f32 v63, v7;
	_ =	sdelay $0x1  }
0xa1: {  	v26 =	vld [tilespmem:$0x2B0];
	v6 =	vsub.f32 $1.500000000e+00, v6;
	v23 =	vmul.f32 $3.000000000e+00, v21;
	v22 =	vmul.f32 v7, v13  }
0xa2: {  	v30 =	vld [tilespmem:$0x6B0]  }
0xa3: {  	v17 =	vld [tilespmem:$0x4B0];
	v10 =	vmul.f32 v6, v10;
	v25 =	vmax.f32 v23, $1.000000000e-30;
	v12 =	vmul.f32 v22, v7  }
0xa4: {  	v27 =	vshra.s32 v25, $0x1;
	v14 =	vmul.f32 $5.000000000e-01, v25  }
0xa5: {  	v9 =	vmul.f32 v10, v9;
	v28 =	vsub.s32 $0x5F3759DF, v27;
	v12 =	vsub.f32 $1.500000000e+00, v12  }
0xa6: {  	v32 =	vmul.f32 v26, v26;
	v6 =	vpop (erf);
	v29 =	vmul.f32 v28, v14  }
0xa7: {  	v34 =	vmul.f32 v30, v30;
	v24 =	vpop (erf);
	v9 =	vsub.f32 $0.0e+00, v9;
	v7 =	vmul.f32 v12, v7  }
0xa8: {  	v33 =	vmul.f32 v17, v17;
	v11 =	vadd.f32 $1.000000000e+00, v24;
	v12 =	vmul.f32 v28, v29  }
0xa9: {  	v9 =	vmul.f32 $1.442695020e+00, v9;
	v31 =	vmul.f32 v7, v13  }
0xaa: {  	(erf) = vrcp.f32 v11;
	v12 =	vsub.f32 $1.500000000e+00, v12;
	v13 =	vadd.f32 v33, v32  }
0xab: {  	(erf) = vpow2.f32 v9;
	v9 =	vmul.f32 v31, v7  }
0xac: {  	v11 =	vmul.f32 v28, v12;
	v35 =	vadd.f32 v34, v13  }
0xad: {  	v9 =	vsub.f32 $1.500000000e+00, v9  }
0xae: {  	v36 =	vmul.f32 v11, v14;
	v12 =	vmul.f32 $3.000000000e+00, v35  }
0xaf: {  	v40 =	vld [tilespmem:$0x2C0];
	v9 =	vmul.f32 v9, v7  }
0xb0: {  	v18 =	vld [tilespmem:$0x4C0];
	v13 =	vmul.f32 v36, v11;
	v37 =	vmax.f32 v12, $1.000000000e-30  }
0xb1: {  	v39 =	vshra.s32 v37, $0x1;
	v8 =	vmul.f32 v9, v57;
	v9 =	vmul.f32 $5.000000000e-01, v37  }
0xb2: {  	v42 =	vld [tilespmem:$0x6C0];
	v13 =	vsub.f32 $1.500000000e+00, v13;
	v16 =	vsub.s32 $0x5F3759DF, v39  }
0xb3: {  	v7 =	vpop (erf);
	v41 =	vmul.f32 v16, v9  }
0xb4: {  	v44 =	vmul.f32 v40, v40;
	v38 =	vpop (erf);
	v8 =	vsub.f32 $0.0e+00, v8;
	v11 =	vmul.f32 v13, v11  }
0xb5: {  	v45 =	vmul.f32 v18, v18;
	v15 =	vadd.f32 $1.000000000e+00, v38;
	v13 =	vmul.f32 v16, v41  }
0xb6: {  	v8 =	vmul.f32 $1.442695020e+00, v8;
	v14 =	vmul.f32 v11, v14  }
0xb7: {  	(erf) = vrcp.f32 v15;
	v15 =	vmul.f32 v42, v42;
	v13 =	vsub.f32 $1.500000000e+00, v13  }
0xb8: {  	(erf) = vpow2.f32 v8;
	v43 =	vmul.f32 v14, v11;
	v14 =	vadd.f32 v45, v44  }
0xb9: {  	v13 =	vmul.f32 v16, v13  }
0xba: {  	v8 =	vsub.f32 $1.500000000e+00, v43;
	v14 =	vadd.f32 v15, v14  }
0xbb: {  	v50 =	vld [tilespmem:$0x2D0];
	v16 =	vmul.f32 v13, v9  }
0xbc: {  	v52 =	vld [tilespmem:$0x4D0];
	v11 =	vmul.f32 v8, v11;
	v47 =	vmul.f32 $3.000000000e+00, v14  }
0xbd: {  	v19 =	vld [tilespmem:$0x6D0];
	v46 =	vmul.f32 v16, v13  }
0xbe: {  	v10 =	vmul.f32 v11, v23;
	v49 =	vmax.f32 v47, $1.000000000e-30  }
0xbf: {  	v51 =	vshra.s32 v49, $0x1;
	v16 =	vmul.f32 $5.000000000e-01, v49;
	v15 =	vsub.f32 $1.500000000e+00, v46  }
0xc0: {  	v55 =	vmul.f32 v50, v50;
	v8 =	vpop (erf);
	v53 =	vsub.s32 $0x5F3759DF, v51  }
0xc1: {  	v10 =	vsub.f32 $0.0e+00, v10;
	v48 =	vpop (erf);
	v13 =	vmul.f32 v15, v13;
	v15 =	vmul.f32 v53, v16  }
0xc2: {  	v56 =	vmul.f32 v52, v52;
	v57 =	vmul.f32 v19, v19;
	v14 =	vadd.f32 $1.000000000e+00, v48  }
0xc3: {  	v10 =	vmul.f32 $1.442695020e+00, v10;
	v54 =	vmul.f32 v53, v15  }
0xc4: {  	(erf) = vrcp.f32 v14;
	v9 =	vmul.f32 v13, v9  }
0xc5: {  	v15 =	vadd.f32 v56, v55;
	(erf) = vpow2.f32 v10;
	v10 =	vsub.f32 $1.500000000e+00, v54;
	_ =	sdelay $0x1  }
0xc6: {  	v9 =	vmul.f32 v9, v13;
	v58 =	vadd.f32 v57, v15;
	v10 =	vmul.f32 v53, v10;
	_ =	sdelay $0x1  }
0xc7: {  	v20 =	vld [tilespmem:$0x4E0];
	v9 =	vsub.f32 $1.500000000e+00, v9;
	v60 =	vmul.f32 $3.000000000e+00, v58;
	v59 =	vmul.f32 v10, v16  }
0xc8: {  	v63 =	vld [tilespmem:$0x2E0]  }
0xc9: {  	v27 =	vld [tilespmem:$0x6E0];
	v13 =	vmul.f32 v9, v13;
	v62 =	vmax.f32 v60, $1.000000000e-30;
	v15 =	vmul.f32 v59, v10  }
0xca: {  	v24 =	vshra.s32 v62, $0x1;
	v17 =	vmul.f32 $5.000000000e-01, v62  }
0xcb: {  	v12 =	vmul.f32 v13, v12;
	v25 =	vsub.s32 $0x5F3759DF, v24;
	v15 =	vsub.f32 $1.500000000e+00, v15  }
0xcc: {  	v30 =	vmul.f32 v20, v20;
	v9 =	vpop (erf);
	v26 =	vmul.f32 v25, v17  }
0xcd: {  	v29 =	vmul.f32 v63, v63;
	v61 =	vpop (erf);
	v12 =	vsub.f32 $0.0e+00, v12;
	v10 =	vmul.f32 v15, v10  }
0xce: {  	v31 =	vmul.f32 v27, v27;
	v14 =	vadd.f32 $1.000000000e+00, v61;
	v15 =	vmul.f32 v25, v26  }
0xcf: {  	v12 =	vmul.f32 $1.442695020e+00, v12;
	v28 =	vmul.f32 v10, v16  }
0xd0: {  	(erf) = vrcp.f32 v14;
	v15 =	vsub.f32 $1.500000000e+00, v15;
	v16 =	vadd.f32 v30, v29  }
0xd1: {  	(erf) = vpow2.f32 v12;
	v12 =	vmul.f32 v28, v10  }
0xd2: {  	v14 =	vmul.f32 v25, v15;
	v32 =	vadd.f32 v31, v16  }
0xd3: {  	v12 =	vsub.f32 $1.500000000e+00, v12  }
0xd4: {  	v33 =	vmul.f32 v14, v17;
	v15 =	vmul.f32 $3.000000000e+00, v32  }
0xd5: {  	v21 =	vld [tilespmem:$0x4F0];
	v12 =	vmul.f32 v12, v10  }
0xd6: {  	v37 =	vld [tilespmem:$0x2F0];
	v16 =	vmul.f32 v33, v14;
	v34 =	vmax.f32 v15, $1.000000000e-30  }
0xd7: {  	v36 =	vshra.s32 v34, $0x1;
	v11 =	vmul.f32 v12, v47;
	v12 =	vmul.f32 $5.000000000e-01, v34  }
0xd8: {  	v39 =	vld [tilespmem:$0x6F0];
	v16 =	vsub.f32 $1.500000000e+00, v16;
	v19 =	vsub.s32 $0x5F3759DF, v36  }
0xd9: {  	v10 =	vpop (erf);
	v38 =	vmul.f32 v19, v12  }
0xda: {  	v42 =	vmul.f32 v21, v21;
	v35 =	vpop (erf);
	v11 =	vsub.f32 $0.0e+00, v11;
	v14 =	vmul.f32 v16, v14  }
0xdb: {  	v41 =	vmul.f32 v37, v37;
	v18 =	vadd.f32 $1.000000000e+00, v35;
	v16 =	vmul.f32 v19, v38  }
0xdc: {  	v11 =	vmul.f32 $1.442695020e+00, v11;
	v17 =	vmul.f32 v14, v17  }
0xdd: {  	(erf) = vrcp.f32 v18;
	v18 =	vmul.f32 v39, v39;
	v16 =	vsub.f32 $1.500000000e+00, v16  }
0xde: {  	(erf) = vpow2.f32 v11;
	v40 =	vmul.f32 v17, v14;
	v17 =	vadd.f32 v42, v41  }
0xdf: {  	v16 =	vmul.f32 v19, v16  }
0xe0: {  	v11 =	vsub.f32 $1.500000000e+00, v40;
	v17 =	vadd.f32 v18, v17  }
0xe1: {  	v22 =	vld [tilespmem:$0x700];
	v19 =	vmul.f32 v16, v12  }
0xe2: {  	v49 =	vld [tilespmem:$0x500];
	v14 =	vmul.f32 v11, v14;
	v44 =	vmul.f32 $3.000000000e+00, v17  }
0xe3: {  	v47 =	vld [tilespmem:$0x300];
	v43 =	vmul.f32 v19, v16  }
0xe4: {  	v13 =	vmul.f32 v14, v60;
	v46 =	vmax.f32 v44, $1.000000000e-30  }
0xe5: {  	v48 =	vshra.s32 v46, $0x1;
	v19 =	vmul.f32 $5.000000000e-01, v46;
	v18 =	vsub.f32 $1.500000000e+00, v43  }
0xe6: {  	v54 =	vmul.f32 v22, v22;
	v11 =	vpop (erf);
	v50 =	vsub.s32 $0x5F3759DF, v48  }
0xe7: {  	v13 =	vsub.f32 $0.0e+00, v13;
	v45 =	vpop (erf);
	v16 =	vmul.f32 v18, v16;
	v18 =	vmul.f32 v50, v19  }
0xe8: {  	v53 =	vmul.f32 v49, v49;
	v52 =	vmul.f32 v47, v47;
	v17 =	vadd.f32 $1.000000000e+00, v45  }
0xe9: {  	v13 =	vmul.f32 $1.442695020e+00, v13;
	v51 =	vmul.f32 v50, v18  }
0xea: {  	(erf) = vrcp.f32 v17;
	v12 =	vmul.f32 v16, v12  }
0xeb: {  	v18 =	vadd.f32 v53, v52;
	(erf) = vpow2.f32 v13;
	v13 =	vsub.f32 $1.500000000e+00, v51;
	_ =	sdelay $0x1  }
0xec: {  	v12 =	vmul.f32 v12, v16;
	v55 =	vadd.f32 v54, v18;
	v13 =	vmul.f32 v50, v13;
	_ =	sdelay $0x1  }
0xed: {  	v23 =	vld [tilespmem:$0x510];
	v12 =	vsub.f32 $1.500000000e+00, v12;
	v57 =	vmul.f32 $3.000000000e+00, v55;
	v56 =	vmul.f32 v13, v19  }
0xee: {  	v24 =	vld [tilespmem:$0x710]  }
0xef: {  	v60 =	vld [tilespmem:$0x310];
	v16 =	vmul.f32 v12, v16;
	v59 =	vmax.f32 v57, $1.000000000e-30;
	v18 =	vmul.f32 v56, v13  }
0xf0: {  	v61 =	vshra.s32 v59, $0x1;
	v20 =	vmul.f32 $5.000000000e-01, v59  }
0xf1: {  	v15 =	vmul.f32 v16, v15;
	v62 =	vsub.s32 $0x5F3759DF, v61;
	v18 =	vsub.f32 $1.500000000e+00, v18  }
0xf2: {  	v27 =	vmul.f32 v23, v23;
	v12 =	vpop (erf);
	v63 =	vmul.f32 v62, v20  }
0xf3: {  	v28 =	vmul.f32 v24, v24;
	v58 =	vpop (erf);
	v15 =	vsub.f32 $0.0e+00, v15;
	v13 =	vmul.f32 v18, v13  }
0xf4: {  	v26 =	vmul.f32 v60, v60;
	v17 =	vadd.f32 $1.000000000e+00, v58;
	v18 =	vmul.f32 v62, v63  }
0xf5: {  	v15 =	vmul.f32 $1.442695020e+00, v15;
	v25 =	vmul.f32 v13, v19  }
0xf6: {  	(erf) = vrcp.f32 v17;
	v18 =	vsub.f32 $1.500000000e+00, v18;
	v19 =	vadd.f32 v27, v26  }
0xf7: {  	(erf) = vpow2.f32 v15;
	v15 =	vmul.f32 v25, v13  }
0xf8: {  	v17 =	vmul.f32 v62, v18;
	v29 =	vadd.f32 v28, v19  }
0xf9: {  	v15 =	vsub.f32 $1.500000000e+00, v15  }
0xfa: {  	v30 =	vmul.f32 v17, v20;
	v18 =	vmul.f32 $3.000000000e+00, v29  }
0xfb: {  	v24 =	vld [tilespmem:$0x520];
	v15 =	vmul.f32 v15, v13  }
0xfc: {  	v34 =	vld [tilespmem:$0x320];
	v19 =	vmul.f32 v30, v17;
	v31 =	vmax.f32 v18, $1.000000000e-30  }
0xfd: {  	v33 =	vshra.s32 v31, $0x1;
	v14 =	vmul.f32 v15, v44;
	v15 =	vmul.f32 $5.000000000e-01, v31  }
0xfe: {  	v36 =	vld [tilespmem:$0x720];
	v19 =	vsub.f32 $1.500000000e+00, v19;
	v22 =	vsub.s32 $0x5F3759DF, v33  }
0xff: {  	v13 =	vpop (erf);
	v35 =	vmul.f32 v22, v15  }
0x100: {  	v39 =	vmul.f32 v24, v24;
	v32 =	vpop (erf);
	v14 =	vsub.f32 $0.0e+00, v14;
	v17 =	vmul.f32 v19, v17  }
0x101: {  	v38 =	vmul.f32 v34, v34;
	v21 =	vadd.f32 $1.000000000e+00, v32;
	v19 =	vmul.f32 v22, v35  }
0x102: {  	v14 =	vmul.f32 $1.442695020e+00, v14;
	v20 =	vmul.f32 v17, v20  }
0x103: {  	(erf) = vrcp.f32 v21;
	v21 =	vmul.f32 v36, v36;
	v19 =	vsub.f32 $1.500000000e+00, v19  }
0x104: {  	(erf) = vpow2.f32 v14;
	v37 =	vmul.f32 v20, v17;
	v20 =	vadd.f32 v39, v38  }
0x105: {  	v19 =	vmul.f32 v22, v19  }
0x106: {  	v14 =	vsub.f32 $1.500000000e+00, v37;
	v20 =	vadd.f32 v21, v20  }
0x107: {  	v46 =	vld [tilespmem:$0x530];
	v22 =	vmul.f32 v19, v15  }
0x108: {  	v25 =	vld [tilespmem:$0x730];
	v17 =	vmul.f32 v14, v17;
	v41 =	vmul.f32 $3.000000000e+00, v20  }
0x109: {  	v44 =	vld [tilespmem:$0x330];
	v40 =	vmul.f32 v22, v19  }
0x10a: {  	v16 =	vmul.f32 v17, v57;
	v43 =	vmax.f32 v41, $1.000000000e-30  }
0x10b: {  	v45 =	vshra.s32 v43, $0x1;
	v22 =	vmul.f32 $5.000000000e-01, v43;
	v21 =	vsub.f32 $1.500000000e+00, v40  }
0x10c: {  	v50 =	vmul.f32 v46, v46;
	v14 =	vpop (erf);
	v47 =	vsub.s32 $0x5F3759DF, v45  }
0x10d: {  	v16 =	vsub.f32 $0.0e+00, v16;
	v42 =	vpop (erf);
	v19 =	vmul.f32 v21, v19;
	v21 =	vmul.f32 v47, v22  }
0x10e: {  	v51 =	vmul.f32 v25, v25;
	v49 =	vmul.f32 v44, v44;
	v20 =	vadd.f32 $1.000000000e+00, v42  }
0x10f: {  	v16 =	vmul.f32 $1.442695020e+00, v16;
	v48 =	vmul.f32 v47, v21  }
0x110: {  	(erf) = vrcp.f32 v20;
	v15 =	vmul.f32 v19, v15  }
0x111: {  	v21 =	vadd.f32 v50, v49;
	(erf) = vpow2.f32 v16;
	v16 =	vsub.f32 $1.500000000e+00, v48;
	_ =	sdelay $0x1  }
0x112: {  	v15 =	vmul.f32 v15, v19;
	v52 =	vadd.f32 v51, v21;
	v16 =	vmul.f32 v47, v16;
	_ =	sdelay $0x1  }
0x113: {  	v61 =	vld [tilespmem:$0x740];
	v15 =	vsub.f32 $1.500000000e+00, v15;
	v54 =	vmul.f32 $3.000000000e+00, v52;
	v53 =	vmul.f32 v16, v22  }
0x114: {  	v26 =	vld [tilespmem:$0x540]  }
0x115: {  	v57 =	vld [tilespmem:$0x340];
	v19 =	vmul.f32 v15, v19;
	v56 =	vmax.f32 v54, $1.000000000e-30;
	v21 =	vmul.f32 v53, v16  }
0x116: {  	v58 =	vshra.s32 v56, $0x1;
	v23 =	vmul.f32 $5.000000000e-01, v56  }
0x117: {  	v18 =	vmul.f32 v19, v18;
	v59 =	vsub.s32 $0x5F3759DF, v58;
	v21 =	vsub.f32 $1.500000000e+00, v21  }
0x118: {  	v29 =	vmul.f32 v61, v61;
	v15 =	vpop (erf);
	v60 =	vmul.f32 v59, v23  }
0x119: {  	v28 =	vmul.f32 v26, v26;
	v55 =	vpop (erf);
	v18 =	vsub.f32 $0.0e+00, v18;
	v16 =	vmul.f32 v21, v16  }
0x11a: {  	v63 =	vmul.f32 v57, v57;
	v20 =	vadd.f32 $1.000000000e+00, v55;
	v21 =	vmul.f32 v59, v60  }
0x11b: {  	v18 =	vmul.f32 $1.442695020e+00, v18;
	v62 =	vmul.f32 v16, v22  }
0x11c: {  	(erf) = vrcp.f32 v20;
	v21 =	vsub.f32 $1.500000000e+00, v21;
	v22 =	vadd.f32 v28, v63  }
0x11d: {  	(erf) = vpow2.f32 v18;
	v18 =	vmul.f32 v62, v16  }
0x11e: {  	v20 =	vmul.f32 v59, v21;
	v30 =	vadd.f32 v29, v22  }
0x11f: {  	v18 =	vsub.f32 $1.500000000e+00, v18  }
0x120: {  	v31 =	vmul.f32 v20, v23;
	v21 =	vmul.f32 $3.000000000e+00, v30  }
0x121: {  	v35 =	vld [tilespmem:$0x350];
	v18 =	vmul.f32 v18, v16  }
0x122: {  	v27 =	vld [tilespmem:$0x550];
	v22 =	vmul.f32 v31, v20;
	v32 =	vmax.f32 v21, $1.000000000e-30  }
0x123: {  	v34 =	vshra.s32 v32, $0x1;
	v17 =	vmul.f32 v18, v41;
	v18 =	vmul.f32 $5.000000000e-01, v32  }
0x124: {  	v37 =	vld [tilespmem:$0x750];
	v22 =	vsub.f32 $1.500000000e+00, v22;
	v25 =	vsub.s32 $0x5F3759DF, v34  }
0x125: {  	v16 =	vpop (erf);
	v36 =	vmul.f32 v25, v18  }
0x126: {  	v39 =	vmul.f32 v35, v35;
	v33 =	vpop (erf);
	v17 =	vsub.f32 $0.0e+00, v17;
	v20 =	vmul.f32 v22, v20  }
0x127: {  	v40 =	vmul.f32 v27, v27;
	v24 =	vadd.f32 $1.000000000e+00, v33;
	v22 =	vmul.f32 v25, v36  }
0x128: {  	v17 =	vmul.f32 $1.442695020e+00, v17;
	v23 =	vmul.f32 v20, v23  }
0x129: {  	(erf) = vrcp.f32 v24;
	v24 =	vmul.f32 v37, v37;
	v22 =	vsub.f32 $1.500000000e+00, v22  }
0x12a: {  	(erf) = vpow2.f32 v17;
	v38 =	vmul.f32 v23, v20;
	v23 =	vadd.f32 v40, v39  }
0x12b: {  	v22 =	vmul.f32 v25, v22  }
0x12c: {  	v17 =	vsub.f32 $1.500000000e+00, v38;
	v23 =	vadd.f32 v24, v23  }
0x12d: {  	v45 =	vld [tilespmem:$0x360];
	v25 =	vmul.f32 v22, v18  }
0x12e: {  	v47 =	vld [tilespmem:$0x560];
	v20 =	vmul.f32 v17, v20;
	v42 =	vmul.f32 $3.000000000e+00, v23  }
0x12f: {  	v28 =	vld [tilespmem:$0x760];
	v41 =	vmul.f32 v25, v22  }
0x130: {  	v19 =	vmul.f32 v20, v54;
	v44 =	vmax.f32 v42, $1.000000000e-30  }
0x131: {  	v46 =	vshra.s32 v44, $0x1;
	v25 =	vmul.f32 $5.000000000e-01, v44;
	v24 =	vsub.f32 $1.500000000e+00, v41  }
0x132: {  	v50 =	vmul.f32 v45, v45;
	v17 =	vpop (erf);
	v48 =	vsub.s32 $0x5F3759DF, v46  }
0x133: {  	v19 =	vsub.f32 $0.0e+00, v19;
	v43 =	vpop (erf);
	v22 =	vmul.f32 v24, v22;
	v24 =	vmul.f32 v48, v25  }
0x134: {  	v51 =	vmul.f32 v47, v47;
	v52 =	vmul.f32 v28, v28;
	v23 =	vadd.f32 $1.000000000e+00, v43  }
0x135: {  	v19 =	vmul.f32 $1.442695020e+00, v19;
	v49 =	vmul.f32 v48, v24  }
0x136: {  	(erf) = vrcp.f32 v23;
	v18 =	vmul.f32 v22, v18  }
0x137: {  	v24 =	vadd.f32 v51, v50;
	(erf) = vpow2.f32 v19;
	v19 =	vsub.f32 $1.500000000e+00, v49;
	_ =	sdelay $0x1  }
0x138: {  	v18 =	vmul.f32 v18, v22;
	v53 =	vadd.f32 v52, v24;
	v19 =	vmul.f32 v48, v19;
	_ =	sdelay $0x1  }
0x139: {  	v58 =	vld [tilespmem:$0x370];
	v18 =	vsub.f32 $1.500000000e+00, v18;
	v55 =	vmul.f32 $3.000000000e+00, v53;
	v54 =	vmul.f32 v19, v25  }
0x13a: {  	v29 =	vld [tilespmem:$0x570]  }
0x13b: {  	v62 =	vld [tilespmem:$0x770];
	v22 =	vmul.f32 v18, v22;
	v57 =	vmax.f32 v55, $1.000000000e-30;
	v24 =	vmul.f32 v54, v19  }
0x13c: {  	v59 =	vshra.s32 v57, $0x1;
	v26 =	vmul.f32 $5.000000000e-01, v57  }
0x13d: {  	v21 =	vmul.f32 v22, v21;
	v60 =	vsub.s32 $0x5F3759DF, v59;
	v24 =	vsub.f32 $1.500000000e+00, v24  }
0x13e: {  	v30 =	vmul.f32 v58, v58;
	v18 =	vpop (erf);
	v61 =	vmul.f32 v60, v26  }
0x13f: {  	v31 =	vmul.f32 v29, v29;
	v56 =	vpop (erf);
	v21 =	vsub.f32 $0.0e+00, v21;
	v19 =	vmul.f32 v24, v19  }
0x140: {  	v32 =	vmul.f32 v62, v62;
	v23 =	vadd.f32 $1.000000000e+00, v56;
	v24 =	vmul.f32 v60, v61  }
0x141: {  	v21 =	vmul.f32 $1.442695020e+00, v21;
	v63 =	vmul.f32 v19, v25  }
0x142: {  	(erf) = vrcp.f32 v23;
	v24 =	vsub.f32 $1.500000000e+00, v24;
	v25 =	vadd.f32 v31, v30  }
0x143: {  	(erf) = vpow2.f32 v21;
	v21 =	vmul.f32 v63, v19  }
0x144: {  	v23 =	vmul.f32 v60, v24;
	v33 =	vadd.f32 v32, v25  }
0x145: {  	v21 =	vsub.f32 $1.500000000e+00, v21  }
0x146: {  	v34 =	vmul.f32 v23, v26;
	v24 =	vmul.f32 $3.000000000e+00, v33  }
0x147: {  	v30 =	vld [tilespmem:$0x580];
	v21 =	vmul.f32 v21, v19  }
0x148: {  	v38 =	vld [tilespmem:$0x380];
	v25 =	vmul.f32 v34, v23;
	v35 =	vmax.f32 v24, $1.000000000e-30  }
0x149: {  	v37 =	vshra.s32 v35, $0x1;
	v20 =	vmul.f32 v21, v42;
	v21 =	vmul.f32 $5.000000000e-01, v35  }
0x14a: {  	v40 =	vld [tilespmem:$0x780];
	v25 =	vsub.f32 $1.500000000e+00, v25;
	v28 =	vsub.s32 $0x5F3759DF, v37  }
0x14b: {  	v19 =	vpop (erf);
	v39 =	vmul.f32 v28, v21  }
0x14c: {  	v43 =	vmul.f32 v30, v30;
	v36 =	vpop (erf);
	v20 =	vsub.f32 $0.0e+00, v20;
	v23 =	vmul.f32 v25, v23  }
0x14d: {  	v42 =	vmul.f32 v38, v38;
	v27 =	vadd.f32 $1.000000000e+00, v36;
	v25 =	vmul.f32 v28, v39  }
0x14e: {  	v20 =	vmul.f32 $1.442695020e+00, v20;
	v26 =	vmul.f32 v23, v26  }
0x14f: {  	(erf) = vrcp.f32 v27;
	v27 =	vmul.f32 v40, v40;
	v25 =	vsub.f32 $1.500000000e+00, v25  }
0x150: {  	(erf) = vpow2.f32 v20;
	v41 =	vmul.f32 v26, v23;
	v26 =	vadd.f32 v43, v42  }
0x151: {  	v25 =	vmul.f32 v28, v25  }
0x152: {  	v20 =	vsub.f32 $1.500000000e+00, v41;
	v26 =	vadd.f32 v27, v26  }
0x153: {  	v50 =	vld [tilespmem:$0x590];
	v28 =	vmul.f32 v25, v21  }
0x154: {  	v48 =	vld [tilespmem:$0x390];
	v23 =	vmul.f32 v20, v23;
	v45 =	vmul.f32 $3.000000000e+00, v26  }
0x155: {  	v31 =	vld [tilespmem:$0x790];
	v44 =	vmul.f32 v28, v25  }
0x156: {  	v22 =	vmul.f32 v23, v55;
	v47 =	vmax.f32 v45, $1.000000000e-30  }
0x157: {  	v49 =	vshra.s32 v47, $0x1;
	v28 =	vmul.f32 $5.000000000e-01, v47;
	v27 =	vsub.f32 $1.500000000e+00, v44  }
0x158: {  	v54 =	vmul.f32 v50, v50;
	v20 =	vpop (erf);
	v51 =	vsub.s32 $0x5F3759DF, v49  }
0x159: {  	v22 =	vsub.f32 $0.0e+00, v22;
	v46 =	vpop (erf);
	v25 =	vmul.f32 v27, v25;
	v27 =	vmul.f32 v51, v28  }
0x15a: {  	v53 =	vmul.f32 v48, v48;
	v55 =	vmul.f32 v31, v31;
	v26 =	vadd.f32 $1.000000000e+00, v46  }
0x15b: {  	v22 =	vmul.f32 $1.442695020e+00, v22;
	v52 =	vmul.f32 v51, v27  }
0x15c: {  	(erf) = vrcp.f32 v26;
	v21 =	vmul.f32 v25, v21;
	v27 =	vadd.f32 v54, v53  }
0x15d: {  	(erf) = vpow2.f32 v22;
	v22 =	vsub.f32 $1.500000000e+00, v52  }
0x15e: {  	v21 =	vmul.f32 v21, v25;
	v56 =	vadd.f32 v55, v27  }
0x15f: {  	v22 =	vmul.f32 v51, v22  }
0x160: {  	v21 =	vsub.f32 $1.500000000e+00, v21;
	v58 =	vmul.f32 $3.000000000e+00, v56  }
0x161: {  	v32 =	vld [tilespmem:$0x5A0];
	v57 =	vmul.f32 v22, v28  }
0x162: {  	v25 =	vmul.f32 v21, v25;
	v60 =	vmax.f32 v58, $1.000000000e-30  }
0x163: {  	v61 =	vld [tilespmem:$0x3A0];
	v62 =	vshra.s32 v60, $0x1;
	v29 =	vmul.f32 $5.000000000e-01, v60;
	v27 =	vmul.f32 v57, v22  }
0x164: {  	v24 =	vmul.f32 v25, v24;
	v63 =	vsub.s32 $0x5F3759DF, v62  }
0x165: {  	v34 =	vld [tilespmem:$0x7A0];
	v21 =	vpop (erf);
	v33 =	vmul.f32 v63, v29;
	v27 =	vsub.f32 $1.500000000e+00, v27  }
0x166: {  	v37 =	vmul.f32 v32, v32;
	v59 =	vpop (erf);
	v24 =	vsub.f32 $0.0e+00, v24  }
0x167: {  	v26 =	vadd.f32 $1.000000000e+00, v59;
	v22 =	vmul.f32 v27, v22;
	v27 =	vmul.f32 v63, v33  }
0x168: {  	v36 =	vmul.f32 v61, v61;
	v24 =	vmul.f32 $1.442695020e+00, v24  }
0x169: {  	(erf) = vrcp.f32 v26;
	v35 =	vmul.f32 v22, v28;
	v27 =	vsub.f32 $1.500000000e+00, v27  }
0x16a: {  	v38 =	vmul.f32 v34, v34;
	(erf) = vpow2.f32 v24;
	v28 =	vadd.f32 v37, v36  }
0x16b: {  	v24 =	vmul.f32 v35, v22;
	v26 =	vmul.f32 v63, v27  }
0x16c: {  	v39 =	vadd.f32 v38, v28  }
0x16d: {  	v42 =	vld [tilespmem:$0x3B0];
	v24 =	vsub.f32 $1.500000000e+00, v24;
	v40 =	vmul.f32 v26, v29  }
0x16e: {  	v27 =	vmul.f32 $3.000000000e+00, v39  }
0x16f: {  	v33 =	vld [tilespmem:$0x5B0];
	v24 =	vmul.f32 v24, v22;
	v28 =	vmul.f32 v40, v26;
	_ =	sdelay $0x1  }
0x170: {  	v41 =	vmax.f32 v27, $1.000000000e-30;
	v23 =	vmul.f32 v24, v45;
	v28 =	vsub.f32 $1.500000000e+00, v28  }
0x171: {  	v30 =	vmul.f32 v42, v42;
	v44 =	vshra.s32 v41, $0x1;
	v22 =	vpop (erf);
	v24 =	vmul.f32 $5.000000000e-01, v41  }
0x172: {  	v32 =	vsub.s32 $0x5F3759DF, v44;
	v43 =	vpop (erf);
	v23 =	vsub.f32 $0.0e+00, v23;
	v26 =	vmul.f32 v28, v26  }
0x173: {  	v34 =	vld [tilespmem:$0x7B0];
	v46 =	vmul.f32 v33, v33;
	v31 =	vadd.f32 $1.000000000e+00, v43;
	v45 =	vmul.f32 v32, v24  }
0x174: {  	v23 =	vmul.f32 $1.442695020e+00, v23;
	v29 =	vmul.f32 v26, v29  }
0x175: {  	(erf) = vrcp.f32 v31;
	v28 =	vmul.f32 v32, v45  }
0x176: {  	(erf) = vpow2.f32 v23;
	v47 =	vmul.f32 v29, v26  }
0x177: {  	v28 =	vsub.f32 $1.500000000e+00, v28  }
0x178: {  	v49 =	vmul.f32 v34, v34;
	v48 =	vadd.f32 v46, v30;
	v23 =	vsub.f32 $1.500000000e+00, v47  }
0x179: {  	v28 =	vmul.f32 v32, v28  }
0x17a: {  	v29 =	vadd.f32 v49, v48;
	v23 =	vmul.f32 v23, v26  }
0x17b: {  	v50 =	vmul.f32 v28, v24  }
0x17c: {  	v29 =	vmul.f32 $3.000000000e+00, v29  }
0x17d: {  	v25 =	vmul.f32 v23, v58;
	v26 =	vmul.f32 v50, v28  }
0x17e: {  	v23 =	vpop (erf)  }
0x17f: {  	v51 =	vmax.f32 v29, $1.000000000e-30;
	v25 =	vsub.f32 $0.0e+00, v25;
	v26 =	vsub.f32 $1.500000000e+00, v26;
	v53 =	vpop (erf)  }
0x180: {  	v55 =	vld [tilespmem:$0x3C0];
	v52 =	vshra.s32 v51, $0x1;
	v30 =	vmul.f32 $5.000000000e-01, v51;
	v32 =	vadd.f32 $1.000000000e+00, v53  }
0x181: {  	v57 =	vld [tilespmem:$0x5C0];
	v31 =	vsub.s32 $0x5F3759DF, v52;
	v25 =	vmul.f32 $1.442695020e+00, v25;
	v26 =	vmul.f32 v26, v28  }
0x182: {  	v54 =	vmul.f32 v31, v30;
	(erf) = vrcp.f32 v32  }
0x183: {  	v59 =	vld [tilespmem:$0x7C0];
	v24 =	vmul.f32 v26, v24;
	(erf) = vpow2.f32 v25;
	_ =	sdelay $0x1  }
0x184: {  	v56 =	vmul.f32 v31, v54;
	v24 =	vmul.f32 v24, v26  }
0x185: {  	v60 =	vmul.f32 v57, v57;
	v28 =	vmul.f32 v55, v55  }
0x186: {  	v58 =	vsub.f32 $1.500000000e+00, v56;
	v24 =	vsub.f32 $1.500000000e+00, v24  }
0x187: {  	v62 =	vmul.f32 v59, v59;
	v28 =	vadd.f32 v60, v28  }
0x188: {  	v25 =	vmul.f32 v31, v58  }
0x189: {  	v35 =	vadd.f32 v62, v28;
	v26 =	vmul.f32 v24, v26  }
0x18a: {  	v61 =	vmul.f32 v25, v30;
	v24 =	vpop (erf)  }
0x18b: {  	v38 =	vld [tilespmem:$0x3D0];
	v26 =	vmul.f32 v26, v27;
	v27 =	vmul.f32 $3.000000000e+00, v35;
	v36 =	vpop (erf)  }
0x18c: {  	v39 =	vld [tilespmem:$0x5D0];
	v28 =	vadd.f32 $1.000000000e+00, v36  }
0x18d: {  	v63 =	vmul.f32 v61, v25;
	v40 =	vmax.f32 v27, $1.000000000e-30  }
0x18e: {  	v42 =	vld [tilespmem:$0x7D0];
	v41 =	vshra.s32 v40, $0x1;
	(erf) = vrcp.f32 v28;
	v28 =	vmul.f32 $5.000000000e-01, v40  }
0x18f: {  	v37 =	vsub.f32 $1.500000000e+00, v63;
	v43 =	vsub.s32 $0x5F3759DF, v41  }
0x190: {  	v32 =	vmul.f32 v38, v38;
	v26 =	vsub.f32 $0.0e+00, v26;
	v33 =	vmul.f32 v43, v28  }
0x191: {  	v31 =	vmul.f32 v39, v39;
	v25 =	vmul.f32 v37, v25  }
0x192: {  	v26 =	vmul.f32 $1.442695020e+00, v26;
	v33 =	vmul.f32 v43, v33  }
0x193: {  	v44 =	vmul.f32 v42, v42;
	v30 =	vmul.f32 v25, v30  }
0x194: {  	v31 =	vadd.f32 v31, v32;
	(erf) = vpow2.f32 v26;
	v33 =	vsub.f32 $1.500000000e+00, v33  }
0x195: {  	v30 =	vmul.f32 v30, v25  }
0x196: {  	v31 =	vadd.f32 v44, v31;
	v26 =	vmul.f32 v43, v33  }
0x197: {  	v49 =	vld [tilespmem:$0x3E0];
	v30 =	vsub.f32 $1.500000000e+00, v30  }
0x198: {  	v45 =	vmul.f32 $3.000000000e+00, v31;
	v37 =	vld [tilespmem:$0x7E0];
	v47 =	vmul.f32 v26, v28  }
0x199: {  	v36 =	vld [tilespmem:$0x5E0];
	v30 =	vmul.f32 v30, v25  }
0x19a: {  	v48 =	vmax.f32 v45, $1.000000000e-30;
	v32 =	vmul.f32 v47, v26  }
0x19b: {  	v35 =	vshra.s32 v48, $0x1;
	v29 =	vmul.f32 v30, v29;
	v33 =	vmul.f32 $5.000000000e-01, v48  }
0x19c: {  	v53 =	vmul.f32 v49, v49;
	v35 =	vsub.s32 $0x5F3759DF, v35;
	v25 =	vpop (erf);
	v50 =	vsub.f32 $1.500000000e+00, v32  }
0x19d: {  	v55 =	vmul.f32 v37, v37;
	v29 =	vsub.f32 $0.0e+00, v29;
	v46 =	vpop (erf);
	v51 =	vmul.f32 v35, v33  }
0x19e: {  	v54 =	vmul.f32 v36, v36;
	v31 =	vadd.f32 $1.000000000e+00, v46;
	v26 =	vmul.f32 v50, v26  }
0x19f: {  	v29 =	vmul.f32 $1.442695020e+00, v29;
	v52 =	vmul.f32 v35, v51  }
0x1a0: {  	(erf) = vrcp.f32 v31;
	v28 =	vmul.f32 v26, v28  }
0x1a1: {  	v31 =	vadd.f32 v54, v53;
	(erf) = vpow2.f32 v29;
	v29 =	vsub.f32 $1.500000000e+00, v52  }
0x1a2: {  	v28 =	vmul.f32 v28, v26  }
0x1a3: {  	v31 =	vadd.f32 v55, v31;
	v29 =	vmul.f32 v35, v29  }
0x1a4: {  	v39 =	vld [tilespmem:$0x7F0];
	v28 =	vsub.f32 $1.500000000e+00, v28  }
0x1a5: {  	v61 =	vld [tilespmem:$0x5F0];
	v31 =	vmul.f32 $3.000000000e+00, v31;
	v56 =	vmul.f32 v29, v33  }
0x1a6: {  	v58 =	vld [tilespmem:$0x3F0];
	v26 =	vmul.f32 v28, v26  }
0x1a7: {  	v57 =	vmax.f32 v31, $1.000000000e-30;
	v32 =	vmul.f32 v56, v29  }
0x1a8: {  	v60 =	vshra.s32 v57, $0x1;
	v34 =	vmul.f32 $5.000000000e-01, v57;
	v26 =	vmul.f32 v26, v27  }
0x1a9: {  	v39 =	vmul.f32 v39, v39;
	v32 =	vsub.f32 $1.500000000e+00, v32;
	v28 =	vpop (erf);
	v27 =	vsub.s32 $0x5F3759DF, v60  }
0x1aa: {  	v63 =	vmul.f32 v61, v61;
	v59 =	vpop (erf);
	v38 =	vmul.f32 v27, v34;
	v26 =	vsub.f32 $0.0e+00, v26  }
0x1ab: {  	v35 =	vmul.f32 v58, v58;
	v29 =	vmul.f32 v32, v29;
	v36 =	vadd.f32 $1.000000000e+00, v59  }
0x1ac: {  	v62 =	vmul.f32 v27, v38;
	v26 =	vmul.f32 $1.442695020e+00, v26  }
0x1ad: {  	v37 =	vmul.f32 v29, v33;
	(erf) = vrcp.f32 v36  }
0x1ae: {  	v38 =	vadd.f32 v63, v35;
	v32 =	vsub.f32 $1.500000000e+00, v62;
	(erf) = vpow2.f32 v26  }
0x1af: {  	v26 =	vmul.f32 v37, v29  }
0x1b0: {  	v40 =	vadd.f32 v39, v38;
	v27 =	vmul.f32 v27, v32  }
0x1b1: {  	v26 =	vsub.f32 $1.500000000e+00, v26  }
0x1b2: {  	v32 =	vmul.f32 $3.000000000e+00, v40;
	v41 =	vmul.f32 v27, v34  }
0x1b3: {  	v26 =	vmul.f32 v26, v29  }
0x1b4: {  	v43 =	vmax.f32 v32, $1.000000000e-30;
	v42 =	vmul.f32 v41, v27  }
0x1b5: {  	v44 =	vshra.s32 v43, $0x1;
	v33 =	vmul.f32 $5.000000000e-01, v43;
	v26 =	vmul.f32 v26, v45  }
0x1b6: {  	v30 =	vsub.s32 $0x5F3759DF, v44;
	v45 =	vpop (erf);
	v29 =	vsub.f32 $1.500000000e+00, v42  }
0x1b7: {  	v47 =	vmul.f32 v30, v33;
	v26 =	vsub.f32 $0.0e+00, v26;
	v46 =	vpop (erf)  }
0x1b8: {  	v27 =	vmul.f32 v29, v27;
	v48 =	vadd.f32 $1.000000000e+00, v46  }
0x1b9: {  	v49 =	vmul.f32 v30, v47;
	v26 =	vmul.f32 $1.442695020e+00, v26  }
0x1ba: {  	v50 =	vmul.f32 v27, v34;
	(erf) = vrcp.f32 v48  }
0x1bb: {  	v51 =	vsub.f32 $1.500000000e+00, v49;
	(erf) = vpow2.f32 v26  }
0x1bc: {  	v29 =	vmul.f32 v50, v27  }
0x1bd: {  	v26 =	vmul.f32 v30, v51  }
0x1be: {  	v29 =	vsub.f32 $1.500000000e+00, v29  }
0x1bf: {  	v30 =	vmul.f32 v26, v33  }
0x1c0: {  	v27 =	vmul.f32 v29, v27  }
0x1c1: {  	v52 =	vmul.f32 v30, v26  }
0x1c2: {  	v27 =	vmul.f32 v27, v31  }
0x1c3: {  	v29 =	vsub.f32 $1.500000000e+00, v52;
	v53 =	vpop (erf)  }
0x1c4: {  	v27 =	vsub.f32 $0.0e+00, v27;
	v54 =	vpop (erf)  }
0x1c5: {  	v26 =	vmul.f32 v29, v26;
	v55 =	vadd.f32 $1.000000000e+00, v54  }
0x1c6: {  	v27 =	vmul.f32 $1.442695020e+00, v27  }
0x1c7: {  	v56 =	vmul.f32 v26, v33;
	(erf) = vrcp.f32 v55  }
0x1c8: {  	(erf) = vpow2.f32 v27  }
0x1c9: {  	v57 =	vmul.f32 v56, v26;
	_ =	sdelay $0x1  }
0x1ca: {  	v27 =	vsub.f32 $1.500000000e+00, v57  }
0x1cb: {  	[tilespmem:$0x800] =	vst v0  }
0x1cc: {  	[tilespmem:$0x810] =	vst v1;
	v58 =	vmul.f32 v27, v26  }
0x1cd: {  	[tilespmem:$0x820] =	vst v2  }
0x1ce: {  	[tilespmem:$0x830] =	vst v3;
	v0 =	vmul.f32 v58, v32  }
0x1cf: {  	[tilespmem:$0x840] =	vst v4;
	v59 =	vpop (erf)  }
0x1d0: {  	[tilespmem:$0x850] =	vst v5;
	v0 =	vsub.f32 $0.0e+00, v0;
	v60 =	vpop (erf)  }
0x1d1: {  	[tilespmem:$0x860] =	vst v6;
	v2 =	vadd.f32 $1.000000000e+00, v60  }
0x1d2: {  	[tilespmem:$0x870] =	vst v7;
	v0 =	vmul.f32 $1.442695020e+00, v0  }
0x1d3: {  	[tilespmem:$0x880] =	vst v8;
	(erf) = vrcp.f32 v2  }
0x1d4: {  	[tilespmem:$0x890] =	vst v9;
	(erf) = vpow2.f32 v0  }
0x1d5: {  	[tilespmem:$0x8A0] =	vst v10  }
0x1d6: {  	[tilespmem:$0x8B0] =	vst v11  }
0x1d7: {  	[tilespmem:$0x8C0] =	vst v12  }
0x1d8: {  	[tilespmem:$0x8D0] =	vst v13  }
0x1d9: {  	[tilespmem:$0x8E0] =	vst v14  }
0x1da: {  	[tilespmem:$0x8F0] =	vst v15  }
0x1db: {  	[tilespmem:$0x900] =	vst v16  }
0x1dc: {  	[tilespmem:$0x910] =	vst v17;
	v61 =	vpop (erf)  }
0x1dd: {  	[tilespmem:$0x920] =	vst v18;
	v62 =	vpop (erf)  }
0x1de: {  	[tilespmem:$0x930] =	vst v19;
	v2 =	vadd.f32 $1.000000000e+00, v62  }
0x1df: {  	[tilespmem:$0x940] =	vst v20  }
0x1e0: {  	[tilespmem:$0x950] =	vst v21;
	(erf) = vrcp.f32 v2  }
0x1e1: {  	[tilespmem:$0x960] =	vst v22  }
0x1e2: {  	[tilespmem:$0x970] =	vst v23  }
0x1e3: {  	[tilespmem:$0x980] =	vst v24  }
0x1e4: {  	[tilespmem:$0x990] =	vst v25  }
0x1e5: {  	[tilespmem:$0x9A0] =	vst v28  }
0x1e6: {  	[tilespmem:$0x9B0] =	vst v45  }
0x1e7: {  	[tilespmem:$0x9C0] =	vst v53  }
0x1e8: {  	[tilespmem:$0x9D0] =	vst v59  }
0x1e9: {  	p0 =	sne.s32 s8, $0x1;
	[tilespmem:$0x9E0] =	vst v61;
	v63 =	vpop (erf)  }
.Ltmp0:
0x1ea: {  	[tilespmem:$0x9F0] =	vst v63;
	(pc) =	sbr.rel @p0 .LBB2_1-.Ltmp0, $4  }
0x1eb: {  	[hbm4b:s7+s2] =	stream.linear.scatter [tilespmem:s14], [sflag:$0x2], $0x200, $0x38;
	[tilespmem:$0xA00] =	vst v63  }
0x1ec: {  	_ =	swait.ge [sflag:s9], $0x200  }
0x1ed: {  	[sflag:s9] =	ssyncset.done $0x0  }
0x1ee: {  	s8 =	sadd.s32 $0xFFFFFFFF, s8;
	[sflag:s9] =	ssyncadd.s32 $0xFFFFFE00  }
0x1ef: {  	_ =	sfence.sel $0x180000  }
0x1f0: {  	[bflag:$0x0] =	sbarrier.arrive $0xFFFF  }
0x1f1: {  	p0 =	sne.s32 s3, $0x0;
	_ =	strace $0x90000047  }
0x1f2: {  	s0 =	sadd.s32 @!p0 $0x100000, s0;
	[bflag:$0x2] =	sbarrier.arrive $0xFFFF  }
0x1f3: {  	[sflag:s0] =	ssyncadd.tile.s32 @!p0 $0x1;
	_ =	shalt  }
.Lfunc_end2:
_tile_overlayer_lowered:
.L_overlay_start_2:
0x1f4: {  	(tag) =	ssettag $0x2  }
0x1f5: {  	s0 =	rddreg [dreg:$0x0];
	s2 =	stileid.u32  }
0x1f6: {  	s1 =	rddreg [dreg:$0x1];
	p0 =	sne.s32 s2, $0x0  }
0x1f7: {  	s3 =	rddreg [dreg:$0x2];
	[bflag:$0x3] =	sbarrier.arrive $0xFFFF;
	s2 =	simm.s32 @!p0 $0x1C02  }
0x1f8: {  	[timem:s3], [sflag:s2] =	dma.local @!p0 [hbm:s0], s1  }
0x1f9: {  	s0 =	simm.s32 @!p0 $0x2  }
0x1fa: {  	_ =	swait.ge @!p0 [sflag:s0], s1  }
0x1fb: {  	s1 =	ssub.s32 @!p0 $0x0, s1;
	[sflag:s0] =	ssyncset.done @!p0 $0x0  }
0x1fc: {  	[sflag:s0] =	ssyncadd.s32 @!p0 s1  }
0x1fd: {  	[bflag:$0x3] =	sbarrier.arrive $0xFFFF  }
0x1fe: {  	_ =	shalt  }

</sc_bundles>
